<compile_context>
chip_gen: v7x
topology: tpu7x:2x2x1
jax: 0.10.2.dev20260603
libtpu: 0.0.44.dev20260713+nightly
codegen_flags: <defaults>
</compile_context>

<pallas_src>
import functools

import jax
import jax.numpy as jnp
from jax import lax
from jax.experimental import pallas as pl
from jax.experimental.pallas import tpu as pltpu
from jax.experimental.pallas import tpu_sc as plsc

NC = 2
NS = 16
NW = NC * NS

L = 16
IDXW = 128
GPC = 4
CHUNK = IDXW * GPC
NBUF = 2

TB = 128
DR = 72

_TC_TILED = pltpu.CompilerParams(
    use_tc_tiling_on_sc=True, needs_layout_passes=False
)


def _tpose_body(tt_hbm, tpad_hbm, in_v, out_v, sem_i, sem_o):
    d, v = tt_hbm.shape
    n_blocks = v // TB
    wid = lax.axis_index("s") * NC + lax.axis_index("c")
    per_w = n_blocks // NW
    extra = n_blocks - per_w * NW
    blk0 = wid * per_w
    n_grp = per_w // NBUF

    iotas = [(lax.broadcasted_iota(jnp.int32, (L,), 0) + L * g) * DR
             for g in range(TB // L)]

    def t_of(blk):
        return pl.multiple_of(blk * TB, TB)

    def start_in(blk, b):
        pltpu.async_copy(
            tt_hbm.at[:, pl.ds(t_of(blk), TB)], in_v[b], sem_i[b]
        )

    def wait_in(b):
        pltpu.make_async_copy(
            tt_hbm.at[:, pl.ds(0, TB)], in_v[b], sem_i[b]
        ).wait()

    def compute(b):
        def cbody(c, _):
            xs = [in_v[b][c, pl.ds(L * g, L)] for g in range(TB // L)]
            idxs = [iotas[g] + c for g in range(TB // L)]
            for g in range(TB // L):
                plsc.store_scatter(out_v[b], [idxs[g]], xs[g])
            return 0

        lax.fori_loop(0, d, cbody, 0)

    def start_out(blk, b):
        pltpu.async_copy(
            out_v[b], tpad_hbm.at[pl.ds(t_of(blk) * DR, TB * DR)], sem_o[b]
        )

    def wait_out(b):
        pltpu.make_async_copy(
            out_v[b], tpad_hbm.at[pl.ds(0, TB * DR)], sem_o[b]
        ).wait()

    for bb in range(NBUF):
        start_in(blk0 + bb, bb)
    for bb in range(NBUF):
        wait_in(bb)
        compute(bb)
        start_out(blk0 + bb, bb)
        start_in(blk0 + bb + NBUF, bb)

    def grp(g, _):
        for bb in range(NBUF):
            j = g * NBUF + bb
            wait_in(bb)
            wait_out(bb)
            compute(bb)
            start_out(blk0 + j, bb)
            start_in(blk0 + j + NBUF, bb)
        return 0

    lax.fori_loop(1, n_grp - 1, grp, 0)

    for bb in range(NBUF):
        j = (n_grp - 1) * NBUF + bb
        wait_in(bb)
        wait_out(bb)
        compute(bb)
        start_out(blk0 + j, bb)
    for bb in range(NBUF):
        wait_out(bb)

    @pl.when(wid < extra)
    def _():
        blk = n_blocks - extra + wid
        pltpu.sync_copy(tt_hbm.at[:, pl.ds(t_of(blk), TB)], in_v[0])
        compute(0)
        pltpu.sync_copy(out_v[0],
                        tpad_hbm.at[pl.ds(t_of(blk) * DR, TB * DR)])


def _gather_body(ids_hbm, table_hbm, out_hbm, idx_v, rows_v, sem_g, sem_o):
    d = 64
    b_total = out_hbm.shape[0]
    b_per_w = b_total // NW
    n_chunks = b_per_w // CHUNK
    n_grp = n_chunks // NBUF
    wid = lax.axis_index("s") * NC + lax.axis_index("c")
    row0 = wid * (b_per_w // IDXW)
    base0 = wid * b_per_w

    def start_gather(j, b):
        pltpu.sync_copy(ids_hbm.at[pl.ds(row0 + j * GPC, GPC)], idx_v.at[b])
        for r in range(GPC):
            pltpu.async_copy(
                table_hbm.at[idx_v.at[b].at[r]],
                rows_v.at[b].at[pl.ds(r * IDXW, IDXW)],
                sem_g[b],
            )

    def wait_gather(b):
        for r in range(GPC):
            pltpu.make_async_copy(
                table_hbm.at[pl.ds(0, IDXW)],
                rows_v.at[b].at[pl.ds(r * IDXW, IDXW)],
                sem_g[b],
            ).wait()

    def start_wb(j, b):
        pltpu.async_copy(
            rows_v.at[b],
            out_hbm.at[pl.ds(base0 + j * CHUNK, CHUNK), pl.ds(0, DR)],
            sem_o[b],
        )

    def wait_wb(b):
        pltpu.make_async_copy(
            rows_v.at[b], out_hbm.at[pl.ds(0, CHUNK), pl.ds(0, DR)], sem_o[b]
        ).wait()

    for b in range(NBUF):
        start_gather(b, b)

    def grp(g, _):
        for b in range(NBUF):
            j = g * NBUF + b
            wait_gather(b)
            start_wb(j, b)
            wait_wb(b)
            start_gather(j + NBUF, b)
        return 0

    lax.fori_loop(0, n_grp - 1, grp, 0)

    for b in range(NBUF):
        j = (n_grp - 1) * NBUF + b
        wait_gather(b)
        start_wb(j, b)
        wait_wb(b)


@functools.partial(jax.jit, static_argnames=())
def kernel(input_ids, table):
    batch, seq_len = input_ids.shape
    v, d = table.shape
    b = batch * seq_len
    dp = 128

    mesh = plsc.VectorSubcoreMesh(core_axis_name="c", subcore_axis_name="s")

    tpad = pl.kernel(
        _tpose_body,
        out_type=jax.ShapeDtypeStruct((v * DR,), jnp.float32),
        mesh=mesh,
        scratch_types=[
            [pltpu.VMEM((d, TB), jnp.float32)] * NBUF,
            [pltpu.VMEM((TB * DR,), jnp.float32)] * NBUF,
            [pltpu.SemaphoreType.DMA] * NBUF,
            [pltpu.SemaphoreType.DMA] * NBUF,
        ],
        compiler_params=_TC_TILED,
    )(table.T)
    v_main = (v // TB) * TB
    if v_main < v:
        tail = jnp.pad(table[v_main:, :], ((0, 0), (0, DR - d))).reshape(-1)
        tpad = lax.dynamic_update_slice(tpad, tail, (v_main * DR,))
    tpad = tpad.reshape(v, DR)

    ids2d = input_ids.reshape(b // IDXW, IDXW)
    out = pl.kernel(
        _gather_body,
        out_type=jax.ShapeDtypeStruct((b, dp), jnp.float32),
        mesh=mesh,
        scratch_types=[
            pltpu.VMEM((NBUF, GPC, IDXW), jnp.int32),
            pltpu.VMEM((NBUF, CHUNK, DR), jnp.float32),
            [pltpu.SemaphoreType.DMA] * NBUF,
            [pltpu.SemaphoreType.DMA] * NBUF,
        ],
        compiler_params=pltpu.CompilerParams(use_tc_tiling_on_sc=False),
    )(ids2d, tpad)
    return out[:, :d].reshape(batch, seq_len, d)

# --- scband reference (transcript-rebuilt; emitter-appended) ---
"""Pipeline reference for scband-token-embedding-81003083202683 (READ-ONLY COPY).

The authoritative reference and input builder live on the scoring server;
editing this copy changes nothing except your own understanding.
"""

import jax, jax.numpy as jnp
import numpy as np

VOCAB_SIZE = 1000000
EMBED_DIM = 64
PADDING_IDX = 0
BATCH = 4096
SEQ_LEN = 200


def setup_inputs(seed: int = 0) -> dict:
    key = jax.random.key(seed)
    k_idx, k_tab = jax.random.split(key)
    input_ids = jax.random.randint(k_idx, (BATCH, SEQ_LEN), 0, VOCAB_SIZE, dtype=jnp.int64 if jax.config.jax_enable_x64 else jnp.int32)
    table = jax.random.normal(k_tab, (VOCAB_SIZE, EMBED_DIM), dtype=jnp.float32)
    # nn.Embedding with padding_idx zeroes the padding row at init
    table = table.at[PADDING_IDX].set(0.0)
    return {"input_ids": input_ids, "table": table}


def reference(input_ids, table):
    # Faithful translation of nn.Embedding forward: row gather from table
    return jnp.take(table, input_ids, axis=0)

if __name__ == "__main__":
    import jax
    _d = setup_inputs()
    print(jax.jit(kernel)(*tuple(_d.values())))

</pallas_src>

<mosaic_0001>
#map = affine_map<(d0, d1) -> (0, 0)>
#map1 = affine_map<(d0, d1) -> (0)>
module attributes {stable_mosaic.version = 14 : i64} {
  func.func @_tpose_body(%arg0: i32, %arg1: i32, %arg2: memref<64x1000000xf32, #tpu.memory_space<hbm>>, %arg3: memref<72000000xf32, #tpu.memory_space<hbm>>, %arg4: memref<64x128xf32, #tpu.memory_space<vmem>>, %arg5: memref<64x128xf32, #tpu.memory_space<vmem>>, %arg6: memref<9216xf32, #tpu.memory_space<vmem>>, %arg7: memref<9216xf32, #tpu.memory_space<vmem>>, %arg8: memref<!tpu.dma_semaphore, #tpu.memory_space<semaphore_mem>>, %arg9: memref<!tpu.dma_semaphore, #tpu.memory_space<semaphore_mem>>, %arg10: memref<!tpu.dma_semaphore, #tpu.memory_space<semaphore_mem>>, %arg11: memref<!tpu.dma_semaphore, #tpu.memory_space<semaphore_mem>>) attributes {dimension_semantics = [#tpu.dimension_semantics<core_parallel>, #tpu.dimension_semantics<subcore_parallel>], iteration_bounds = array<i64: 2, 16>, scalar_prefetch = 0 : i64, scratch_operands = 8 : i64, tpu.core_type = #tpu.core_type<sc_vector_subcore>, window_params = [{transform_indices = #map}, {transform_indices = #map1}]} {
    %mul3A = arith.constant 2 : i32
    %mul3A_0 = arith.muli %arg1, %mul3A : i32
    %add3A = arith.addi %mul3A_0, %arg0 : i32
    %mul3A_1 = arith.constant 244 : i32
    %mul3A_2 = arith.muli %add3A, %mul3A_1 : i32
    %iota3A = tpu.iota {dimensions = array<i32: 0>} : vector<16xi32>
    %add3A_3 = arith.constant 0 : i32
    %add3A_4 = vector.broadcast %add3A_3 : i32 to vector<16xi32>
    %add3A_5 = arith.addi %iota3A, %add3A_4 : vector<16xi32>
    %mul3A_6 = arith.constant 72 : i32
    %mul3A_7 = vector.broadcast %mul3A_6 : i32 to vector<16xi32>
    %mul3A_8 = arith.muli %add3A_5, %mul3A_7 : vector<16xi32>
    %iota3A_9 = tpu.iota {dimensions = array<i32: 0>} : vector<16xi32>
    %add3A_10 = arith.constant 16 : i32
    %add3A_11 = vector.broadcast %add3A_10 : i32 to vector<16xi32>
    %add3A_12 = arith.addi %iota3A_9, %add3A_11 : vector<16xi32>
    %mul3A_13 = arith.constant 72 : i32
    %mul3A_14 = vector.broadcast %mul3A_13 : i32 to vector<16xi32>
    %mul3A_15 = arith.muli %add3A_12, %mul3A_14 : vector<16xi32>
    %iota3A_16 = tpu.iota {dimensions = array<i32: 0>} : vector<16xi32>
    %add3A_17 = arith.constant 32 : i32
    %add3A_18 = vector.broadcast %add3A_17 : i32 to vector<16xi32>
    %add3A_19 = arith.addi %iota3A_16, %add3A_18 : vector<16xi32>
    %mul3A_20 = arith.constant 72 : i32
    %mul3A_21 = vector.broadcast %mul3A_20 : i32 to vector<16xi32>
    %mul3A_22 = arith.muli %add3A_19, %mul3A_21 : vector<16xi32>
    %iota3A_23 = tpu.iota {dimensions = array<i32: 0>} : vector<16xi32>
    %add3A_24 = arith.constant 48 : i32
    %add3A_25 = vector.broadcast %add3A_24 : i32 to vector<16xi32>
    %add3A_26 = arith.addi %iota3A_23, %add3A_25 : vector<16xi32>
    %mul3A_27 = arith.constant 72 : i32
    %mul3A_28 = vector.broadcast %mul3A_27 : i32 to vector<16xi32>
    %mul3A_29 = arith.muli %add3A_26, %mul3A_28 : vector<16xi32>
    %iota3A_30 = tpu.iota {dimensions = array<i32: 0>} : vector<16xi32>
    %add3A_31 = arith.constant 64 : i32
    %add3A_32 = vector.broadcast %add3A_31 : i32 to vector<16xi32>
    %add3A_33 = arith.addi %iota3A_30, %add3A_32 : vector<16xi32>
    %mul3A_34 = arith.constant 72 : i32
    %mul3A_35 = vector.broadcast %mul3A_34 : i32 to vector<16xi32>
    %mul3A_36 = arith.muli %add3A_33, %mul3A_35 : vector<16xi32>
    %iota3A_37 = tpu.iota {dimensions = array<i32: 0>} : vector<16xi32>
    %add3A_38 = arith.constant 80 : i32
    %add3A_39 = vector.broadcast %add3A_38 : i32 to vector<16xi32>
    %add3A_40 = arith.addi %iota3A_37, %add3A_39 : vector<16xi32>
    %mul3A_41 = arith.constant 72 : i32
    %mul3A_42 = vector.broadcast %mul3A_41 : i32 to vector<16xi32>
    %mul3A_43 = arith.muli %add3A_40, %mul3A_42 : vector<16xi32>
    %iota3A_44 = tpu.iota {dimensions = array<i32: 0>} : vector<16xi32>
    %add3A_45 = arith.constant 96 : i32
    %add3A_46 = vector.broadcast %add3A_45 : i32 to vector<16xi32>
    %add3A_47 = arith.addi %iota3A_44, %add3A_46 : vector<16xi32>
    %mul3A_48 = arith.constant 72 : i32
    %mul3A_49 = vector.broadcast %mul3A_48 : i32 to vector<16xi32>
    %mul3A_50 = arith.muli %add3A_47, %mul3A_49 : vector<16xi32>
    %iota3A_51 = tpu.iota {dimensions = array<i32: 0>} : vector<16xi32>
    %add3A_52 = arith.constant 112 : i32
    %add3A_53 = vector.broadcast %add3A_52 : i32 to vector<16xi32>
    %add3A_54 = arith.addi %iota3A_51, %add3A_53 : vector<16xi32>
    %mul3A_55 = arith.constant 72 : i32
    %mul3A_56 = vector.broadcast %mul3A_55 : i32 to vector<16xi32>
    %mul3A_57 = arith.muli %add3A_54, %mul3A_56 : vector<16xi32>
    %add3A_58 = arith.constant 0 : i32
    %add3A_59 = arith.addi %mul3A_2, %add3A_58 : i32
    %mul3A_60 = arith.constant 128 : i32
    %mul3A_61 = arith.muli %add3A_59, %mul3A_60 : i32
    %multiple_of3A = tpu.assume_multiple %mul3A_61, 128 : i32
    %dma_start3A = arith.constant 0 : i32
    %dma_start3A_62 = tpu.memref_slice %arg2[%dma_start3A, %multiple_of3A] : memref<64x1000000xf32, #tpu.memory_space<hbm>> -> memref<64x128xf32, #tpu.memory_space<hbm>>
    %dma_start3A_63 = arith.constant 0 : i32
    %dma_start3A_64 = tpu.memref_slice %arg2[%dma_start3A_63, %multiple_of3A] : memref<64x1000000xf32, #tpu.memory_space<hbm>> -> memref<64x128xf32, #tpu.memory_space<hbm>>
    tpu.enqueue_dma source(%dma_start3A_64 : memref<64x128xf32, #tpu.memory_space<hbm>>) target(%arg4 : memref<64x128xf32, #tpu.memory_space<vmem>>) target_semaphore(%arg8 : memref<!tpu.dma_semaphore, #tpu.memory_space<semaphore_mem>>)
    %add3A_65 = arith.constant 1 : i32
    %add3A_66 = arith.addi %mul3A_2, %add3A_65 : i32
    %mul3A_67 = arith.constant 128 : i32
    %mul3A_68 = arith.muli %add3A_66, %mul3A_67 : i32
    %multiple_of3A_69 = tpu.assume_multiple %mul3A_68, 128 : i32
    %dma_start3A_70 = arith.constant 0 : i32
    %dma_start3A_71 = tpu.memref_slice %arg2[%dma_start3A_70, %multiple_of3A_69] : memref<64x1000000xf32, #tpu.memory_space<hbm>> -> memref<64x128xf32, #tpu.memory_space<hbm>>
    %dma_start3A_72 = arith.constant 0 : i32
    %dma_start3A_73 = tpu.memref_slice %arg2[%dma_start3A_72, %multiple_of3A_69] : memref<64x1000000xf32, #tpu.memory_space<hbm>> -> memref<64x128xf32, #tpu.memory_space<hbm>>
    tpu.enqueue_dma source(%dma_start3A_73 : memref<64x128xf32, #tpu.memory_space<hbm>>) target(%arg5 : memref<64x128xf32, #tpu.memory_space<vmem>>) target_semaphore(%arg9 : memref<!tpu.dma_semaphore, #tpu.memory_space<semaphore_mem>>)
    %dma_wait3A = arith.constant 0 : i32
    %dma_wait3A_74 = arith.constant 0 : i32
    %dma_wait3A_75 = tpu.memref_slice %arg2[%dma_wait3A, %dma_wait3A_74] : memref<64x1000000xf32, #tpu.memory_space<hbm>> -> memref<64x128xf32, #tpu.memory_space<hbm>>
    %dma_wait3A_76 = arith.constant 0 : i32
    %dma_wait3A_77 = arith.constant 0 : i32
    %dma_wait3A_78 = tpu.memref_slice %arg2[%dma_wait3A_76, %dma_wait3A_77] : memref<64x1000000xf32, #tpu.memory_space<hbm>> -> memref<64x128xf32, #tpu.memory_space<hbm>>
    tpu.wait_dma2 semaphore(%arg8 : memref<!tpu.dma_semaphore, #tpu.memory_space<semaphore_mem>>) src(%dma_wait3A_78 : memref<64x128xf32, #tpu.memory_space<hbm>>) dst(%arg4 : memref<64x128xf32, #tpu.memory_space<vmem>>)
    %scan3A = arith.constant 0 : i32
    %scan3A_79 = arith.constant 0 : i32
    %scan3A_80 = arith.constant 64 : i32
    %scan3A_81 = arith.addi %scan3A_79, %scan3A_80 : i32
    %scan3A_82 = arith.constant 1 : i32
    %scan3A_83 = scf.for %scan3A_207 = %scan3A_79 to %scan3A_81 step %scan3A_82 iter_args(%scan3A_208 = %scan3A) -> (i32)  : i32 {
      %get3A = arith.index_cast %scan3A_207 : i32 to index
      %get3A_209 = arith.constant 0 : index
      %get3A_210 = tpu.vector_load %arg4[%get3A, %get3A_209] {strides = array<i32>} : memref<64x128xf32, #tpu.memory_space<vmem>>, vector<16xf32>,
      %get3A_211 = arith.index_cast %scan3A_207 : i32 to index
      %get3A_212 = arith.constant 16 : index
      %get3A_213 = tpu.vector_load %arg4[%get3A_211, %get3A_212] {strides = array<i32>} : memref<64x128xf32, #tpu.memory_space<vmem>>, vector<16xf32>,
      %get3A_214 = arith.index_cast %scan3A_207 : i32 to index
      %get3A_215 = arith.constant 32 : index
      %get3A_216 = tpu.vector_load %arg4[%get3A_214, %get3A_215] {strides = array<i32>} : memref<64x128xf32, #tpu.memory_space<vmem>>, vector<16xf32>,
      %get3A_217 = arith.index_cast %scan3A_207 : i32 to index
      %get3A_218 = arith.constant 48 : index
      %get3A_219 = tpu.vector_load %arg4[%get3A_217, %get3A_218] {strides = array<i32>} : memref<64x128xf32, #tpu.memory_space<vmem>>, vector<16xf32>,
      %get3A_220 = arith.index_cast %scan3A_207 : i32 to index
      %get3A_221 = arith.constant 64 : index
      %get3A_222 = tpu.vector_load %arg4[%get3A_220, %get3A_221] {strides = array<i32>} : memref<64x128xf32, #tpu.memory_space<vmem>>, vector<16xf32>,
      %get3A_223 = arith.index_cast %scan3A_207 : i32 to index
      %get3A_224 = arith.constant 80 : index
      %get3A_225 = tpu.vector_load %arg4[%get3A_223, %get3A_224] {strides = array<i32>} : memref<64x128xf32, #tpu.memory_space<vmem>>, vector<16xf32>,
      %get3A_226 = arith.index_cast %scan3A_207 : i32 to index
      %get3A_227 = arith.constant 96 : index
      %get3A_228 = tpu.vector_load %arg4[%get3A_226, %get3A_227] {strides = array<i32>} : memref<64x128xf32, #tpu.memory_space<vmem>>, vector<16xf32>,
      %get3A_229 = arith.index_cast %scan3A_207 : i32 to index
      %get3A_230 = arith.constant 112 : index
      %get3A_231 = tpu.vector_load %arg4[%get3A_229, %get3A_230] {strides = array<i32>} : memref<64x128xf32, #tpu.memory_space<vmem>>, vector<16xf32>,
      %add3A_232 = vector.broadcast %scan3A_207 : i32 to vector<16xi32>
      %add3A_233 = arith.addi %mul3A_8, %add3A_232 : vector<16xi32>
      %add3A_234 = vector.broadcast %scan3A_207 : i32 to vector<16xi32>
      %add3A_235 = arith.addi %mul3A_15, %add3A_234 : vector<16xi32>
      %add3A_236 = vector.broadcast %scan3A_207 : i32 to vector<16xi32>
      %add3A_237 = arith.addi %mul3A_22, %add3A_236 : vector<16xi32>
      %add3A_238 = vector.broadcast %scan3A_207 : i32 to vector<16xi32>
      %add3A_239 = arith.addi %mul3A_29, %add3A_238 : vector<16xi32>
      %add3A_240 = vector.broadcast %scan3A_207 : i32 to vector<16xi32>
      %add3A_241 = arith.addi %mul3A_36, %add3A_240 : vector<16xi32>
      %add3A_242 = vector.broadcast %scan3A_207 : i32 to vector<16xi32>
      %add3A_243 = arith.addi %mul3A_43, %add3A_242 : vector<16xi32>
      %add3A_244 = vector.broadcast %scan3A_207 : i32 to vector<16xi32>
      %add3A_245 = arith.addi %mul3A_50, %add3A_244 : vector<16xi32>
      %add3A_246 = vector.broadcast %scan3A_207 : i32 to vector<16xi32>
      %add3A_247 = arith.addi %mul3A_57, %add3A_246 : vector<16xi32>
      tpu.vector_store_idx %arg6[%add3A_233], %get3A_210 : memref<9216xf32, #tpu.memory_space<vmem>>[vector<16xi32>], vector<16xf32>,
      tpu.vector_store_idx %arg6[%add3A_235], %get3A_213 : memref<9216xf32, #tpu.memory_space<vmem>>[vector<16xi32>], vector<16xf32>,
      tpu.vector_store_idx %arg6[%add3A_237], %get3A_216 : memref<9216xf32, #tpu.memory_space<vmem>>[vector<16xi32>], vector<16xf32>,
      tpu.vector_store_idx %arg6[%add3A_239], %get3A_219 : memref<9216xf32, #tpu.memory_space<vmem>>[vector<16xi32>], vector<16xf32>,
      tpu.vector_store_idx %arg6[%add3A_241], %get3A_222 : memref<9216xf32, #tpu.memory_space<vmem>>[vector<16xi32>], vector<16xf32>,
      tpu.vector_store_idx %arg6[%add3A_243], %get3A_225 : memref<9216xf32, #tpu.memory_space<vmem>>[vector<16xi32>], vector<16xf32>,
      tpu.vector_store_idx %arg6[%add3A_245], %get3A_228 : memref<9216xf32, #tpu.memory_space<vmem>>[vector<16xi32>], vector<16xf32>,
      tpu.vector_store_idx %arg6[%add3A_247], %get3A_231 : memref<9216xf32, #tpu.memory_space<vmem>>[vector<16xi32>], vector<16xf32>,
      %scan3A_248 = arith.constant 0 : i32
      scf.yield %scan3A_248 : i32
    }
    %scan3A_84 = arith.constant 64 : i32
    %add3A_85 = arith.constant 0 : i32
    %add3A_86 = arith.addi %mul3A_2, %add3A_85 : i32
    %mul3A_87 = arith.constant 128 : i32
    %mul3A_88 = arith.muli %add3A_86, %mul3A_87 : i32
    %multiple_of3A_89 = tpu.assume_multiple %mul3A_88, 128 : i32
    %mul3A_90 = arith.constant 72 : i32
    %mul3A_91 = arith.muli %multiple_of3A_89, %mul3A_90 : i32
    %dma_start3A_92 = tpu.memref_slice %arg3[%mul3A_91] : memref<72000000xf32, #tpu.memory_space<hbm>> -> memref<9216xf32, #tpu.memory_space<hbm>>
    %dma_start3A_93 = tpu.memref_slice %arg3[%mul3A_91] : memref<72000000xf32, #tpu.memory_space<hbm>> -> memref<9216xf32, #tpu.memory_space<hbm>>
    tpu.enqueue_dma source(%arg6 : memref<9216xf32, #tpu.memory_space<vmem>>) target(%dma_start3A_93 : memref<9216xf32, #tpu.memory_space<hbm>>) target_semaphore(%arg10 : memref<!tpu.dma_semaphore, #tpu.memory_space<semaphore_mem>>)
    %add3A_94 = arith.constant 0 : i32
    %add3A_95 = arith.addi %mul3A_2, %add3A_94 : i32
    %add3A_96 = arith.constant 2 : i32
    %add3A_97 = arith.addi %add3A_95, %add3A_96 : i32
    %mul3A_98 = arith.constant 128 : i32
    %mul3A_99 = arith.muli %add3A_97, %mul3A_98 : i32
    %multiple_of3A_100 = tpu.assume_multiple %mul3A_99, 128 : i32
    %dma_start3A_101 = arith.constant 0 : i32
    %dma_start3A_102 = tpu.memref_slice %arg2[%dma_start3A_101, %multiple_of3A_100] : memref<64x1000000xf32, #tpu.memory_space<hbm>> -> memref<64x128xf32, #tpu.memory_space<hbm>>
    %dma_start3A_103 = arith.constant 0 : i32
    %dma_start3A_104 = tpu.memref_slice %arg2[%dma_start3A_103, %multiple_of3A_100] : memref<64x1000000xf32, #tpu.memory_space<hbm>> -> memref<64x128xf32, #tpu.memory_space<hbm>>
    tpu.enqueue_dma source(%dma_start3A_104 : memref<64x128xf32, #tpu.memory_space<hbm>>) target(%arg4 : memref<64x128xf32, #tpu.memory_space<vmem>>) target_semaphore(%arg8 : memref<!tpu.dma_semaphore, #tpu.memory_space<semaphore_mem>>)
    %dma_wait3A_105 = arith.constant 0 : i32
    %dma_wait3A_106 = arith.constant 0 : i32
    %dma_wait3A_107 = tpu.memref_slice %arg2[%dma_wait3A_105, %dma_wait3A_106] : memref<64x1000000xf32, #tpu.memory_space<hbm>> -> memref<64x128xf32, #tpu.memory_space<hbm>>
    %dma_wait3A_108 = arith.constant 0 : i32
    %dma_wait3A_109 = arith.constant 0 : i32
    %dma_wait3A_110 = tpu.memref_slice %arg2[%dma_wait3A_108, %dma_wait3A_109] : memref<64x1000000xf32, #tpu.memory_space<hbm>> -> memref<64x128xf32, #tpu.memory_space<hbm>>
    tpu.wait_dma2 semaphore(%arg9 : memref<!tpu.dma_semaphore, #tpu.memory_space<semaphore_mem>>) src(%dma_wait3A_110 : memref<64x128xf32, #tpu.memory_space<hbm>>) dst(%arg5 : memref<64x128xf32, #tpu.memory_space<vmem>>)
    %scan3A_111 = arith.constant 0 : i32
    %scan3A_112 = arith.constant 0 : i32
    %scan3A_113 = arith.constant 64 : i32
    %scan3A_114 = arith.addi %scan3A_112, %scan3A_113 : i32
    %scan3A_115 = arith.constant 1 : i32
    %scan3A_116 = scf.for %scan3A_207 = %scan3A_112 to %scan3A_114 step %scan3A_115 iter_args(%scan3A_208 = %scan3A_111) -> (i32)  : i32 {
      %get3A = arith.index_cast %scan3A_207 : i32 to index
      %get3A_209 = arith.constant 0 : index
      %get3A_210 = tpu.vector_load %arg5[%get3A, %get3A_209] {strides = array<i32>} : memref<64x128xf32, #tpu.memory_space<vmem>>, vector<16xf32>,
      %get3A_211 = arith.index_cast %scan3A_207 : i32 to index
      %get3A_212 = arith.constant 16 : index
      %get3A_213 = tpu.vector_load %arg5[%get3A_211, %get3A_212] {strides = array<i32>} : memref<64x128xf32, #tpu.memory_space<vmem>>, vector<16xf32>,
      %get3A_214 = arith.index_cast %scan3A_207 : i32 to index
      %get3A_215 = arith.constant 32 : index
      %get3A_216 = tpu.vector_load %arg5[%get3A_214, %get3A_215] {strides = array<i32>} : memref<64x128xf32, #tpu.memory_space<vmem>>, vector<16xf32>,
      %get3A_217 = arith.index_cast %scan3A_207 : i32 to index
      %get3A_218 = arith.constant 48 : index
      %get3A_219 = tpu.vector_load %arg5[%get3A_217, %get3A_218] {strides = array<i32>} : memref<64x128xf32, #tpu.memory_space<vmem>>, vector<16xf32>,
      %get3A_220 = arith.index_cast %scan3A_207 : i32 to index
      %get3A_221 = arith.constant 64 : index
      %get3A_222 = tpu.vector_load %arg5[%get3A_220, %get3A_221] {strides = array<i32>} : memref<64x128xf32, #tpu.memory_space<vmem>>, vector<16xf32>,
      %get3A_223 = arith.index_cast %scan3A_207 : i32 to index
      %get3A_224 = arith.constant 80 : index
      %get3A_225 = tpu.vector_load %arg5[%get3A_223, %get3A_224] {strides = array<i32>} : memref<64x128xf32, #tpu.memory_space<vmem>>, vector<16xf32>,
      %get3A_226 = arith.index_cast %scan3A_207 : i32 to index
      %get3A_227 = arith.constant 96 : index
      %get3A_228 = tpu.vector_load %arg5[%get3A_226, %get3A_227] {strides = array<i32>} : memref<64x128xf32, #tpu.memory_space<vmem>>, vector<16xf32>,
      %get3A_229 = arith.index_cast %scan3A_207 : i32 to index
      %get3A_230 = arith.constant 112 : index
      %get3A_231 = tpu.vector_load %arg5[%get3A_229, %get3A_230] {strides = array<i32>} : memref<64x128xf32, #tpu.memory_space<vmem>>, vector<16xf32>,
      %add3A_232 = vector.broadcast %scan3A_207 : i32 to vector<16xi32>
      %add3A_233 = arith.addi %mul3A_8, %add3A_232 : vector<16xi32>
      %add3A_234 = vector.broadcast %scan3A_207 : i32 to vector<16xi32>
      %add3A_235 = arith.addi %mul3A_15, %add3A_234 : vector<16xi32>
      %add3A_236 = vector.broadcast %scan3A_207 : i32 to vector<16xi32>
      %add3A_237 = arith.addi %mul3A_22, %add3A_236 : vector<16xi32>
      %add3A_238 = vector.broadcast %scan3A_207 : i32 to vector<16xi32>
      %add3A_239 = arith.addi %mul3A_29, %add3A_238 : vector<16xi32>
      %add3A_240 = vector.broadcast %scan3A_207 : i32 to vector<16xi32>
      %add3A_241 = arith.addi %mul3A_36, %add3A_240 : vector<16xi32>
      %add3A_242 = vector.broadcast %scan3A_207 : i32 to vector<16xi32>
      %add3A_243 = arith.addi %mul3A_43, %add3A_242 : vector<16xi32>
      %add3A_244 = vector.broadcast %scan3A_207 : i32 to vector<16xi32>
      %add3A_245 = arith.addi %mul3A_50, %add3A_244 : vector<16xi32>
      %add3A_246 = vector.broadcast %scan3A_207 : i32 to vector<16xi32>
      %add3A_247 = arith.addi %mul3A_57, %add3A_246 : vector<16xi32>
      tpu.vector_store_idx %arg7[%add3A_233], %get3A_210 : memref<9216xf32, #tpu.memory_space<vmem>>[vector<16xi32>], vector<16xf32>,
      tpu.vector_store_idx %arg7[%add3A_235], %get3A_213 : memref<9216xf32, #tpu.memory_space<vmem>>[vector<16xi32>], vector<16xf32>,
      tpu.vector_store_idx %arg7[%add3A_237], %get3A_216 : memref<9216xf32, #tpu.memory_space<vmem>>[vector<16xi32>], vector<16xf32>,
      tpu.vector_store_idx %arg7[%add3A_239], %get3A_219 : memref<9216xf32, #tpu.memory_space<vmem>>[vector<16xi32>], vector<16xf32>,
      tpu.vector_store_idx %arg7[%add3A_241], %get3A_222 : memref<9216xf32, #tpu.memory_space<vmem>>[vector<16xi32>], vector<16xf32>,
      tpu.vector_store_idx %arg7[%add3A_243], %get3A_225 : memref<9216xf32, #tpu.memory_space<vmem>>[vector<16xi32>], vector<16xf32>,
      tpu.vector_store_idx %arg7[%add3A_245], %get3A_228 : memref<9216xf32, #tpu.memory_space<vmem>>[vector<16xi32>], vector<16xf32>,
      tpu.vector_store_idx %arg7[%add3A_247], %get3A_231 : memref<9216xf32, #tpu.memory_space<vmem>>[vector<16xi32>], vector<16xf32>,
      %scan3A_248 = arith.constant 0 : i32
      scf.yield %scan3A_248 : i32
    }
    %scan3A_117 = arith.constant 64 : i32
    %add3A_118 = arith.constant 1 : i32
    %add3A_119 = arith.addi %mul3A_2, %add3A_118 : i32
    %mul3A_120 = arith.constant 128 : i32
    %mul3A_121 = arith.muli %add3A_119, %mul3A_120 : i32
    %multiple_of3A_122 = tpu.assume_multiple %mul3A_121, 128 : i32
    %mul3A_123 = arith.constant 72 : i32
    %mul3A_124 = arith.muli %multiple_of3A_122, %mul3A_123 : i32
    %dma_start3A_125 = tpu.memref_slice %arg3[%mul3A_124] : memref<72000000xf32, #tpu.memory_space<hbm>> -> memref<9216xf32, #tpu.memory_space<hbm>>
    %dma_start3A_126 = tpu.memref_slice %arg3[%mul3A_124] : memref<72000000xf32, #tpu.memory_space<hbm>> -> memref<9216xf32, #tpu.memory_space<hbm>>
    tpu.enqueue_dma source(%arg7 : memref<9216xf32, #tpu.memory_space<vmem>>) target(%dma_start3A_126 : memref<9216xf32, #tpu.memory_space<hbm>>) target_semaphore(%arg11 : memref<!tpu.dma_semaphore, #tpu.memory_space<semaphore_mem>>)
    %add3A_127 = arith.constant 1 : i32
    %add3A_128 = arith.addi %mul3A_2, %add3A_127 : i32
    %add3A_129 = arith.constant 2 : i32
    %add3A_130 = arith.addi %add3A_128, %add3A_129 : i32
    %mul3A_131 = arith.constant 128 : i32
    %mul3A_132 = arith.muli %add3A_130, %mul3A_131 : i32
    %multiple_of3A_133 = tpu.assume_multiple %mul3A_132, 128 : i32
    %dma_start3A_134 = arith.constant 0 : i32
    %dma_start3A_135 = tpu.memref_slice %arg2[%dma_start3A_134, %multiple_of3A_133] : memref<64x1000000xf32, #tpu.memory_space<hbm>> -> memref<64x128xf32, #tpu.memory_space<hbm>>
    %dma_start3A_136 = arith.constant 0 : i32
    %dma_start3A_137 = tpu.memref_slice %arg2[%dma_start3A_136, %multiple_of3A_133] : memref<64x1000000xf32, #tpu.memory_space<hbm>> -> memref<64x128xf32, #tpu.memory_space<hbm>>
    tpu.enqueue_dma source(%dma_start3A_137 : memref<64x128xf32, #tpu.memory_space<hbm>>) target(%arg5 : memref<64x128xf32, #tpu.memory_space<vmem>>) target_semaphore(%arg9 : memref<!tpu.dma_semaphore, #tpu.memory_space<semaphore_mem>>)
    %scan3A_138 = arith.constant 0 : i32
    %scan3A_139 = arith.constant 1 : i32
    %scan3A_140 = arith.constant 120 : i32
    %scan3A_141 = arith.addi %scan3A_139, %scan3A_140 : i32
    %scan3A_142 = arith.constant 1 : i32
    %scan3A_143 = scf.for %scan3A_207 = %scan3A_139 to %scan3A_141 step %scan3A_142 iter_args(%scan3A_208 = %scan3A_138) -> (i32)  : i32 {
      %mul3A_209 = arith.constant 2 : i32
      %mul3A_210 = arith.muli %scan3A_207, %mul3A_209 : i32
      %add3A_211 = arith.constant 0 : i32
      %add3A_212 = arith.addi %mul3A_210, %add3A_211 : i32
      %dma_wait3A_213 = arith.constant 0 : i32
      %dma_wait3A_214 = arith.constant 0 : i32
      %dma_wait3A_215 = tpu.memref_slice %arg2[%dma_wait3A_213, %dma_wait3A_214] : memref<64x1000000xf32, #tpu.memory_space<hbm>> -> memref<64x128xf32, #tpu.memory_space<hbm>>
      %dma_wait3A_216 = arith.constant 0 : i32
      %dma_wait3A_217 = arith.constant 0 : i32
      %dma_wait3A_218 = tpu.memref_slice %arg2[%dma_wait3A_216, %dma_wait3A_217] : memref<64x1000000xf32, #tpu.memory_space<hbm>> -> memref<64x128xf32, #tpu.memory_space<hbm>>
      tpu.wait_dma2 semaphore(%arg8 : memref<!tpu.dma_semaphore, #tpu.memory_space<semaphore_mem>>) src(%dma_wait3A_218 : memref<64x128xf32, #tpu.memory_space<hbm>>) dst(%arg4 : memref<64x128xf32, #tpu.memory_space<vmem>>)
      %dma_wait3A_219 = arith.constant 0 : i32
      %dma_wait3A_220 = tpu.memref_slice %arg3[%dma_wait3A_219] : memref<72000000xf32, #tpu.memory_space<hbm>> -> memref<9216xf32, #tpu.memory_space<hbm>>
      %dma_wait3A_221 = arith.constant 0 : i32
      %dma_wait3A_222 = tpu.memref_slice %arg3[%dma_wait3A_221] : memref<72000000xf32, #tpu.memory_space<hbm>> -> memref<9216xf32, #tpu.memory_space<hbm>>
      tpu.wait_dma2 semaphore(%arg10 : memref<!tpu.dma_semaphore, #tpu.memory_space<semaphore_mem>>) src(%arg6 : memref<9216xf32, #tpu.memory_space<vmem>>) dst(%dma_wait3A_222 : memref<9216xf32, #tpu.memory_space<hbm>>)
      %scan3A_223 = arith.constant 0 : i32
      %scan3A_224 = arith.constant 0 : i32
      %scan3A_225 = arith.constant 64 : i32
      %scan3A_226 = arith.addi %scan3A_224, %scan3A_225 : i32
      %scan3A_227 = arith.constant 1 : i32
      %scan3A_228 = scf.for %scan3A_288 = %scan3A_224 to %scan3A_226 step %scan3A_227 iter_args(%scan3A_289 = %scan3A_223) -> (i32)  : i32 {
        %get3A = arith.index_cast %scan3A_288 : i32 to index
        %get3A_290 = arith.constant 0 : index
        %get3A_291 = tpu.vector_load %arg4[%get3A, %get3A_290] {strides = array<i32>} : memref<64x128xf32, #tpu.memory_space<vmem>>, vector<16xf32>,
        %get3A_292 = arith.index_cast %scan3A_288 : i32 to index
        %get3A_293 = arith.constant 16 : index
        %get3A_294 = tpu.vector_load %arg4[%get3A_292, %get3A_293] {strides = array<i32>} : memref<64x128xf32, #tpu.memory_space<vmem>>, vector<16xf32>,
        %get3A_295 = arith.index_cast %scan3A_288 : i32 to index
        %get3A_296 = arith.constant 32 : index
        %get3A_297 = tpu.vector_load %arg4[%get3A_295, %get3A_296] {strides = array<i32>} : memref<64x128xf32, #tpu.memory_space<vmem>>, vector<16xf32>,
        %get3A_298 = arith.index_cast %scan3A_288 : i32 to index
        %get3A_299 = arith.constant 48 : index
        %get3A_300 = tpu.vector_load %arg4[%get3A_298, %get3A_299] {strides = array<i32>} : memref<64x128xf32, #tpu.memory_space<vmem>>, vector<16xf32>,
        %get3A_301 = arith.index_cast %scan3A_288 : i32 to index
        %get3A_302 = arith.constant 64 : index
        %get3A_303 = tpu.vector_load %arg4[%get3A_301, %get3A_302] {strides = array<i32>} : memref<64x128xf32, #tpu.memory_space<vmem>>, vector<16xf32>,
        %get3A_304 = arith.index_cast %scan3A_288 : i32 to index
        %get3A_305 = arith.constant 80 : index
        %get3A_306 = tpu.vector_load %arg4[%get3A_304, %get3A_305] {strides = array<i32>} : memref<64x128xf32, #tpu.memory_space<vmem>>, vector<16xf32>,
        %get3A_307 = arith.index_cast %scan3A_288 : i32 to index
        %get3A_308 = arith.constant 96 : index
        %get3A_309 = tpu.vector_load %arg4[%get3A_307, %get3A_308] {strides = array<i32>} : memref<64x128xf32, #tpu.memory_space<vmem>>, vector<16xf32>,
        %get3A_310 = arith.index_cast %scan3A_288 : i32 to index
        %get3A_311 = arith.constant 112 : index
        %get3A_312 = tpu.vector_load %arg4[%get3A_310, %get3A_311] {strides = array<i32>} : memref<64x128xf32, #tpu.memory_space<vmem>>, vector<16xf32>,
        %add3A_313 = vector.broadcast %scan3A_288 : i32 to vector<16xi32>
        %add3A_314 = arith.addi %mul3A_8, %add3A_313 : vector<16xi32>
        %add3A_315 = vector.broadcast %scan3A_288 : i32 to vector<16xi32>
        %add3A_316 = arith.addi %mul3A_15, %add3A_315 : vector<16xi32>
        %add3A_317 = vector.broadcast %scan3A_288 : i32 to vector<16xi32>
        %add3A_318 = arith.addi %mul3A_22, %add3A_317 : vector<16xi32>
        %add3A_319 = vector.broadcast %scan3A_288 : i32 to vector<16xi32>
        %add3A_320 = arith.addi %mul3A_29, %add3A_319 : vector<16xi32>
        %add3A_321 = vector.broadcast %scan3A_288 : i32 to vector<16xi32>
        %add3A_322 = arith.addi %mul3A_36, %add3A_321 : vector<16xi32>
        %add3A_323 = vector.broadcast %scan3A_288 : i32 to vector<16xi32>
        %add3A_324 = arith.addi %mul3A_43, %add3A_323 : vector<16xi32>
        %add3A_325 = vector.broadcast %scan3A_288 : i32 to vector<16xi32>
        %add3A_326 = arith.addi %mul3A_50, %add3A_325 : vector<16xi32>
        %add3A_327 = vector.broadcast %scan3A_288 : i32 to vector<16xi32>
        %add3A_328 = arith.addi %mul3A_57, %add3A_327 : vector<16xi32>
        tpu.vector_store_idx %arg6[%add3A_314], %get3A_291 : memref<9216xf32, #tpu.memory_space<vmem>>[vector<16xi32>], vector<16xf32>,
        tpu.vector_store_idx %arg6[%add3A_316], %get3A_294 : memref<9216xf32, #tpu.memory_space<vmem>>[vector<16xi32>], vector<16xf32>,
        tpu.vector_store_idx %arg6[%add3A_318], %get3A_297 : memref<9216xf32, #tpu.memory_space<vmem>>[vector<16xi32>], vector<16xf32>,
        tpu.vector_store_idx %arg6[%add3A_320], %get3A_300 : memref<9216xf32, #tpu.memory_space<vmem>>[vector<16xi32>], vector<16xf32>,
        tpu.vector_store_idx %arg6[%add3A_322], %get3A_303 : memref<9216xf32, #tpu.memory_space<vmem>>[vector<16xi32>], vector<16xf32>,
        tpu.vector_store_idx %arg6[%add3A_324], %get3A_306 : memref<9216xf32, #tpu.memory_space<vmem>>[vector<16xi32>], vector<16xf32>,
        tpu.vector_store_idx %arg6[%add3A_326], %get3A_309 : memref<9216xf32, #tpu.memory_space<vmem>>[vector<16xi32>], vector<16xf32>,
        tpu.vector_store_idx %arg6[%add3A_328], %get3A_312 : memref<9216xf32, #tpu.memory_space<vmem>>[vector<16xi32>], vector<16xf32>,
        %scan3A_329 = arith.constant 0 : i32
        scf.yield %scan3A_329 : i32
      }
      %scan3A_229 = arith.constant 64 : i32
      %add3A_230 = arith.addi %mul3A_2, %add3A_212 : i32
      %mul3A_231 = arith.constant 128 : i32
      %mul3A_232 = arith.muli %add3A_230, %mul3A_231 : i32
      %multiple_of3A_233 = tpu.assume_multiple %mul3A_232, 128 : i32
      %mul3A_234 = arith.constant 72 : i32
      %mul3A_235 = arith.muli %multiple_of3A_233, %mul3A_234 : i32
      %dma_start3A_236 = tpu.memref_slice %arg3[%mul3A_235] : memref<72000000xf32, #tpu.memory_space<hbm>> -> memref<9216xf32, #tpu.memory_space<hbm>>
      %dma_start3A_237 = tpu.memref_slice %arg3[%mul3A_235] : memref<72000000xf32, #tpu.memory_space<hbm>> -> memref<9216xf32, #tpu.memory_space<hbm>>
      tpu.enqueue_dma source(%arg6 : memref<9216xf32, #tpu.memory_space<vmem>>) target(%dma_start3A_237 : memref<9216xf32, #tpu.memory_space<hbm>>) target_semaphore(%arg10 : memref<!tpu.dma_semaphore, #tpu.memory_space<semaphore_mem>>)
      %add3A_238 = arith.addi %mul3A_2, %add3A_212 : i32
      %add3A_239 = arith.constant 2 : i32
      %add3A_240 = arith.addi %add3A_238, %add3A_239 : i32
      %mul3A_241 = arith.constant 128 : i32
      %mul3A_242 = arith.muli %add3A_240, %mul3A_241 : i32
      %multiple_of3A_243 = tpu.assume_multiple %mul3A_242, 128 : i32
      %dma_start3A_244 = arith.constant 0 : i32
      %dma_start3A_245 = tpu.memref_slice %arg2[%dma_start3A_244, %multiple_of3A_243] : memref<64x1000000xf32, #tpu.memory_space<hbm>> -> memref<64x128xf32, #tpu.memory_space<hbm>>
      %dma_start3A_246 = arith.constant 0 : i32
      %dma_start3A_247 = tpu.memref_slice %arg2[%dma_start3A_246, %multiple_of3A_243] : memref<64x1000000xf32, #tpu.memory_space<hbm>> -> memref<64x128xf32, #tpu.memory_space<hbm>>
      tpu.enqueue_dma source(%dma_start3A_247 : memref<64x128xf32, #tpu.memory_space<hbm>>) target(%arg4 : memref<64x128xf32, #tpu.memory_space<vmem>>) target_semaphore(%arg8 : memref<!tpu.dma_semaphore, #tpu.memory_space<semaphore_mem>>)
      %mul3A_248 = arith.constant 2 : i32
      %mul3A_249 = arith.muli %scan3A_207, %mul3A_248 : i32
      %add3A_250 = arith.constant 1 : i32
      %add3A_251 = arith.addi %mul3A_249, %add3A_250 : i32
      %dma_wait3A_252 = arith.constant 0 : i32
      %dma_wait3A_253 = arith.constant 0 : i32
      %dma_wait3A_254 = tpu.memref_slice %arg2[%dma_wait3A_252, %dma_wait3A_253] : memref<64x1000000xf32, #tpu.memory_space<hbm>> -> memref<64x128xf32, #tpu.memory_space<hbm>>
      %dma_wait3A_255 = arith.constant 0 : i32
      %dma_wait3A_256 = arith.constant 0 : i32
      %dma_wait3A_257 = tpu.memref_slice %arg2[%dma_wait3A_255, %dma_wait3A_256] : memref<64x1000000xf32, #tpu.memory_space<hbm>> -> memref<64x128xf32, #tpu.memory_space<hbm>>
      tpu.wait_dma2 semaphore(%arg9 : memref<!tpu.dma_semaphore, #tpu.memory_space<semaphore_mem>>) src(%dma_wait3A_257 : memref<64x128xf32, #tpu.memory_space<hbm>>) dst(%arg5 : memref<64x128xf32, #tpu.memory_space<vmem>>)
      %dma_wait3A_258 = arith.constant 0 : i32
      %dma_wait3A_259 = tpu.memref_slice %arg3[%dma_wait3A_258] : memref<72000000xf32, #tpu.memory_space<hbm>> -> memref<9216xf32, #tpu.memory_space<hbm>>
      %dma_wait3A_260 = arith.constant 0 : i32
      %dma_wait3A_261 = tpu.memref_slice %arg3[%dma_wait3A_260] : memref<72000000xf32, #tpu.memory_space<hbm>> -> memref<9216xf32, #tpu.memory_space<hbm>>
      tpu.wait_dma2 semaphore(%arg11 : memref<!tpu.dma_semaphore, #tpu.memory_space<semaphore_mem>>) src(%arg7 : memref<9216xf32, #tpu.memory_space<vmem>>) dst(%dma_wait3A_261 : memref<9216xf32, #tpu.memory_space<hbm>>)
      %scan3A_262 = arith.constant 0 : i32
      %scan3A_263 = arith.constant 0 : i32
      %scan3A_264 = arith.constant 64 : i32
      %scan3A_265 = arith.addi %scan3A_263, %scan3A_264 : i32
      %scan3A_266 = arith.constant 1 : i32
      %scan3A_267 = scf.for %scan3A_288 = %scan3A_263 to %scan3A_265 step %scan3A_266 iter_args(%scan3A_289 = %scan3A_262) -> (i32)  : i32 {
        %get3A = arith.index_cast %scan3A_288 : i32 to index
        %get3A_290 = arith.constant 0 : index
        %get3A_291 = tpu.vector_load %arg5[%get3A, %get3A_290] {strides = array<i32>} : memref<64x128xf32, #tpu.memory_space<vmem>>, vector<16xf32>,
        %get3A_292 = arith.index_cast %scan3A_288 : i32 to index
        %get3A_293 = arith.constant 16 : index
        %get3A_294 = tpu.vector_load %arg5[%get3A_292, %get3A_293] {strides = array<i32>} : memref<64x128xf32, #tpu.memory_space<vmem>>, vector<16xf32>,
        %get3A_295 = arith.index_cast %scan3A_288 : i32 to index
        %get3A_296 = arith.constant 32 : index
        %get3A_297 = tpu.vector_load %arg5[%get3A_295, %get3A_296] {strides = array<i32>} : memref<64x128xf32, #tpu.memory_space<vmem>>, vector<16xf32>,
        %get3A_298 = arith.index_cast %scan3A_288 : i32 to index
        %get3A_299 = arith.constant 48 : index
        %get3A_300 = tpu.vector_load %arg5[%get3A_298, %get3A_299] {strides = array<i32>} : memref<64x128xf32, #tpu.memory_space<vmem>>, vector<16xf32>,
        %get3A_301 = arith.index_cast %scan3A_288 : i32 to index
        %get3A_302 = arith.constant 64 : index
        %get3A_303 = tpu.vector_load %arg5[%get3A_301, %get3A_302] {strides = array<i32>} : memref<64x128xf32, #tpu.memory_space<vmem>>, vector<16xf32>,
        %get3A_304 = arith.index_cast %scan3A_288 : i32 to index
        %get3A_305 = arith.constant 80 : index
        %get3A_306 = tpu.vector_load %arg5[%get3A_304, %get3A_305] {strides = array<i32>} : memref<64x128xf32, #tpu.memory_space<vmem>>, vector<16xf32>,
        %get3A_307 = arith.index_cast %scan3A_288 : i32 to index
        %get3A_308 = arith.constant 96 : index
        %get3A_309 = tpu.vector_load %arg5[%get3A_307, %get3A_308] {strides = array<i32>} : memref<64x128xf32, #tpu.memory_space<vmem>>, vector<16xf32>,
        %get3A_310 = arith.index_cast %scan3A_288 : i32 to index
        %get3A_311 = arith.constant 112 : index
        %get3A_312 = tpu.vector_load %arg5[%get3A_310, %get3A_311] {strides = array<i32>} : memref<64x128xf32, #tpu.memory_space<vmem>>, vector<16xf32>,
        %add3A_313 = vector.broadcast %scan3A_288 : i32 to vector<16xi32>
        %add3A_314 = arith.addi %mul3A_8, %add3A_313 : vector<16xi32>
        %add3A_315 = vector.broadcast %scan3A_288 : i32 to vector<16xi32>
        %add3A_316 = arith.addi %mul3A_15, %add3A_315 : vector<16xi32>
        %add3A_317 = vector.broadcast %scan3A_288 : i32 to vector<16xi32>
        %add3A_318 = arith.addi %mul3A_22, %add3A_317 : vector<16xi32>
        %add3A_319 = vector.broadcast %scan3A_288 : i32 to vector<16xi32>
        %add3A_320 = arith.addi %mul3A_29, %add3A_319 : vector<16xi32>
        %add3A_321 = vector.broadcast %scan3A_288 : i32 to vector<16xi32>
        %add3A_322 = arith.addi %mul3A_36, %add3A_321 : vector<16xi32>
        %add3A_323 = vector.broadcast %scan3A_288 : i32 to vector<16xi32>
        %add3A_324 = arith.addi %mul3A_43, %add3A_323 : vector<16xi32>
        %add3A_325 = vector.broadcast %scan3A_288 : i32 to vector<16xi32>
        %add3A_326 = arith.addi %mul3A_50, %add3A_325 : vector<16xi32>
        %add3A_327 = vector.broadcast %scan3A_288 : i32 to vector<16xi32>
        %add3A_328 = arith.addi %mul3A_57, %add3A_327 : vector<16xi32>
        tpu.vector_store_idx %arg7[%add3A_314], %get3A_291 : memref<9216xf32, #tpu.memory_space<vmem>>[vector<16xi32>], vector<16xf32>,
        tpu.vector_store_idx %arg7[%add3A_316], %get3A_294 : memref<9216xf32, #tpu.memory_space<vmem>>[vector<16xi32>], vector<16xf32>,
        tpu.vector_store_idx %arg7[%add3A_318], %get3A_297 : memref<9216xf32, #tpu.memory_space<vmem>>[vector<16xi32>], vector<16xf32>,
        tpu.vector_store_idx %arg7[%add3A_320], %get3A_300 : memref<9216xf32, #tpu.memory_space<vmem>>[vector<16xi32>], vector<16xf32>,
        tpu.vector_store_idx %arg7[%add3A_322], %get3A_303 : memref<9216xf32, #tpu.memory_space<vmem>>[vector<16xi32>], vector<16xf32>,
        tpu.vector_store_idx %arg7[%add3A_324], %get3A_306 : memref<9216xf32, #tpu.memory_space<vmem>>[vector<16xi32>], vector<16xf32>,
        tpu.vector_store_idx %arg7[%add3A_326], %get3A_309 : memref<9216xf32, #tpu.memory_space<vmem>>[vector<16xi32>], vector<16xf32>,
        tpu.vector_store_idx %arg7[%add3A_328], %get3A_312 : memref<9216xf32, #tpu.memory_space<vmem>>[vector<16xi32>], vector<16xf32>,
        %scan3A_329 = arith.constant 0 : i32
        scf.yield %scan3A_329 : i32
      }
      %scan3A_268 = arith.constant 64 : i32
      %add3A_269 = arith.addi %mul3A_2, %add3A_251 : i32
      %mul3A_270 = arith.constant 128 : i32
      %mul3A_271 = arith.muli %add3A_269, %mul3A_270 : i32
      %multiple_of3A_272 = tpu.assume_multiple %mul3A_271, 128 : i32
      %mul3A_273 = arith.constant 72 : i32
      %mul3A_274 = arith.muli %multiple_of3A_272, %mul3A_273 : i32
      %dma_start3A_275 = tpu.memref_slice %arg3[%mul3A_274] : memref<72000000xf32, #tpu.memory_space<hbm>> -> memref<9216xf32, #tpu.memory_space<hbm>>
      %dma_start3A_276 = tpu.memref_slice %arg3[%mul3A_274] : memref<72000000xf32, #tpu.memory_space<hbm>> -> memref<9216xf32, #tpu.memory_space<hbm>>
      tpu.enqueue_dma source(%arg7 : memref<9216xf32, #tpu.memory_space<vmem>>) target(%dma_start3A_276 : memref<9216xf32, #tpu.memory_space<hbm>>) target_semaphore(%arg11 : memref<!tpu.dma_semaphore, #tpu.memory_space<semaphore_mem>>)
      %add3A_277 = arith.addi %mul3A_2, %add3A_251 : i32
      %add3A_278 = arith.constant 2 : i32
      %add3A_279 = arith.addi %add3A_277, %add3A_278 : i32
      %mul3A_280 = arith.constant 128 : i32
      %mul3A_281 = arith.muli %add3A_279, %mul3A_280 : i32
      %multiple_of3A_282 = tpu.assume_multiple %mul3A_281, 128 : i32
      %dma_start3A_283 = arith.constant 0 : i32
      %dma_start3A_284 = tpu.memref_slice %arg2[%dma_start3A_283, %multiple_of3A_282] : memref<64x1000000xf32, #tpu.memory_space<hbm>> -> memref<64x128xf32, #tpu.memory_space<hbm>>
      %dma_start3A_285 = arith.constant 0 : i32
      %dma_start3A_286 = tpu.memref_slice %arg2[%dma_start3A_285, %multiple_of3A_282] : memref<64x1000000xf32, #tpu.memory_space<hbm>> -> memref<64x128xf32, #tpu.memory_space<hbm>>
      tpu.enqueue_dma source(%dma_start3A_286 : memref<64x128xf32, #tpu.memory_space<hbm>>) target(%arg5 : memref<64x128xf32, #tpu.memory_space<vmem>>) target_semaphore(%arg9 : memref<!tpu.dma_semaphore, #tpu.memory_space<semaphore_mem>>)
      %scan3A_287 = arith.constant 0 : i32
      scf.yield %scan3A_287 : i32
    }
    %scan3A_144 = arith.constant 120 : i32
    %dma_wait3A_145 = arith.constant 0 : i32
    %dma_wait3A_146 = arith.constant 0 : i32
    %dma_wait3A_147 = tpu.memref_slice %arg2[%dma_wait3A_145, %dma_wait3A_146] : memref<64x1000000xf32, #tpu.memory_space<hbm>> -> memref<64x128xf32, #tpu.memory_space<hbm>>
    %dma_wait3A_148 = arith.constant 0 : i32
    %dma_wait3A_149 = arith.constant 0 : i32
    %dma_wait3A_150 = tpu.memref_slice %arg2[%dma_wait3A_148, %dma_wait3A_149] : memref<64x1000000xf32, #tpu.memory_space<hbm>> -> memref<64x128xf32, #tpu.memory_space<hbm>>
    tpu.wait_dma2 semaphore(%arg8 : memref<!tpu.dma_semaphore, #tpu.memory_space<semaphore_mem>>) src(%dma_wait3A_150 : memref<64x128xf32, #tpu.memory_space<hbm>>) dst(%arg4 : memref<64x128xf32, #tpu.memory_space<vmem>>)
    %dma_wait3A_151 = arith.constant 0 : i32
    %dma_wait3A_152 = tpu.memref_slice %arg3[%dma_wait3A_151] : memref<72000000xf32, #tpu.memory_space<hbm>> -> memref<9216xf32, #tpu.memory_space<hbm>>
    %dma_wait3A_153 = arith.constant 0 : i32
    %dma_wait3A_154 = tpu.memref_slice %arg3[%dma_wait3A_153] : memref<72000000xf32, #tpu.memory_space<hbm>> -> memref<9216xf32, #tpu.memory_space<hbm>>
    tpu.wait_dma2 semaphore(%arg10 : memref<!tpu.dma_semaphore, #tpu.memory_space<semaphore_mem>>) src(%arg6 : memref<9216xf32, #tpu.memory_space<vmem>>) dst(%dma_wait3A_154 : memref<9216xf32, #tpu.memory_space<hbm>>)
    %scan3A_155 = arith.constant 0 : i32
    %scan3A_156 = arith.constant 0 : i32
    %scan3A_157 = arith.constant 64 : i32
    %scan3A_158 = arith.addi %scan3A_156, %scan3A_157 : i32
    %scan3A_159 = arith.constant 1 : i32
    %scan3A_160 = scf.for %scan3A_207 = %scan3A_156 to %scan3A_158 step %scan3A_159 iter_args(%scan3A_208 = %scan3A_155) -> (i32)  : i32 {
      %get3A = arith.index_cast %scan3A_207 : i32 to index
      %get3A_209 = arith.constant 0 : index
      %get3A_210 = tpu.vector_load %arg4[%get3A, %get3A_209] {strides = array<i32>} : memref<64x128xf32, #tpu.memory_space<vmem>>, vector<16xf32>,
      %get3A_211 = arith.index_cast %scan3A_207 : i32 to index
      %get3A_212 = arith.constant 16 : index
      %get3A_213 = tpu.vector_load %arg4[%get3A_211, %get3A_212] {strides = array<i32>} : memref<64x128xf32, #tpu.memory_space<vmem>>, vector<16xf32>,
      %get3A_214 = arith.index_cast %scan3A_207 : i32 to index
      %get3A_215 = arith.constant 32 : index
      %get3A_216 = tpu.vector_load %arg4[%get3A_214, %get3A_215] {strides = array<i32>} : memref<64x128xf32, #tpu.memory_space<vmem>>, vector<16xf32>,
      %get3A_217 = arith.index_cast %scan3A_207 : i32 to index
      %get3A_218 = arith.constant 48 : index
      %get3A_219 = tpu.vector_load %arg4[%get3A_217, %get3A_218] {strides = array<i32>} : memref<64x128xf32, #tpu.memory_space<vmem>>, vector<16xf32>,
      %get3A_220 = arith.index_cast %scan3A_207 : i32 to index
      %get3A_221 = arith.constant 64 : index
      %get3A_222 = tpu.vector_load %arg4[%get3A_220, %get3A_221] {strides = array<i32>} : memref<64x128xf32, #tpu.memory_space<vmem>>, vector<16xf32>,
      %get3A_223 = arith.index_cast %scan3A_207 : i32 to index
      %get3A_224 = arith.constant 80 : index
      %get3A_225 = tpu.vector_load %arg4[%get3A_223, %get3A_224] {strides = array<i32>} : memref<64x128xf32, #tpu.memory_space<vmem>>, vector<16xf32>,
      %get3A_226 = arith.index_cast %scan3A_207 : i32 to index
      %get3A_227 = arith.constant 96 : index
      %get3A_228 = tpu.vector_load %arg4[%get3A_226, %get3A_227] {strides = array<i32>} : memref<64x128xf32, #tpu.memory_space<vmem>>, vector<16xf32>,
      %get3A_229 = arith.index_cast %scan3A_207 : i32 to index
      %get3A_230 = arith.constant 112 : index
      %get3A_231 = tpu.vector_load %arg4[%get3A_229, %get3A_230] {strides = array<i32>} : memref<64x128xf32, #tpu.memory_space<vmem>>, vector<16xf32>,
      %add3A_232 = vector.broadcast %scan3A_207 : i32 to vector<16xi32>
      %add3A_233 = arith.addi %mul3A_8, %add3A_232 : vector<16xi32>
      %add3A_234 = vector.broadcast %scan3A_207 : i32 to vector<16xi32>
      %add3A_235 = arith.addi %mul3A_15, %add3A_234 : vector<16xi32>
      %add3A_236 = vector.broadcast %scan3A_207 : i32 to vector<16xi32>
      %add3A_237 = arith.addi %mul3A_22, %add3A_236 : vector<16xi32>
      %add3A_238 = vector.broadcast %scan3A_207 : i32 to vector<16xi32>
      %add3A_239 = arith.addi %mul3A_29, %add3A_238 : vector<16xi32>
      %add3A_240 = vector.broadcast %scan3A_207 : i32 to vector<16xi32>
      %add3A_241 = arith.addi %mul3A_36, %add3A_240 : vector<16xi32>
      %add3A_242 = vector.broadcast %scan3A_207 : i32 to vector<16xi32>
      %add3A_243 = arith.addi %mul3A_43, %add3A_242 : vector<16xi32>
      %add3A_244 = vector.broadcast %scan3A_207 : i32 to vector<16xi32>
      %add3A_245 = arith.addi %mul3A_50, %add3A_244 : vector<16xi32>
      %add3A_246 = vector.broadcast %scan3A_207 : i32 to vector<16xi32>
      %add3A_247 = arith.addi %mul3A_57, %add3A_246 : vector<16xi32>
      tpu.vector_store_idx %arg6[%add3A_233], %get3A_210 : memref<9216xf32, #tpu.memory_space<vmem>>[vector<16xi32>], vector<16xf32>,
      tpu.vector_store_idx %arg6[%add3A_235], %get3A_213 : memref<9216xf32, #tpu.memory_space<vmem>>[vector<16xi32>], vector<16xf32>,
      tpu.vector_store_idx %arg6[%add3A_237], %get3A_216 : memref<9216xf32, #tpu.memory_space<vmem>>[vector<16xi32>], vector<16xf32>,
      tpu.vector_store_idx %arg6[%add3A_239], %get3A_219 : memref<9216xf32, #tpu.memory_space<vmem>>[vector<16xi32>], vector<16xf32>,
      tpu.vector_store_idx %arg6[%add3A_241], %get3A_222 : memref<9216xf32, #tpu.memory_space<vmem>>[vector<16xi32>], vector<16xf32>,
      tpu.vector_store_idx %arg6[%add3A_243], %get3A_225 : memref<9216xf32, #tpu.memory_space<vmem>>[vector<16xi32>], vector<16xf32>,
      tpu.vector_store_idx %arg6[%add3A_245], %get3A_228 : memref<9216xf32, #tpu.memory_space<vmem>>[vector<16xi32>], vector<16xf32>,
      tpu.vector_store_idx %arg6[%add3A_247], %get3A_231 : memref<9216xf32, #tpu.memory_space<vmem>>[vector<16xi32>], vector<16xf32>,
      %scan3A_248 = arith.constant 0 : i32
      scf.yield %scan3A_248 : i32
    }
    %scan3A_161 = arith.constant 64 : i32
    %add3A_162 = arith.constant 242 : i32
    %add3A_163 = arith.addi %mul3A_2, %add3A_162 : i32
    %mul3A_164 = arith.constant 128 : i32
    %mul3A_165 = arith.muli %add3A_163, %mul3A_164 : i32
    %multiple_of3A_166 = tpu.assume_multiple %mul3A_165, 128 : i32
    %mul3A_167 = arith.constant 72 : i32
    %mul3A_168 = arith.muli %multiple_of3A_166, %mul3A_167 : i32
    %dma_start3A_169 = tpu.memref_slice %arg3[%mul3A_168] : memref<72000000xf32, #tpu.memory_space<hbm>> -> memref<9216xf32, #tpu.memory_space<hbm>>
    %dma_start3A_170 = tpu.memref_slice %arg3[%mul3A_168] : memref<72000000xf32, #tpu.memory_space<hbm>> -> memref<9216xf32, #tpu.memory_space<hbm>>
    tpu.enqueue_dma source(%arg6 : memref<9216xf32, #tpu.memory_space<vmem>>) target(%dma_start3A_170 : memref<9216xf32, #tpu.memory_space<hbm>>) target_semaphore(%arg10 : memref<!tpu.dma_semaphore, #tpu.memory_space<semaphore_mem>>)
    %dma_wait3A_171 = arith.constant 0 : i32
    %dma_wait3A_172 = arith.constant 0 : i32
    %dma_wait3A_173 = tpu.memref_slice %arg2[%dma_wait3A_171, %dma_wait3A_172] : memref<64x1000000xf32, #tpu.memory_space<hbm>> -> memref<64x128xf32, #tpu.memory_space<hbm>>
    %dma_wait3A_174 = arith.constant 0 : i32
    %dma_wait3A_175 = arith.constant 0 : i32
    %dma_wait3A_176 = tpu.memref_slice %arg2[%dma_wait3A_174, %dma_wait3A_175] : memref<64x1000000xf32, #tpu.memory_space<hbm>> -> memref<64x128xf32, #tpu.memory_space<hbm>>
    tpu.wait_dma2 semaphore(%arg9 : memref<!tpu.dma_semaphore, #tpu.memory_space<semaphore_mem>>) src(%dma_wait3A_176 : memref<64x128xf32, #tpu.memory_space<hbm>>) dst(%arg5 : memref<64x128xf32, #tpu.memory_space<vmem>>)
    %dma_wait3A_177 = arith.constant 0 : i32
    %dma_wait3A_178 = tpu.memref_slice %arg3[%dma_wait3A_177] : memref<72000000xf32, #tpu.memory_space<hbm>> -> memref<9216xf32, #tpu.memory_space<hbm>>
    %dma_wait3A_179 = arith.constant 0 : i32
    %dma_wait3A_180 = tpu.memref_slice %arg3[%dma_wait3A_179] : memref<72000000xf32, #tpu.memory_space<hbm>> -> memref<9216xf32, #tpu.memory_space<hbm>>
    tpu.wait_dma2 semaphore(%arg11 : memref<!tpu.dma_semaphore, #tpu.memory_space<semaphore_mem>>) src(%arg7 : memref<9216xf32, #tpu.memory_space<vmem>>) dst(%dma_wait3A_180 : memref<9216xf32, #tpu.memory_space<hbm>>)
    %scan3A_181 = arith.constant 0 : i32
    %scan3A_182 = arith.constant 0 : i32
    %scan3A_183 = arith.constant 64 : i32
    %scan3A_184 = arith.addi %scan3A_182, %scan3A_183 : i32
    %scan3A_185 = arith.constant 1 : i32
    %scan3A_186 = scf.for %scan3A_207 = %scan3A_182 to %scan3A_184 step %scan3A_185 iter_args(%scan3A_208 = %scan3A_181) -> (i32)  : i32 {
      %get3A = arith.index_cast %scan3A_207 : i32 to index
      %get3A_209 = arith.constant 0 : index
      %get3A_210 = tpu.vector_load %arg5[%get3A, %get3A_209] {strides = array<i32>} : memref<64x128xf32, #tpu.memory_space<vmem>>, vector<16xf32>,
      %get3A_211 = arith.index_cast %scan3A_207 : i32 to index
      %get3A_212 = arith.constant 16 : index
      %get3A_213 = tpu.vector_load %arg5[%get3A_211, %get3A_212] {strides = array<i32>} : memref<64x128xf32, #tpu.memory_space<vmem>>, vector<16xf32>,
      %get3A_214 = arith.index_cast %scan3A_207 : i32 to index
      %get3A_215 = arith.constant 32 : index
      %get3A_216 = tpu.vector_load %arg5[%get3A_214, %get3A_215] {strides = array<i32>} : memref<64x128xf32, #tpu.memory_space<vmem>>, vector<16xf32>,
      %get3A_217 = arith.index_cast %scan3A_207 : i32 to index
      %get3A_218 = arith.constant 48 : index
      %get3A_219 = tpu.vector_load %arg5[%get3A_217, %get3A_218] {strides = array<i32>} : memref<64x128xf32, #tpu.memory_space<vmem>>, vector<16xf32>,
      %get3A_220 = arith.index_cast %scan3A_207 : i32 to index
      %get3A_221 = arith.constant 64 : index
      %get3A_222 = tpu.vector_load %arg5[%get3A_220, %get3A_221] {strides = array<i32>} : memref<64x128xf32, #tpu.memory_space<vmem>>, vector<16xf32>,
      %get3A_223 = arith.index_cast %scan3A_207 : i32 to index
      %get3A_224 = arith.constant 80 : index
      %get3A_225 = tpu.vector_load %arg5[%get3A_223, %get3A_224] {strides = array<i32>} : memref<64x128xf32, #tpu.memory_space<vmem>>, vector<16xf32>,
      %get3A_226 = arith.index_cast %scan3A_207 : i32 to index
      %get3A_227 = arith.constant 96 : index
      %get3A_228 = tpu.vector_load %arg5[%get3A_226, %get3A_227] {strides = array<i32>} : memref<64x128xf32, #tpu.memory_space<vmem>>, vector<16xf32>,
      %get3A_229 = arith.index_cast %scan3A_207 : i32 to index
      %get3A_230 = arith.constant 112 : index
      %get3A_231 = tpu.vector_load %arg5[%get3A_229, %get3A_230] {strides = array<i32>} : memref<64x128xf32, #tpu.memory_space<vmem>>, vector<16xf32>,
      %add3A_232 = vector.broadcast %scan3A_207 : i32 to vector<16xi32>
      %add3A_233 = arith.addi %mul3A_8, %add3A_232 : vector<16xi32>
      %add3A_234 = vector.broadcast %scan3A_207 : i32 to vector<16xi32>
      %add3A_235 = arith.addi %mul3A_15, %add3A_234 : vector<16xi32>
      %add3A_236 = vector.broadcast %scan3A_207 : i32 to vector<16xi32>
      %add3A_237 = arith.addi %mul3A_22, %add3A_236 : vector<16xi32>
      %add3A_238 = vector.broadcast %scan3A_207 : i32 to vector<16xi32>
      %add3A_239 = arith.addi %mul3A_29, %add3A_238 : vector<16xi32>
      %add3A_240 = vector.broadcast %scan3A_207 : i32 to vector<16xi32>
      %add3A_241 = arith.addi %mul3A_36, %add3A_240 : vector<16xi32>
      %add3A_242 = vector.broadcast %scan3A_207 : i32 to vector<16xi32>
      %add3A_243 = arith.addi %mul3A_43, %add3A_242 : vector<16xi32>
      %add3A_244 = vector.broadcast %scan3A_207 : i32 to vector<16xi32>
      %add3A_245 = arith.addi %mul3A_50, %add3A_244 : vector<16xi32>
      %add3A_246 = vector.broadcast %scan3A_207 : i32 to vector<16xi32>
      %add3A_247 = arith.addi %mul3A_57, %add3A_246 : vector<16xi32>
      tpu.vector_store_idx %arg7[%add3A_233], %get3A_210 : memref<9216xf32, #tpu.memory_space<vmem>>[vector<16xi32>], vector<16xf32>,
      tpu.vector_store_idx %arg7[%add3A_235], %get3A_213 : memref<9216xf32, #tpu.memory_space<vmem>>[vector<16xi32>], vector<16xf32>,
      tpu.vector_store_idx %arg7[%add3A_237], %get3A_216 : memref<9216xf32, #tpu.memory_space<vmem>>[vector<16xi32>], vector<16xf32>,
      tpu.vector_store_idx %arg7[%add3A_239], %get3A_219 : memref<9216xf32, #tpu.memory_space<vmem>>[vector<16xi32>], vector<16xf32>,
      tpu.vector_store_idx %arg7[%add3A_241], %get3A_222 : memref<9216xf32, #tpu.memory_space<vmem>>[vector<16xi32>], vector<16xf32>,
      tpu.vector_store_idx %arg7[%add3A_243], %get3A_225 : memref<9216xf32, #tpu.memory_space<vmem>>[vector<16xi32>], vector<16xf32>,
      tpu.vector_store_idx %arg7[%add3A_245], %get3A_228 : memref<9216xf32, #tpu.memory_space<vmem>>[vector<16xi32>], vector<16xf32>,
      tpu.vector_store_idx %arg7[%add3A_247], %get3A_231 : memref<9216xf32, #tpu.memory_space<vmem>>[vector<16xi32>], vector<16xf32>,
      %scan3A_248 = arith.constant 0 : i32
      scf.yield %scan3A_248 : i32
    }
    %scan3A_187 = arith.constant 64 : i32
    %add3A_188 = arith.constant 243 : i32
    %add3A_189 = arith.addi %mul3A_2, %add3A_188 : i32
    %mul3A_190 = arith.constant 128 : i32
    %mul3A_191 = arith.muli %add3A_189, %mul3A_190 : i32
    %multiple_of3A_192 = tpu.assume_multiple %mul3A_191, 128 : i32
    %mul3A_193 = arith.constant 72 : i32
    %mul3A_194 = arith.muli %multiple_of3A_192, %mul3A_193 : i32
    %dma_start3A_195 = tpu.memref_slice %arg3[%mul3A_194] : memref<72000000xf32, #tpu.memory_space<hbm>> -> memref<9216xf32, #tpu.memory_space<hbm>>
    %dma_start3A_196 = tpu.memref_slice %arg3[%mul3A_194] : memref<72000000xf32, #tpu.memory_space<hbm>> -> memref<9216xf32, #tpu.memory_space<hbm>>
    tpu.enqueue_dma source(%arg7 : memref<9216xf32, #tpu.memory_space<vmem>>) target(%dma_start3A_196 : memref<9216xf32, #tpu.memory_space<hbm>>) target_semaphore(%arg11 : memref<!tpu.dma_semaphore, #tpu.memory_space<semaphore_mem>>)
    %dma_wait3A_197 = arith.constant 0 : i32
    %dma_wait3A_198 = tpu.memref_slice %arg3[%dma_wait3A_197] : memref<72000000xf32, #tpu.memory_space<hbm>> -> memref<9216xf32, #tpu.memory_space<hbm>>
    %dma_wait3A_199 = arith.constant 0 : i32
    %dma_wait3A_200 = tpu.memref_slice %arg3[%dma_wait3A_199] : memref<72000000xf32, #tpu.memory_space<hbm>> -> memref<9216xf32, #tpu.memory_space<hbm>>
    tpu.wait_dma2 semaphore(%arg10 : memref<!tpu.dma_semaphore, #tpu.memory_space<semaphore_mem>>) src(%arg6 : memref<9216xf32, #tpu.memory_space<vmem>>) dst(%dma_wait3A_200 : memref<9216xf32, #tpu.memory_space<hbm>>)
    %dma_wait3A_201 = arith.constant 0 : i32
    %dma_wait3A_202 = tpu.memref_slice %arg3[%dma_wait3A_201] : memref<72000000xf32, #tpu.memory_space<hbm>> -> memref<9216xf32, #tpu.memory_space<hbm>>
    %dma_wait3A_203 = arith.constant 0 : i32
    %dma_wait3A_204 = tpu.memref_slice %arg3[%dma_wait3A_203] : memref<72000000xf32, #tpu.memory_space<hbm>> -> memref<9216xf32, #tpu.memory_space<hbm>>
    tpu.wait_dma2 semaphore(%arg11 : memref<!tpu.dma_semaphore, #tpu.memory_space<semaphore_mem>>) src(%arg7 : memref<9216xf32, #tpu.memory_space<vmem>>) dst(%dma_wait3A_204 : memref<9216xf32, #tpu.memory_space<hbm>>)
    %lt3A = arith.constant 4 : i32
    %lt3A_205 = arith.cmpi slt, %add3A, %lt3A : i32
    %convert_element_type3A = arith.extui %lt3A_205 : i1 to i32
    %cond3A = arith.constant 0 : i32
    %cond3A_206 = arith.cmpi ne, %convert_element_type3A, %cond3A : i32
    scf.if %cond3A_206 {
      %add3A_207 = arith.constant 7808 : i32
      %add3A_208 = arith.addi %add3A_207, %add3A : i32
      %mul3A_209 = arith.constant 128 : i32
      %mul3A_210 = arith.muli %add3A_208, %mul3A_209 : i32
      %multiple_of3A_211 = tpu.assume_multiple %mul3A_210, 128 : i32
      "tpu.region"() ({
        %run_scoped3A = tpu.sem_alloc : memref<!tpu.dma_semaphore, #tpu.memory_space<semaphore_mem>>
        %dma_start3A_224 = arith.constant 0 : i32
        %dma_start3A_225 = tpu.memref_slice %arg2[%dma_start3A_224, %multiple_of3A_211] : memref<64x1000000xf32, #tpu.memory_space<hbm>> -> memref<64x128xf32, #tpu.memory_space<hbm>>
        %dma_start3A_226 = arith.constant 0 : i32
        %dma_start3A_227 = tpu.memref_slice %arg2[%dma_start3A_226, %multiple_of3A_211] : memref<64x1000000xf32, #tpu.memory_space<hbm>> -> memref<64x128xf32, #tpu.memory_space<hbm>>
        tpu.enqueue_dma source(%dma_start3A_227 : memref<64x128xf32, #tpu.memory_space<hbm>>) target(%arg4 : memref<64x128xf32, #tpu.memory_space<vmem>>) target_semaphore(%run_scoped3A : memref<!tpu.dma_semaphore, #tpu.memory_space<semaphore_mem>>)
        %dma_wait3A_228 = arith.constant 0 : i32
        %dma_wait3A_229 = tpu.memref_slice %arg2[%dma_wait3A_228, %multiple_of3A_211] : memref<64x1000000xf32, #tpu.memory_space<hbm>> -> memref<64x128xf32, #tpu.memory_space<hbm>>
        %dma_wait3A_230 = arith.constant 0 : i32
        %dma_wait3A_231 = tpu.memref_slice %arg2[%dma_wait3A_230, %multiple_of3A_211] : memref<64x1000000xf32, #tpu.memory_space<hbm>> -> memref<64x128xf32, #tpu.memory_space<hbm>>
        tpu.wait_dma2 semaphore(%run_scoped3A : memref<!tpu.dma_semaphore, #tpu.memory_space<semaphore_mem>>) src(%dma_wait3A_231 : memref<64x128xf32, #tpu.memory_space<hbm>>) dst(%arg4 : memref<64x128xf32, #tpu.memory_space<vmem>>)
        tpu.yield
      }) : () -> ()
      %scan3A_212 = arith.constant 0 : i32
      %scan3A_213 = arith.constant 0 : i32
      %scan3A_214 = arith.constant 64 : i32
      %scan3A_215 = arith.addi %scan3A_213, %scan3A_214 : i32
      %scan3A_216 = arith.constant 1 : i32
      %scan3A_217 = scf.for %scan3A_224 = %scan3A_213 to %scan3A_215 step %scan3A_216 iter_args(%scan3A_225 = %scan3A_212) -> (i32)  : i32 {
        %get3A = arith.index_cast %scan3A_224 : i32 to index
        %get3A_226 = arith.constant 0 : index
        %get3A_227 = tpu.vector_load %arg4[%get3A, %get3A_226] {strides = array<i32>} : memref<64x128xf32, #tpu.memory_space<vmem>>, vector<16xf32>,
        %get3A_228 = arith.index_cast %scan3A_224 : i32 to index
        %get3A_229 = arith.constant 16 : index
        %get3A_230 = tpu.vector_load %arg4[%get3A_228, %get3A_229] {strides = array<i32>} : memref<64x128xf32, #tpu.memory_space<vmem>>, vector<16xf32>,
        %get3A_231 = arith.index_cast %scan3A_224 : i32 to index
        %get3A_232 = arith.constant 32 : index
        %get3A_233 = tpu.vector_load %arg4[%get3A_231, %get3A_232] {strides = array<i32>} : memref<64x128xf32, #tpu.memory_space<vmem>>, vector<16xf32>,
        %get3A_234 = arith.index_cast %scan3A_224 : i32 to index
        %get3A_235 = arith.constant 48 : index
        %get3A_236 = tpu.vector_load %arg4[%get3A_234, %get3A_235] {strides = array<i32>} : memref<64x128xf32, #tpu.memory_space<vmem>>, vector<16xf32>,
        %get3A_237 = arith.index_cast %scan3A_224 : i32 to index
        %get3A_238 = arith.constant 64 : index
        %get3A_239 = tpu.vector_load %arg4[%get3A_237, %get3A_238] {strides = array<i32>} : memref<64x128xf32, #tpu.memory_space<vmem>>, vector<16xf32>,
        %get3A_240 = arith.index_cast %scan3A_224 : i32 to index
        %get3A_241 = arith.constant 80 : index
        %get3A_242 = tpu.vector_load %arg4[%get3A_240, %get3A_241] {strides = array<i32>} : memref<64x128xf32, #tpu.memory_space<vmem>>, vector<16xf32>,
        %get3A_243 = arith.index_cast %scan3A_224 : i32 to index
        %get3A_244 = arith.constant 96 : index
        %get3A_245 = tpu.vector_load %arg4[%get3A_243, %get3A_244] {strides = array<i32>} : memref<64x128xf32, #tpu.memory_space<vmem>>, vector<16xf32>,
        %get3A_246 = arith.index_cast %scan3A_224 : i32 to index
        %get3A_247 = arith.constant 112 : index
        %get3A_248 = tpu.vector_load %arg4[%get3A_246, %get3A_247] {strides = array<i32>} : memref<64x128xf32, #tpu.memory_space<vmem>>, vector<16xf32>,
        %add3A_249 = vector.broadcast %scan3A_224 : i32 to vector<16xi32>
        %add3A_250 = arith.addi %mul3A_8, %add3A_249 : vector<16xi32>
        %add3A_251 = vector.broadcast %scan3A_224 : i32 to vector<16xi32>
        %add3A_252 = arith.addi %mul3A_15, %add3A_251 : vector<16xi32>
        %add3A_253 = vector.broadcast %scan3A_224 : i32 to vector<16xi32>
        %add3A_254 = arith.addi %mul3A_22, %add3A_253 : vector<16xi32>
        %add3A_255 = vector.broadcast %scan3A_224 : i32 to vector<16xi32>
        %add3A_256 = arith.addi %mul3A_29, %add3A_255 : vector<16xi32>
        %add3A_257 = vector.broadcast %scan3A_224 : i32 to vector<16xi32>
        %add3A_258 = arith.addi %mul3A_36, %add3A_257 : vector<16xi32>
        %add3A_259 = vector.broadcast %scan3A_224 : i32 to vector<16xi32>
        %add3A_260 = arith.addi %mul3A_43, %add3A_259 : vector<16xi32>
        %add3A_261 = vector.broadcast %scan3A_224 : i32 to vector<16xi32>
        %add3A_262 = arith.addi %mul3A_50, %add3A_261 : vector<16xi32>
        %add3A_263 = vector.broadcast %scan3A_224 : i32 to vector<16xi32>
        %add3A_264 = arith.addi %mul3A_57, %add3A_263 : vector<16xi32>
        tpu.vector_store_idx %arg6[%add3A_250], %get3A_227 : memref<9216xf32, #tpu.memory_space<vmem>>[vector<16xi32>], vector<16xf32>,
        tpu.vector_store_idx %arg6[%add3A_252], %get3A_230 : memref<9216xf32, #tpu.memory_space<vmem>>[vector<16xi32>], vector<16xf32>,
        tpu.vector_store_idx %arg6[%add3A_254], %get3A_233 : memref<9216xf32, #tpu.memory_space<vmem>>[vector<16xi32>], vector<16xf32>,
        tpu.vector_store_idx %arg6[%add3A_256], %get3A_236 : memref<9216xf32, #tpu.memory_space<vmem>>[vector<16xi32>], vector<16xf32>,
        tpu.vector_store_idx %arg6[%add3A_258], %get3A_239 : memref<9216xf32, #tpu.memory_space<vmem>>[vector<16xi32>], vector<16xf32>,
        tpu.vector_store_idx %arg6[%add3A_260], %get3A_242 : memref<9216xf32, #tpu.memory_space<vmem>>[vector<16xi32>], vector<16xf32>,
        tpu.vector_store_idx %arg6[%add3A_262], %get3A_245 : memref<9216xf32, #tpu.memory_space<vmem>>[vector<16xi32>], vector<16xf32>,
        tpu.vector_store_idx %arg6[%add3A_264], %get3A_248 : memref<9216xf32, #tpu.memory_space<vmem>>[vector<16xi32>], vector<16xf32>,
        %scan3A_265 = arith.constant 0 : i32
        scf.yield %scan3A_265 : i32
      }
      %scan3A_218 = arith.constant 64 : i32
      %mul3A_219 = arith.constant 128 : i32
      %mul3A_220 = arith.muli %add3A_208, %mul3A_219 : i32
      %multiple_of3A_221 = tpu.assume_multiple %mul3A_220, 128 : i32
      %mul3A_222 = arith.constant 72 : i32
      %mul3A_223 = arith.muli %multiple_of3A_221, %mul3A_222 : i32
      "tpu.region"() ({
        %run_scoped3A = tpu.sem_alloc : memref<!tpu.dma_semaphore, #tpu.memory_space<semaphore_mem>>
        %dma_start3A_224 = tpu.memref_slice %arg3[%mul3A_223] : memref<72000000xf32, #tpu.memory_space<hbm>> -> memref<9216xf32, #tpu.memory_space<hbm>>
        %dma_start3A_225 = tpu.memref_slice %arg3[%mul3A_223] : memref<72000000xf32, #tpu.memory_space<hbm>> -> memref<9216xf32, #tpu.memory_space<hbm>>
        tpu.enqueue_dma source(%arg6 : memref<9216xf32, #tpu.memory_space<vmem>>) target(%dma_start3A_225 : memref<9216xf32, #tpu.memory_space<hbm>>) target_semaphore(%run_scoped3A : memref<!tpu.dma_semaphore, #tpu.memory_space<semaphore_mem>>)
        %dma_wait3A_226 = tpu.memref_slice %arg3[%mul3A_223] : memref<72000000xf32, #tpu.memory_space<hbm>> -> memref<9216xf32, #tpu.memory_space<hbm>>
        %dma_wait3A_227 = tpu.memref_slice %arg3[%mul3A_223] : memref<72000000xf32, #tpu.memory_space<hbm>> -> memref<9216xf32, #tpu.memory_space<hbm>>
        tpu.wait_dma2 semaphore(%run_scoped3A : memref<!tpu.dma_semaphore, #tpu.memory_space<semaphore_mem>>) src(%arg6 : memref<9216xf32, #tpu.memory_space<vmem>>) dst(%dma_wait3A_227 : memref<9216xf32, #tpu.memory_space<hbm>>)
        tpu.yield
      }) : () -> ()
    } else {
    }
    return
  }
}

#map = affine_map<(d0, d1) -> (0, 0)>
module attributes {stable_mosaic.version = 14 : i64} {
  func.func @_gather_body(%arg0: i32, %arg1: i32, %arg2: memref<6400x128xi32, #tpu.memory_space<hbm>>, %arg3: memref<1000000x72xf32, #tpu.memory_space<hbm>>, %arg4: memref<819200x128xf32, #tpu.memory_space<hbm>>, %arg5: memref<2x4x128xi32, #tpu.memory_space<vmem>>, %arg6: memref<2x512x72xf32, #tpu.memory_space<vmem>>, %arg7: memref<!tpu.dma_semaphore, #tpu.memory_space<semaphore_mem>>, %arg8: memref<!tpu.dma_semaphore, #tpu.memory_space<semaphore_mem>>, %arg9: memref<!tpu.dma_semaphore, #tpu.memory_space<semaphore_mem>>, %arg10: memref<!tpu.dma_semaphore, #tpu.memory_space<semaphore_mem>>) attributes {dimension_semantics = [#tpu.dimension_semantics<core_parallel>, #tpu.dimension_semantics<subcore_parallel>], iteration_bounds = array<i64: 2, 16>, scalar_prefetch = 0 : i64, scratch_operands = 6 : i64, tpu.core_type = #tpu.core_type<sc_vector_subcore>, window_params = [{transform_indices = #map}, {transform_indices = #map}, {transform_indices = #map}]} {
    %mul3A = arith.constant 2 : i32
    %mul3A_0 = arith.muli %arg1, %mul3A : i32
    %add3A = arith.addi %mul3A_0, %arg0 : i32
    %mul3A_1 = arith.constant 200 : i32
    %mul3A_2 = arith.muli %add3A, %mul3A_1 : i32
    %mul3A_3 = arith.constant 25600 : i32
    %mul3A_4 = arith.muli %add3A, %mul3A_3 : i32
    %add3A_5 = arith.constant 0 : i32
    %add3A_6 = arith.addi %mul3A_2, %add3A_5 : i32
    %run_scoped3A = arith.constant 0 : i32
    "tpu.region"() ({
      %run_scoped3A_402 = tpu.sem_alloc : memref<!tpu.dma_semaphore, #tpu.memory_space<semaphore_mem>>
      %dma_start3A_403 = arith.constant 0 : i32
      %dma_start3A_404 = arith.constant 0 : i32
      %dma_start3A_405 = tpu.memref_slice %arg5[%run_scoped3A, %dma_start3A_403, %dma_start3A_404] : memref<2x4x128xi32, #tpu.memory_space<vmem>> -> memref<1x4x128xi32, #tpu.memory_space<vmem>>
      %dma_start3A_406 = tpu.memref_squeeze %dma_start3A_405 : memref<1x4x128xi32, #tpu.memory_space<vmem>> -> memref<4x128xi32, #tpu.memory_space<vmem>>
      %dma_start3A_407 = arith.constant 0 : i32
      %dma_start3A_408 = tpu.memref_slice %arg2[%add3A_6, %dma_start3A_407] : memref<6400x128xi32, #tpu.memory_space<hbm>> -> memref<4x128xi32, #tpu.memory_space<hbm>>
      %dma_start3A_409 = arith.constant 0 : i32
      %dma_start3A_410 = arith.constant 0 : i32
      %dma_start3A_411 = tpu.memref_slice %arg5[%run_scoped3A, %dma_start3A_409, %dma_start3A_410] : memref<2x4x128xi32, #tpu.memory_space<vmem>> -> memref<1x4x128xi32, #tpu.memory_space<vmem>>
      %dma_start3A_412 = tpu.memref_squeeze %dma_start3A_411 : memref<1x4x128xi32, #tpu.memory_space<vmem>> -> memref<4x128xi32, #tpu.memory_space<vmem>>
      %dma_start3A_413 = arith.constant 0 : i32
      %dma_start3A_414 = tpu.memref_slice %arg2[%add3A_6, %dma_start3A_413] : memref<6400x128xi32, #tpu.memory_space<hbm>> -> memref<4x128xi32, #tpu.memory_space<hbm>>
      tpu.enqueue_dma source(%dma_start3A_414 : memref<4x128xi32, #tpu.memory_space<hbm>>) target(%dma_start3A_412 : memref<4x128xi32, #tpu.memory_space<vmem>>) target_semaphore(%run_scoped3A_402 : memref<!tpu.dma_semaphore, #tpu.memory_space<semaphore_mem>>)
      %dma_wait3A_415 = arith.constant 0 : i32
      %dma_wait3A_416 = arith.constant 0 : i32
      %dma_wait3A_417 = tpu.memref_slice %arg5[%run_scoped3A, %dma_wait3A_415, %dma_wait3A_416] : memref<2x4x128xi32, #tpu.memory_space<vmem>> -> memref<1x4x128xi32, #tpu.memory_space<vmem>>
      %dma_wait3A_418 = tpu.memref_squeeze %dma_wait3A_417 : memref<1x4x128xi32, #tpu.memory_space<vmem>> -> memref<4x128xi32, #tpu.memory_space<vmem>>
      %dma_wait3A_419 = arith.constant 0 : i32
      %dma_wait3A_420 = tpu.memref_slice %arg2[%add3A_6, %dma_wait3A_419] : memref<6400x128xi32, #tpu.memory_space<hbm>> -> memref<4x128xi32, #tpu.memory_space<hbm>>
      %dma_wait3A_421 = arith.constant 0 : i32
      %dma_wait3A_422 = arith.constant 0 : i32
      %dma_wait3A_423 = tpu.memref_slice %arg5[%run_scoped3A, %dma_wait3A_421, %dma_wait3A_422] : memref<2x4x128xi32, #tpu.memory_space<vmem>> -> memref<1x4x128xi32, #tpu.memory_space<vmem>>
      %dma_wait3A_424 = tpu.memref_squeeze %dma_wait3A_423 : memref<1x4x128xi32, #tpu.memory_space<vmem>> -> memref<4x128xi32, #tpu.memory_space<vmem>>
      %dma_wait3A_425 = arith.constant 0 : i32
      %dma_wait3A_426 = tpu.memref_slice %arg2[%add3A_6, %dma_wait3A_425] : memref<6400x128xi32, #tpu.memory_space<hbm>> -> memref<4x128xi32, #tpu.memory_space<hbm>>
      tpu.wait_dma2 semaphore(%run_scoped3A_402 : memref<!tpu.dma_semaphore, #tpu.memory_space<semaphore_mem>>) src(%dma_wait3A_426 : memref<4x128xi32, #tpu.memory_space<hbm>>) dst(%dma_wait3A_424 : memref<4x128xi32, #tpu.memory_space<vmem>>)
      tpu.yield
    }) : () -> ()
    %dma_start3A = arith.constant 0 : i32
    %dma_start3A_7 = arith.constant 0 : i32
    %dma_start3A_8 = arith.constant 0 : i32
    %dma_start3A_9 = arith.constant 0 : i32
    %dma_start3A_10 = arith.constant 0 : i32
    %dma_start3A_11 = tpu.memref_slice %arg6[%dma_start3A_8, %dma_start3A_9, %dma_start3A_10] : memref<2x512x72xf32, #tpu.memory_space<vmem>> -> memref<1x512x72xf32, #tpu.memory_space<vmem>>
    %dma_start3A_12 = tpu.memref_squeeze %dma_start3A_11 : memref<1x512x72xf32, #tpu.memory_space<vmem>> -> memref<512x72xf32, #tpu.memory_space<vmem>>
    %dma_start3A_13 = arith.constant 0 : i32
    %dma_start3A_14 = arith.constant 0 : i32
    %dma_start3A_15 = tpu.memref_slice %dma_start3A_12[%dma_start3A_13, %dma_start3A_14] : memref<512x72xf32, #tpu.memory_space<vmem>> -> memref<128x72xf32, #tpu.memory_space<vmem>>
    %dma_start3A_16 = arith.constant 0 : i32
    %dma_start3A_17 = arith.constant 0 : i32
    %dma_start3A_18 = tpu.memref_slice %arg5[%dma_start3A, %dma_start3A_16, %dma_start3A_17] : memref<2x4x128xi32, #tpu.memory_space<vmem>> -> memref<1x4x128xi32, #tpu.memory_space<vmem>>
    %dma_start3A_19 = tpu.memref_squeeze %dma_start3A_18 : memref<1x4x128xi32, #tpu.memory_space<vmem>> -> memref<4x128xi32, #tpu.memory_space<vmem>>
    %dma_start3A_20 = arith.constant 0 : i32
    %dma_start3A_21 = tpu.memref_slice %dma_start3A_19[%dma_start3A_7, %dma_start3A_20] : memref<4x128xi32, #tpu.memory_space<vmem>> -> memref<1x128xi32, #tpu.memory_space<vmem>>
    %dma_start3A_22 = tpu.memref_squeeze %dma_start3A_21 : memref<1x128xi32, #tpu.memory_space<vmem>> -> memref<128xi32, #tpu.memory_space<vmem>>
    %dma_start3A_23 = arith.constant 0 : i32
    %dma_start3A_24 = arith.constant 0 : i32
    %dma_start3A_25 = tpu.memref_slice %arg3[%dma_start3A_23, %dma_start3A_24] : memref<1000000x72xf32, #tpu.memory_space<hbm>> -> memref<1000000x72xf32, #tpu.memory_space<hbm>>
    tpu.enqueue_indirect_dma source(%dma_start3A_25 : memref<1000000x72xf32, #tpu.memory_space<hbm>>) target(%dma_start3A_15 : memref<128x72xf32, #tpu.memory_space<vmem>>) offsets(%dma_start3A_22 : memref<128xi32, #tpu.memory_space<vmem>>) semaphore(%arg7 : memref<!tpu.dma_semaphore, #tpu.memory_space<semaphore_mem>>)
    %dma_start3A_26 = arith.constant 0 : i32
    %dma_start3A_27 = arith.constant 1 : i32
    %dma_start3A_28 = arith.constant 0 : i32
    %dma_start3A_29 = arith.constant 0 : i32
    %dma_start3A_30 = arith.constant 0 : i32
    %dma_start3A_31 = tpu.memref_slice %arg6[%dma_start3A_28, %dma_start3A_29, %dma_start3A_30] : memref<2x512x72xf32, #tpu.memory_space<vmem>> -> memref<1x512x72xf32, #tpu.memory_space<vmem>>
    %dma_start3A_32 = tpu.memref_squeeze %dma_start3A_31 : memref<1x512x72xf32, #tpu.memory_space<vmem>> -> memref<512x72xf32, #tpu.memory_space<vmem>>
    %dma_start3A_33 = arith.constant 128 : i32
    %dma_start3A_34 = arith.constant 0 : i32
    %dma_start3A_35 = tpu.memref_slice %dma_start3A_32[%dma_start3A_33, %dma_start3A_34] : memref<512x72xf32, #tpu.memory_space<vmem>> -> memref<128x72xf32, #tpu.memory_space<vmem>>
    %dma_start3A_36 = arith.constant 0 : i32
    %dma_start3A_37 = arith.constant 0 : i32
    %dma_start3A_38 = tpu.memref_slice %arg5[%dma_start3A_26, %dma_start3A_36, %dma_start3A_37] : memref<2x4x128xi32, #tpu.memory_space<vmem>> -> memref<1x4x128xi32, #tpu.memory_space<vmem>>
    %dma_start3A_39 = tpu.memref_squeeze %dma_start3A_38 : memref<1x4x128xi32, #tpu.memory_space<vmem>> -> memref<4x128xi32, #tpu.memory_space<vmem>>
    %dma_start3A_40 = arith.constant 0 : i32
    %dma_start3A_41 = tpu.memref_slice %dma_start3A_39[%dma_start3A_27, %dma_start3A_40] : memref<4x128xi32, #tpu.memory_space<vmem>> -> memref<1x128xi32, #tpu.memory_space<vmem>>
    %dma_start3A_42 = tpu.memref_squeeze %dma_start3A_41 : memref<1x128xi32, #tpu.memory_space<vmem>> -> memref<128xi32, #tpu.memory_space<vmem>>
    %dma_start3A_43 = arith.constant 0 : i32
    %dma_start3A_44 = arith.constant 0 : i32
    %dma_start3A_45 = tpu.memref_slice %arg3[%dma_start3A_43, %dma_start3A_44] : memref<1000000x72xf32, #tpu.memory_space<hbm>> -> memref<1000000x72xf32, #tpu.memory_space<hbm>>
    tpu.enqueue_indirect_dma source(%dma_start3A_45 : memref<1000000x72xf32, #tpu.memory_space<hbm>>) target(%dma_start3A_35 : memref<128x72xf32, #tpu.memory_space<vmem>>) offsets(%dma_start3A_42 : memref<128xi32, #tpu.memory_space<vmem>>) semaphore(%arg7 : memref<!tpu.dma_semaphore, #tpu.memory_space<semaphore_mem>>)
    %dma_start3A_46 = arith.constant 0 : i32
    %dma_start3A_47 = arith.constant 2 : i32
    %dma_start3A_48 = arith.constant 0 : i32
    %dma_start3A_49 = arith.constant 0 : i32
    %dma_start3A_50 = arith.constant 0 : i32
    %dma_start3A_51 = tpu.memref_slice %arg6[%dma_start3A_48, %dma_start3A_49, %dma_start3A_50] : memref<2x512x72xf32, #tpu.memory_space<vmem>> -> memref<1x512x72xf32, #tpu.memory_space<vmem>>
    %dma_start3A_52 = tpu.memref_squeeze %dma_start3A_51 : memref<1x512x72xf32, #tpu.memory_space<vmem>> -> memref<512x72xf32, #tpu.memory_space<vmem>>
    %dma_start3A_53 = arith.constant 256 : i32
    %dma_start3A_54 = arith.constant 0 : i32
    %dma_start3A_55 = tpu.memref_slice %dma_start3A_52[%dma_start3A_53, %dma_start3A_54] : memref<512x72xf32, #tpu.memory_space<vmem>> -> memref<128x72xf32, #tpu.memory_space<vmem>>
    %dma_start3A_56 = arith.constant 0 : i32
    %dma_start3A_57 = arith.constant 0 : i32
    %dma_start3A_58 = tpu.memref_slice %arg5[%dma_start3A_46, %dma_start3A_56, %dma_start3A_57] : memref<2x4x128xi32, #tpu.memory_space<vmem>> -> memref<1x4x128xi32, #tpu.memory_space<vmem>>
    %dma_start3A_59 = tpu.memref_squeeze %dma_start3A_58 : memref<1x4x128xi32, #tpu.memory_space<vmem>> -> memref<4x128xi32, #tpu.memory_space<vmem>>
    %dma_start3A_60 = arith.constant 0 : i32
    %dma_start3A_61 = tpu.memref_slice %dma_start3A_59[%dma_start3A_47, %dma_start3A_60] : memref<4x128xi32, #tpu.memory_space<vmem>> -> memref<1x128xi32, #tpu.memory_space<vmem>>
    %dma_start3A_62 = tpu.memref_squeeze %dma_start3A_61 : memref<1x128xi32, #tpu.memory_space<vmem>> -> memref<128xi32, #tpu.memory_space<vmem>>
    %dma_start3A_63 = arith.constant 0 : i32
    %dma_start3A_64 = arith.constant 0 : i32
    %dma_start3A_65 = tpu.memref_slice %arg3[%dma_start3A_63, %dma_start3A_64] : memref<1000000x72xf32, #tpu.memory_space<hbm>> -> memref<1000000x72xf32, #tpu.memory_space<hbm>>
    tpu.enqueue_indirect_dma source(%dma_start3A_65 : memref<1000000x72xf32, #tpu.memory_space<hbm>>) target(%dma_start3A_55 : memref<128x72xf32, #tpu.memory_space<vmem>>) offsets(%dma_start3A_62 : memref<128xi32, #tpu.memory_space<vmem>>) semaphore(%arg7 : memref<!tpu.dma_semaphore, #tpu.memory_space<semaphore_mem>>)
    %dma_start3A_66 = arith.constant 0 : i32
    %dma_start3A_67 = arith.constant 3 : i32
    %dma_start3A_68 = arith.constant 0 : i32
    %dma_start3A_69 = arith.constant 0 : i32
    %dma_start3A_70 = arith.constant 0 : i32
    %dma_start3A_71 = tpu.memref_slice %arg6[%dma_start3A_68, %dma_start3A_69, %dma_start3A_70] : memref<2x512x72xf32, #tpu.memory_space<vmem>> -> memref<1x512x72xf32, #tpu.memory_space<vmem>>
    %dma_start3A_72 = tpu.memref_squeeze %dma_start3A_71 : memref<1x512x72xf32, #tpu.memory_space<vmem>> -> memref<512x72xf32, #tpu.memory_space<vmem>>
    %dma_start3A_73 = arith.constant 384 : i32
    %dma_start3A_74 = arith.constant 0 : i32
    %dma_start3A_75 = tpu.memref_slice %dma_start3A_72[%dma_start3A_73, %dma_start3A_74] : memref<512x72xf32, #tpu.memory_space<vmem>> -> memref<128x72xf32, #tpu.memory_space<vmem>>
    %dma_start3A_76 = arith.constant 0 : i32
    %dma_start3A_77 = arith.constant 0 : i32
    %dma_start3A_78 = tpu.memref_slice %arg5[%dma_start3A_66, %dma_start3A_76, %dma_start3A_77] : memref<2x4x128xi32, #tpu.memory_space<vmem>> -> memref<1x4x128xi32, #tpu.memory_space<vmem>>
    %dma_start3A_79 = tpu.memref_squeeze %dma_start3A_78 : memref<1x4x128xi32, #tpu.memory_space<vmem>> -> memref<4x128xi32, #tpu.memory_space<vmem>>
    %dma_start3A_80 = arith.constant 0 : i32
    %dma_start3A_81 = tpu.memref_slice %dma_start3A_79[%dma_start3A_67, %dma_start3A_80] : memref<4x128xi32, #tpu.memory_space<vmem>> -> memref<1x128xi32, #tpu.memory_space<vmem>>
    %dma_start3A_82 = tpu.memref_squeeze %dma_start3A_81 : memref<1x128xi32, #tpu.memory_space<vmem>> -> memref<128xi32, #tpu.memory_space<vmem>>
    %dma_start3A_83 = arith.constant 0 : i32
    %dma_start3A_84 = arith.constant 0 : i32
    %dma_start3A_85 = tpu.memref_slice %arg3[%dma_start3A_83, %dma_start3A_84] : memref<1000000x72xf32, #tpu.memory_space<hbm>> -> memref<1000000x72xf32, #tpu.memory_space<hbm>>
    tpu.enqueue_indirect_dma source(%dma_start3A_85 : memref<1000000x72xf32, #tpu.memory_space<hbm>>) target(%dma_start3A_75 : memref<128x72xf32, #tpu.memory_space<vmem>>) offsets(%dma_start3A_82 : memref<128xi32, #tpu.memory_space<vmem>>) semaphore(%arg7 : memref<!tpu.dma_semaphore, #tpu.memory_space<semaphore_mem>>)
    %add3A_86 = arith.constant 4 : i32
    %add3A_87 = arith.addi %mul3A_2, %add3A_86 : i32
    %run_scoped3A_88 = arith.constant 1 : i32
    "tpu.region"() ({
      %run_scoped3A_402 = tpu.sem_alloc : memref<!tpu.dma_semaphore, #tpu.memory_space<semaphore_mem>>
      %dma_start3A_403 = arith.constant 0 : i32
      %dma_start3A_404 = arith.constant 0 : i32
      %dma_start3A_405 = tpu.memref_slice %arg5[%run_scoped3A_88, %dma_start3A_403, %dma_start3A_404] : memref<2x4x128xi32, #tpu.memory_space<vmem>> -> memref<1x4x128xi32, #tpu.memory_space<vmem>>
      %dma_start3A_406 = tpu.memref_squeeze %dma_start3A_405 : memref<1x4x128xi32, #tpu.memory_space<vmem>> -> memref<4x128xi32, #tpu.memory_space<vmem>>
      %dma_start3A_407 = arith.constant 0 : i32
      %dma_start3A_408 = tpu.memref_slice %arg2[%add3A_87, %dma_start3A_407] : memref<6400x128xi32, #tpu.memory_space<hbm>> -> memref<4x128xi32, #tpu.memory_space<hbm>>
      %dma_start3A_409 = arith.constant 0 : i32
      %dma_start3A_410 = arith.constant 0 : i32
      %dma_start3A_411 = tpu.memref_slice %arg5[%run_scoped3A_88, %dma_start3A_409, %dma_start3A_410] : memref<2x4x128xi32, #tpu.memory_space<vmem>> -> memref<1x4x128xi32, #tpu.memory_space<vmem>>
      %dma_start3A_412 = tpu.memref_squeeze %dma_start3A_411 : memref<1x4x128xi32, #tpu.memory_space<vmem>> -> memref<4x128xi32, #tpu.memory_space<vmem>>
      %dma_start3A_413 = arith.constant 0 : i32
      %dma_start3A_414 = tpu.memref_slice %arg2[%add3A_87, %dma_start3A_413] : memref<6400x128xi32, #tpu.memory_space<hbm>> -> memref<4x128xi32, #tpu.memory_space<hbm>>
      tpu.enqueue_dma source(%dma_start3A_414 : memref<4x128xi32, #tpu.memory_space<hbm>>) target(%dma_start3A_412 : memref<4x128xi32, #tpu.memory_space<vmem>>) target_semaphore(%run_scoped3A_402 : memref<!tpu.dma_semaphore, #tpu.memory_space<semaphore_mem>>)
      %dma_wait3A_415 = arith.constant 0 : i32
      %dma_wait3A_416 = arith.constant 0 : i32
      %dma_wait3A_417 = tpu.memref_slice %arg5[%run_scoped3A_88, %dma_wait3A_415, %dma_wait3A_416] : memref<2x4x128xi32, #tpu.memory_space<vmem>> -> memref<1x4x128xi32, #tpu.memory_space<vmem>>
      %dma_wait3A_418 = tpu.memref_squeeze %dma_wait3A_417 : memref<1x4x128xi32, #tpu.memory_space<vmem>> -> memref<4x128xi32, #tpu.memory_space<vmem>>
      %dma_wait3A_419 = arith.constant 0 : i32
      %dma_wait3A_420 = tpu.memref_slice %arg2[%add3A_87, %dma_wait3A_419] : memref<6400x128xi32, #tpu.memory_space<hbm>> -> memref<4x128xi32, #tpu.memory_space<hbm>>
      %dma_wait3A_421 = arith.constant 0 : i32
      %dma_wait3A_422 = arith.constant 0 : i32
      %dma_wait3A_423 = tpu.memref_slice %arg5[%run_scoped3A_88, %dma_wait3A_421, %dma_wait3A_422] : memref<2x4x128xi32, #tpu.memory_space<vmem>> -> memref<1x4x128xi32, #tpu.memory_space<vmem>>
      %dma_wait3A_424 = tpu.memref_squeeze %dma_wait3A_423 : memref<1x4x128xi32, #tpu.memory_space<vmem>> -> memref<4x128xi32, #tpu.memory_space<vmem>>
      %dma_wait3A_425 = arith.constant 0 : i32
      %dma_wait3A_426 = tpu.memref_slice %arg2[%add3A_87, %dma_wait3A_425] : memref<6400x128xi32, #tpu.memory_space<hbm>> -> memref<4x128xi32, #tpu.memory_space<hbm>>
      tpu.wait_dma2 semaphore(%run_scoped3A_402 : memref<!tpu.dma_semaphore, #tpu.memory_space<semaphore_mem>>) src(%dma_wait3A_426 : memref<4x128xi32, #tpu.memory_space<hbm>>) dst(%dma_wait3A_424 : memref<4x128xi32, #tpu.memory_space<vmem>>)
      tpu.yield
    }) : () -> ()
    %dma_start3A_89 = arith.constant 1 : i32
    %dma_start3A_90 = arith.constant 0 : i32
    %dma_start3A_91 = arith.constant 1 : i32
    %dma_start3A_92 = arith.constant 0 : i32
    %dma_start3A_93 = arith.constant 0 : i32
    %dma_start3A_94 = tpu.memref_slice %arg6[%dma_start3A_91, %dma_start3A_92, %dma_start3A_93] : memref<2x512x72xf32, #tpu.memory_space<vmem>> -> memref<1x512x72xf32, #tpu.memory_space<vmem>>
    %dma_start3A_95 = tpu.memref_squeeze %dma_start3A_94 : memref<1x512x72xf32, #tpu.memory_space<vmem>> -> memref<512x72xf32, #tpu.memory_space<vmem>>
    %dma_start3A_96 = arith.constant 0 : i32
    %dma_start3A_97 = arith.constant 0 : i32
    %dma_start3A_98 = tpu.memref_slice %dma_start3A_95[%dma_start3A_96, %dma_start3A_97] : memref<512x72xf32, #tpu.memory_space<vmem>> -> memref<128x72xf32, #tpu.memory_space<vmem>>
    %dma_start3A_99 = arith.constant 0 : i32
    %dma_start3A_100 = arith.constant 0 : i32
    %dma_start3A_101 = tpu.memref_slice %arg5[%dma_start3A_89, %dma_start3A_99, %dma_start3A_100] : memref<2x4x128xi32, #tpu.memory_space<vmem>> -> memref<1x4x128xi32, #tpu.memory_space<vmem>>
    %dma_start3A_102 = tpu.memref_squeeze %dma_start3A_101 : memref<1x4x128xi32, #tpu.memory_space<vmem>> -> memref<4x128xi32, #tpu.memory_space<vmem>>
    %dma_start3A_103 = arith.constant 0 : i32
    %dma_start3A_104 = tpu.memref_slice %dma_start3A_102[%dma_start3A_90, %dma_start3A_103] : memref<4x128xi32, #tpu.memory_space<vmem>> -> memref<1x128xi32, #tpu.memory_space<vmem>>
    %dma_start3A_105 = tpu.memref_squeeze %dma_start3A_104 : memref<1x128xi32, #tpu.memory_space<vmem>> -> memref<128xi32, #tpu.memory_space<vmem>>
    %dma_start3A_106 = arith.constant 0 : i32
    %dma_start3A_107 = arith.constant 0 : i32
    %dma_start3A_108 = tpu.memref_slice %arg3[%dma_start3A_106, %dma_start3A_107] : memref<1000000x72xf32, #tpu.memory_space<hbm>> -> memref<1000000x72xf32, #tpu.memory_space<hbm>>
    tpu.enqueue_indirect_dma source(%dma_start3A_108 : memref<1000000x72xf32, #tpu.memory_space<hbm>>) target(%dma_start3A_98 : memref<128x72xf32, #tpu.memory_space<vmem>>) offsets(%dma_start3A_105 : memref<128xi32, #tpu.memory_space<vmem>>) semaphore(%arg8 : memref<!tpu.dma_semaphore, #tpu.memory_space<semaphore_mem>>)
    %dma_start3A_109 = arith.constant 1 : i32
    %dma_start3A_110 = arith.constant 1 : i32
    %dma_start3A_111 = arith.constant 1 : i32
    %dma_start3A_112 = arith.constant 0 : i32
    %dma_start3A_113 = arith.constant 0 : i32
    %dma_start3A_114 = tpu.memref_slice %arg6[%dma_start3A_111, %dma_start3A_112, %dma_start3A_113] : memref<2x512x72xf32, #tpu.memory_space<vmem>> -> memref<1x512x72xf32, #tpu.memory_space<vmem>>
    %dma_start3A_115 = tpu.memref_squeeze %dma_start3A_114 : memref<1x512x72xf32, #tpu.memory_space<vmem>> -> memref<512x72xf32, #tpu.memory_space<vmem>>
    %dma_start3A_116 = arith.constant 128 : i32
    %dma_start3A_117 = arith.constant 0 : i32
    %dma_start3A_118 = tpu.memref_slice %dma_start3A_115[%dma_start3A_116, %dma_start3A_117] : memref<512x72xf32, #tpu.memory_space<vmem>> -> memref<128x72xf32, #tpu.memory_space<vmem>>
    %dma_start3A_119 = arith.constant 0 : i32
    %dma_start3A_120 = arith.constant 0 : i32
    %dma_start3A_121 = tpu.memref_slice %arg5[%dma_start3A_109, %dma_start3A_119, %dma_start3A_120] : memref<2x4x128xi32, #tpu.memory_space<vmem>> -> memref<1x4x128xi32, #tpu.memory_space<vmem>>
    %dma_start3A_122 = tpu.memref_squeeze %dma_start3A_121 : memref<1x4x128xi32, #tpu.memory_space<vmem>> -> memref<4x128xi32, #tpu.memory_space<vmem>>
    %dma_start3A_123 = arith.constant 0 : i32
    %dma_start3A_124 = tpu.memref_slice %dma_start3A_122[%dma_start3A_110, %dma_start3A_123] : memref<4x128xi32, #tpu.memory_space<vmem>> -> memref<1x128xi32, #tpu.memory_space<vmem>>
    %dma_start3A_125 = tpu.memref_squeeze %dma_start3A_124 : memref<1x128xi32, #tpu.memory_space<vmem>> -> memref<128xi32, #tpu.memory_space<vmem>>
    %dma_start3A_126 = arith.constant 0 : i32
    %dma_start3A_127 = arith.constant 0 : i32
    %dma_start3A_128 = tpu.memref_slice %arg3[%dma_start3A_126, %dma_start3A_127] : memref<1000000x72xf32, #tpu.memory_space<hbm>> -> memref<1000000x72xf32, #tpu.memory_space<hbm>>
    tpu.enqueue_indirect_dma source(%dma_start3A_128 : memref<1000000x72xf32, #tpu.memory_space<hbm>>) target(%dma_start3A_118 : memref<128x72xf32, #tpu.memory_space<vmem>>) offsets(%dma_start3A_125 : memref<128xi32, #tpu.memory_space<vmem>>) semaphore(%arg8 : memref<!tpu.dma_semaphore, #tpu.memory_space<semaphore_mem>>)
    %dma_start3A_129 = arith.constant 1 : i32
    %dma_start3A_130 = arith.constant 2 : i32
    %dma_start3A_131 = arith.constant 1 : i32
    %dma_start3A_132 = arith.constant 0 : i32
    %dma_start3A_133 = arith.constant 0 : i32
    %dma_start3A_134 = tpu.memref_slice %arg6[%dma_start3A_131, %dma_start3A_132, %dma_start3A_133] : memref<2x512x72xf32, #tpu.memory_space<vmem>> -> memref<1x512x72xf32, #tpu.memory_space<vmem>>
    %dma_start3A_135 = tpu.memref_squeeze %dma_start3A_134 : memref<1x512x72xf32, #tpu.memory_space<vmem>> -> memref<512x72xf32, #tpu.memory_space<vmem>>
    %dma_start3A_136 = arith.constant 256 : i32
    %dma_start3A_137 = arith.constant 0 : i32
    %dma_start3A_138 = tpu.memref_slice %dma_start3A_135[%dma_start3A_136, %dma_start3A_137] : memref<512x72xf32, #tpu.memory_space<vmem>> -> memref<128x72xf32, #tpu.memory_space<vmem>>
    %dma_start3A_139 = arith.constant 0 : i32
    %dma_start3A_140 = arith.constant 0 : i32
    %dma_start3A_141 = tpu.memref_slice %arg5[%dma_start3A_129, %dma_start3A_139, %dma_start3A_140] : memref<2x4x128xi32, #tpu.memory_space<vmem>> -> memref<1x4x128xi32, #tpu.memory_space<vmem>>
    %dma_start3A_142 = tpu.memref_squeeze %dma_start3A_141 : memref<1x4x128xi32, #tpu.memory_space<vmem>> -> memref<4x128xi32, #tpu.memory_space<vmem>>
    %dma_start3A_143 = arith.constant 0 : i32
    %dma_start3A_144 = tpu.memref_slice %dma_start3A_142[%dma_start3A_130, %dma_start3A_143] : memref<4x128xi32, #tpu.memory_space<vmem>> -> memref<1x128xi32, #tpu.memory_space<vmem>>
    %dma_start3A_145 = tpu.memref_squeeze %dma_start3A_144 : memref<1x128xi32, #tpu.memory_space<vmem>> -> memref<128xi32, #tpu.memory_space<vmem>>
    %dma_start3A_146 = arith.constant 0 : i32
    %dma_start3A_147 = arith.constant 0 : i32
    %dma_start3A_148 = tpu.memref_slice %arg3[%dma_start3A_146, %dma_start3A_147] : memref<1000000x72xf32, #tpu.memory_space<hbm>> -> memref<1000000x72xf32, #tpu.memory_space<hbm>>
    tpu.enqueue_indirect_dma source(%dma_start3A_148 : memref<1000000x72xf32, #tpu.memory_space<hbm>>) target(%dma_start3A_138 : memref<128x72xf32, #tpu.memory_space<vmem>>) offsets(%dma_start3A_145 : memref<128xi32, #tpu.memory_space<vmem>>) semaphore(%arg8 : memref<!tpu.dma_semaphore, #tpu.memory_space<semaphore_mem>>)
    %dma_start3A_149 = arith.constant 1 : i32
    %dma_start3A_150 = arith.constant 3 : i32
    %dma_start3A_151 = arith.constant 1 : i32
    %dma_start3A_152 = arith.constant 0 : i32
    %dma_start3A_153 = arith.constant 0 : i32
    %dma_start3A_154 = tpu.memref_slice %arg6[%dma_start3A_151, %dma_start3A_152, %dma_start3A_153] : memref<2x512x72xf32, #tpu.memory_space<vmem>> -> memref<1x512x72xf32, #tpu.memory_space<vmem>>
    %dma_start3A_155 = tpu.memref_squeeze %dma_start3A_154 : memref<1x512x72xf32, #tpu.memory_space<vmem>> -> memref<512x72xf32, #tpu.memory_space<vmem>>
    %dma_start3A_156 = arith.constant 384 : i32
    %dma_start3A_157 = arith.constant 0 : i32
    %dma_start3A_158 = tpu.memref_slice %dma_start3A_155[%dma_start3A_156, %dma_start3A_157] : memref<512x72xf32, #tpu.memory_space<vmem>> -> memref<128x72xf32, #tpu.memory_space<vmem>>
    %dma_start3A_159 = arith.constant 0 : i32
    %dma_start3A_160 = arith.constant 0 : i32
    %dma_start3A_161 = tpu.memref_slice %arg5[%dma_start3A_149, %dma_start3A_159, %dma_start3A_160] : memref<2x4x128xi32, #tpu.memory_space<vmem>> -> memref<1x4x128xi32, #tpu.memory_space<vmem>>
    %dma_start3A_162 = tpu.memref_squeeze %dma_start3A_161 : memref<1x4x128xi32, #tpu.memory_space<vmem>> -> memref<4x128xi32, #tpu.memory_space<vmem>>
    %dma_start3A_163 = arith.constant 0 : i32
    %dma_start3A_164 = tpu.memref_slice %dma_start3A_162[%dma_start3A_150, %dma_start3A_163] : memref<4x128xi32, #tpu.memory_space<vmem>> -> memref<1x128xi32, #tpu.memory_space<vmem>>
    %dma_start3A_165 = tpu.memref_squeeze %dma_start3A_164 : memref<1x128xi32, #tpu.memory_space<vmem>> -> memref<128xi32, #tpu.memory_space<vmem>>
    %dma_start3A_166 = arith.constant 0 : i32
    %dma_start3A_167 = arith.constant 0 : i32
    %dma_start3A_168 = tpu.memref_slice %arg3[%dma_start3A_166, %dma_start3A_167] : memref<1000000x72xf32, #tpu.memory_space<hbm>> -> memref<1000000x72xf32, #tpu.memory_space<hbm>>
    tpu.enqueue_indirect_dma source(%dma_start3A_168 : memref<1000000x72xf32, #tpu.memory_space<hbm>>) target(%dma_start3A_158 : memref<128x72xf32, #tpu.memory_space<vmem>>) offsets(%dma_start3A_165 : memref<128xi32, #tpu.memory_space<vmem>>) semaphore(%arg8 : memref<!tpu.dma_semaphore, #tpu.memory_space<semaphore_mem>>)
    %scan3A = arith.constant 0 : i32
    %scan3A_169 = arith.constant 0 : i32
    %scan3A_170 = arith.constant 24 : i32
    %scan3A_171 = arith.addi %scan3A_169, %scan3A_170 : i32
    %scan3A_172 = arith.constant 1 : i32
    %scan3A_173 = scf.for %scan3A_402 = %scan3A_169 to %scan3A_171 step %scan3A_172 iter_args(%scan3A_403 = %scan3A) -> (i32)  : i32 {
      %mul3A_404 = arith.constant 2 : i32
      %mul3A_405 = arith.muli %scan3A_402, %mul3A_404 : i32
      %add3A_406 = arith.constant 0 : i32
      %add3A_407 = arith.addi %mul3A_405, %add3A_406 : i32
      %dma_wait3A_408 = arith.constant 0 : i32
      %dma_wait3A_409 = arith.constant 0 : i32
      %dma_wait3A_410 = arith.constant 0 : i32
      %dma_wait3A_411 = tpu.memref_slice %arg6[%dma_wait3A_408, %dma_wait3A_409, %dma_wait3A_410] : memref<2x512x72xf32, #tpu.memory_space<vmem>> -> memref<1x512x72xf32, #tpu.memory_space<vmem>>
      %dma_wait3A_412 = tpu.memref_squeeze %dma_wait3A_411 : memref<1x512x72xf32, #tpu.memory_space<vmem>> -> memref<512x72xf32, #tpu.memory_space<vmem>>
      %dma_wait3A_413 = arith.constant 0 : i32
      %dma_wait3A_414 = arith.constant 0 : i32
      %dma_wait3A_415 = tpu.memref_slice %dma_wait3A_412[%dma_wait3A_413, %dma_wait3A_414] : memref<512x72xf32, #tpu.memory_space<vmem>> -> memref<128x72xf32, #tpu.memory_space<vmem>>
      %dma_wait3A_416 = arith.constant 0 : i32
      %dma_wait3A_417 = arith.constant 0 : i32
      %dma_wait3A_418 = tpu.memref_slice %arg3[%dma_wait3A_416, %dma_wait3A_417] : memref<1000000x72xf32, #tpu.memory_space<hbm>> -> memref<128x72xf32, #tpu.memory_space<hbm>>
      %dma_wait3A_419 = arith.constant 0 : i32
      %dma_wait3A_420 = arith.constant 0 : i32
      %dma_wait3A_421 = tpu.memref_slice %arg6[%dma_wait3A_408, %dma_wait3A_419, %dma_wait3A_420] : memref<2x512x72xf32, #tpu.memory_space<vmem>> -> memref<1x512x72xf32, #tpu.memory_space<vmem>>
      %dma_wait3A_422 = tpu.memref_squeeze %dma_wait3A_421 : memref<1x512x72xf32, #tpu.memory_space<vmem>> -> memref<512x72xf32, #tpu.memory_space<vmem>>
      %dma_wait3A_423 = arith.constant 0 : i32
      %dma_wait3A_424 = arith.constant 0 : i32
      %dma_wait3A_425 = tpu.memref_slice %dma_wait3A_422[%dma_wait3A_423, %dma_wait3A_424] : memref<512x72xf32, #tpu.memory_space<vmem>> -> memref<128x72xf32, #tpu.memory_space<vmem>>
      %dma_wait3A_426 = arith.constant 0 : i32
      %dma_wait3A_427 = arith.constant 0 : i32
      %dma_wait3A_428 = tpu.memref_slice %arg3[%dma_wait3A_426, %dma_wait3A_427] : memref<1000000x72xf32, #tpu.memory_space<hbm>> -> memref<128x72xf32, #tpu.memory_space<hbm>>
      tpu.wait_dma2 semaphore(%arg7 : memref<!tpu.dma_semaphore, #tpu.memory_space<semaphore_mem>>) src(%dma_wait3A_428 : memref<128x72xf32, #tpu.memory_space<hbm>>) dst(%dma_wait3A_425 : memref<128x72xf32, #tpu.memory_space<vmem>>)
      %dma_wait3A_429 = arith.constant 0 : i32
      %dma_wait3A_430 = arith.constant 0 : i32
      %dma_wait3A_431 = arith.constant 0 : i32
      %dma_wait3A_432 = tpu.memref_slice %arg6[%dma_wait3A_429, %dma_wait3A_430, %dma_wait3A_431] : memref<2x512x72xf32, #tpu.memory_space<vmem>> -> memref<1x512x72xf32, #tpu.memory_space<vmem>>
      %dma_wait3A_433 = tpu.memref_squeeze %dma_wait3A_432 : memref<1x512x72xf32, #tpu.memory_space<vmem>> -> memref<512x72xf32, #tpu.memory_space<vmem>>
      %dma_wait3A_434 = arith.constant 128 : i32
      %dma_wait3A_435 = arith.constant 0 : i32
      %dma_wait3A_436 = tpu.memref_slice %dma_wait3A_433[%dma_wait3A_434, %dma_wait3A_435] : memref<512x72xf32, #tpu.memory_space<vmem>> -> memref<128x72xf32, #tpu.memory_space<vmem>>
      %dma_wait3A_437 = arith.constant 0 : i32
      %dma_wait3A_438 = arith.constant 0 : i32
      %dma_wait3A_439 = tpu.memref_slice %arg3[%dma_wait3A_437, %dma_wait3A_438] : memref<1000000x72xf32, #tpu.memory_space<hbm>> -> memref<128x72xf32, #tpu.memory_space<hbm>>
      %dma_wait3A_440 = arith.constant 0 : i32
      %dma_wait3A_441 = arith.constant 0 : i32
      %dma_wait3A_442 = tpu.memref_slice %arg6[%dma_wait3A_429, %dma_wait3A_440, %dma_wait3A_441] : memref<2x512x72xf32, #tpu.memory_space<vmem>> -> memref<1x512x72xf32, #tpu.memory_space<vmem>>
      %dma_wait3A_443 = tpu.memref_squeeze %dma_wait3A_442 : memref<1x512x72xf32, #tpu.memory_space<vmem>> -> memref<512x72xf32, #tpu.memory_space<vmem>>
      %dma_wait3A_444 = arith.constant 128 : i32
      %dma_wait3A_445 = arith.constant 0 : i32
      %dma_wait3A_446 = tpu.memref_slice %dma_wait3A_443[%dma_wait3A_444, %dma_wait3A_445] : memref<512x72xf32, #tpu.memory_space<vmem>> -> memref<128x72xf32, #tpu.memory_space<vmem>>
      %dma_wait3A_447 = arith.constant 0 : i32
      %dma_wait3A_448 = arith.constant 0 : i32
      %dma_wait3A_449 = tpu.memref_slice %arg3[%dma_wait3A_447, %dma_wait3A_448] : memref<1000000x72xf32, #tpu.memory_space<hbm>> -> memref<128x72xf32, #tpu.memory_space<hbm>>
      tpu.wait_dma2 semaphore(%arg7 : memref<!tpu.dma_semaphore, #tpu.memory_space<semaphore_mem>>) src(%dma_wait3A_449 : memref<128x72xf32, #tpu.memory_space<hbm>>) dst(%dma_wait3A_446 : memref<128x72xf32, #tpu.memory_space<vmem>>)
      %dma_wait3A_450 = arith.constant 0 : i32
      %dma_wait3A_451 = arith.constant 0 : i32
      %dma_wait3A_452 = arith.constant 0 : i32
      %dma_wait3A_453 = tpu.memref_slice %arg6[%dma_wait3A_450, %dma_wait3A_451, %dma_wait3A_452] : memref<2x512x72xf32, #tpu.memory_space<vmem>> -> memref<1x512x72xf32, #tpu.memory_space<vmem>>
      %dma_wait3A_454 = tpu.memref_squeeze %dma_wait3A_453 : memref<1x512x72xf32, #tpu.memory_space<vmem>> -> memref<512x72xf32, #tpu.memory_space<vmem>>
      %dma_wait3A_455 = arith.constant 256 : i32
      %dma_wait3A_456 = arith.constant 0 : i32
      %dma_wait3A_457 = tpu.memref_slice %dma_wait3A_454[%dma_wait3A_455, %dma_wait3A_456] : memref<512x72xf32, #tpu.memory_space<vmem>> -> memref<128x72xf32, #tpu.memory_space<vmem>>
      %dma_wait3A_458 = arith.constant 0 : i32
      %dma_wait3A_459 = arith.constant 0 : i32
      %dma_wait3A_460 = tpu.memref_slice %arg3[%dma_wait3A_458, %dma_wait3A_459] : memref<1000000x72xf32, #tpu.memory_space<hbm>> -> memref<128x72xf32, #tpu.memory_space<hbm>>
      %dma_wait3A_461 = arith.constant 0 : i32
      %dma_wait3A_462 = arith.constant 0 : i32
      %dma_wait3A_463 = tpu.memref_slice %arg6[%dma_wait3A_450, %dma_wait3A_461, %dma_wait3A_462] : memref<2x512x72xf32, #tpu.memory_space<vmem>> -> memref<1x512x72xf32, #tpu.memory_space<vmem>>
      %dma_wait3A_464 = tpu.memref_squeeze %dma_wait3A_463 : memref<1x512x72xf32, #tpu.memory_space<vmem>> -> memref<512x72xf32, #tpu.memory_space<vmem>>
      %dma_wait3A_465 = arith.constant 256 : i32
      %dma_wait3A_466 = arith.constant 0 : i32
      %dma_wait3A_467 = tpu.memref_slice %dma_wait3A_464[%dma_wait3A_465, %dma_wait3A_466] : memref<512x72xf32, #tpu.memory_space<vmem>> -> memref<128x72xf32, #tpu.memory_space<vmem>>
      %dma_wait3A_468 = arith.constant 0 : i32
      %dma_wait3A_469 = arith.constant 0 : i32
      %dma_wait3A_470 = tpu.memref_slice %arg3[%dma_wait3A_468, %dma_wait3A_469] : memref<1000000x72xf32, #tpu.memory_space<hbm>> -> memref<128x72xf32, #tpu.memory_space<hbm>>
      tpu.wait_dma2 semaphore(%arg7 : memref<!tpu.dma_semaphore, #tpu.memory_space<semaphore_mem>>) src(%dma_wait3A_470 : memref<128x72xf32, #tpu.memory_space<hbm>>) dst(%dma_wait3A_467 : memref<128x72xf32, #tpu.memory_space<vmem>>)
      %dma_wait3A_471 = arith.constant 0 : i32
      %dma_wait3A_472 = arith.constant 0 : i32
      %dma_wait3A_473 = arith.constant 0 : i32
      %dma_wait3A_474 = tpu.memref_slice %arg6[%dma_wait3A_471, %dma_wait3A_472, %dma_wait3A_473] : memref<2x512x72xf32, #tpu.memory_space<vmem>> -> memref<1x512x72xf32, #tpu.memory_space<vmem>>
      %dma_wait3A_475 = tpu.memref_squeeze %dma_wait3A_474 : memref<1x512x72xf32, #tpu.memory_space<vmem>> -> memref<512x72xf32, #tpu.memory_space<vmem>>
      %dma_wait3A_476 = arith.constant 384 : i32
      %dma_wait3A_477 = arith.constant 0 : i32
      %dma_wait3A_478 = tpu.memref_slice %dma_wait3A_475[%dma_wait3A_476, %dma_wait3A_477] : memref<512x72xf32, #tpu.memory_space<vmem>> -> memref<128x72xf32, #tpu.memory_space<vmem>>
      %dma_wait3A_479 = arith.constant 0 : i32
      %dma_wait3A_480 = arith.constant 0 : i32
      %dma_wait3A_481 = tpu.memref_slice %arg3[%dma_wait3A_479, %dma_wait3A_480] : memref<1000000x72xf32, #tpu.memory_space<hbm>> -> memref<128x72xf32, #tpu.memory_space<hbm>>
      %dma_wait3A_482 = arith.constant 0 : i32
      %dma_wait3A_483 = arith.constant 0 : i32
      %dma_wait3A_484 = tpu.memref_slice %arg6[%dma_wait3A_471, %dma_wait3A_482, %dma_wait3A_483] : memref<2x512x72xf32, #tpu.memory_space<vmem>> -> memref<1x512x72xf32, #tpu.memory_space<vmem>>
      %dma_wait3A_485 = tpu.memref_squeeze %dma_wait3A_484 : memref<1x512x72xf32, #tpu.memory_space<vmem>> -> memref<512x72xf32, #tpu.memory_space<vmem>>
      %dma_wait3A_486 = arith.constant 384 : i32
      %dma_wait3A_487 = arith.constant 0 : i32
      %dma_wait3A_488 = tpu.memref_slice %dma_wait3A_485[%dma_wait3A_486, %dma_wait3A_487] : memref<512x72xf32, #tpu.memory_space<vmem>> -> memref<128x72xf32, #tpu.memory_space<vmem>>
      %dma_wait3A_489 = arith.constant 0 : i32
      %dma_wait3A_490 = arith.constant 0 : i32
      %dma_wait3A_491 = tpu.memref_slice %arg3[%dma_wait3A_489, %dma_wait3A_490] : memref<1000000x72xf32, #tpu.memory_space<hbm>> -> memref<128x72xf32, #tpu.memory_space<hbm>>
      tpu.wait_dma2 semaphore(%arg7 : memref<!tpu.dma_semaphore, #tpu.memory_space<semaphore_mem>>) src(%dma_wait3A_491 : memref<128x72xf32, #tpu.memory_space<hbm>>) dst(%dma_wait3A_488 : memref<128x72xf32, #tpu.memory_space<vmem>>)
      %mul3A_492 = arith.constant 512 : i32
      %mul3A_493 = arith.muli %add3A_407, %mul3A_492 : i32
      %add3A_494 = arith.addi %mul3A_4, %mul3A_493 : i32
      %dma_start3A_495 = arith.constant 0 : i32
      %dma_start3A_496 = arith.constant 0 : i32
      %dma_start3A_497 = arith.constant 0 : i32
      %dma_start3A_498 = tpu.memref_slice %arg6[%dma_start3A_495, %dma_start3A_496, %dma_start3A_497] : memref<2x512x72xf32, #tpu.memory_space<vmem>> -> memref<1x512x72xf32, #tpu.memory_space<vmem>>
      %dma_start3A_499 = tpu.memref_squeeze %dma_start3A_498 : memref<1x512x72xf32, #tpu.memory_space<vmem>> -> memref<512x72xf32, #tpu.memory_space<vmem>>
      %dma_start3A_500 = arith.constant 0 : i32
      %dma_start3A_501 = tpu.memref_slice %arg4[%add3A_494, %dma_start3A_500] : memref<819200x128xf32, #tpu.memory_space<hbm>> -> memref<512x72xf32, #tpu.memory_space<hbm>>
      %dma_start3A_502 = arith.constant 0 : i32
      %dma_start3A_503 = tpu.memref_slice %arg4[%add3A_494, %dma_start3A_502] : memref<819200x128xf32, #tpu.memory_space<hbm>> -> memref<512x72xf32, #tpu.memory_space<hbm>>
      %dma_start3A_504 = arith.constant 0 : i32
      %dma_start3A_505 = arith.constant 0 : i32
      %dma_start3A_506 = tpu.memref_slice %arg6[%dma_start3A_495, %dma_start3A_504, %dma_start3A_505] : memref<2x512x72xf32, #tpu.memory_space<vmem>> -> memref<1x512x72xf32, #tpu.memory_space<vmem>>
      %dma_start3A_507 = tpu.memref_squeeze %dma_start3A_506 : memref<1x512x72xf32, #tpu.memory_space<vmem>> -> memref<512x72xf32, #tpu.memory_space<vmem>>
      tpu.enqueue_dma source(%dma_start3A_507 : memref<512x72xf32, #tpu.memory_space<vmem>>) target(%dma_start3A_503 : memref<512x72xf32, #tpu.memory_space<hbm>>) target_semaphore(%arg9 : memref<!tpu.dma_semaphore, #tpu.memory_space<semaphore_mem>>)
      %dma_wait3A_508 = arith.constant 0 : i32
      %dma_wait3A_509 = arith.constant 0 : i32
      %dma_wait3A_510 = arith.constant 0 : i32
      %dma_wait3A_511 = tpu.memref_slice %arg6[%dma_wait3A_508, %dma_wait3A_509, %dma_wait3A_510] : memref<2x512x72xf32, #tpu.memory_space<vmem>> -> memref<1x512x72xf32, #tpu.memory_space<vmem>>
      %dma_wait3A_512 = tpu.memref_squeeze %dma_wait3A_511 : memref<1x512x72xf32, #tpu.memory_space<vmem>> -> memref<512x72xf32, #tpu.memory_space<vmem>>
      %dma_wait3A_513 = arith.constant 0 : i32
      %dma_wait3A_514 = arith.constant 0 : i32
      %dma_wait3A_515 = tpu.memref_slice %arg4[%dma_wait3A_513, %dma_wait3A_514] : memref<819200x128xf32, #tpu.memory_space<hbm>> -> memref<512x72xf32, #tpu.memory_space<hbm>>
      %dma_wait3A_516 = arith.constant 0 : i32
      %dma_wait3A_517 = arith.constant 0 : i32
      %dma_wait3A_518 = tpu.memref_slice %arg4[%dma_wait3A_516, %dma_wait3A_517] : memref<819200x128xf32, #tpu.memory_space<hbm>> -> memref<512x72xf32, #tpu.memory_space<hbm>>
      %dma_wait3A_519 = arith.constant 0 : i32
      %dma_wait3A_520 = arith.constant 0 : i32
      %dma_wait3A_521 = tpu.memref_slice %arg6[%dma_wait3A_508, %dma_wait3A_519, %dma_wait3A_520] : memref<2x512x72xf32, #tpu.memory_space<vmem>> -> memref<1x512x72xf32, #tpu.memory_space<vmem>>
      %dma_wait3A_522 = tpu.memref_squeeze %dma_wait3A_521 : memref<1x512x72xf32, #tpu.memory_space<vmem>> -> memref<512x72xf32, #tpu.memory_space<vmem>>
      tpu.wait_dma2 semaphore(%arg9 : memref<!tpu.dma_semaphore, #tpu.memory_space<semaphore_mem>>) src(%dma_wait3A_522 : memref<512x72xf32, #tpu.memory_space<vmem>>) dst(%dma_wait3A_518 : memref<512x72xf32, #tpu.memory_space<hbm>>)
      %add3A_523 = arith.constant 2 : i32
      %add3A_524 = arith.addi %add3A_407, %add3A_523 : i32
      %mul3A_525 = arith.constant 4 : i32
      %mul3A_526 = arith.muli %add3A_524, %mul3A_525 : i32
      %add3A_527 = arith.addi %mul3A_2, %mul3A_526 : i32
      %run_scoped3A_528 = arith.constant 0 : i32
      "tpu.region"() ({
        %run_scoped3A_815 = tpu.sem_alloc : memref<!tpu.dma_semaphore, #tpu.memory_space<semaphore_mem>>
        %dma_start3A_816 = arith.constant 0 : i32
        %dma_start3A_817 = arith.constant 0 : i32
        %dma_start3A_818 = tpu.memref_slice %arg5[%run_scoped3A_528, %dma_start3A_816, %dma_start3A_817] : memref<2x4x128xi32, #tpu.memory_space<vmem>> -> memref<1x4x128xi32, #tpu.memory_space<vmem>>
        %dma_start3A_819 = tpu.memref_squeeze %dma_start3A_818 : memref<1x4x128xi32, #tpu.memory_space<vmem>> -> memref<4x128xi32, #tpu.memory_space<vmem>>
        %dma_start3A_820 = arith.constant 0 : i32
        %dma_start3A_821 = tpu.memref_slice %arg2[%add3A_527, %dma_start3A_820] : memref<6400x128xi32, #tpu.memory_space<hbm>> -> memref<4x128xi32, #tpu.memory_space<hbm>>
        %dma_start3A_822 = arith.constant 0 : i32
        %dma_start3A_823 = arith.constant 0 : i32
        %dma_start3A_824 = tpu.memref_slice %arg5[%run_scoped3A_528, %dma_start3A_822, %dma_start3A_823] : memref<2x4x128xi32, #tpu.memory_space<vmem>> -> memref<1x4x128xi32, #tpu.memory_space<vmem>>
        %dma_start3A_825 = tpu.memref_squeeze %dma_start3A_824 : memref<1x4x128xi32, #tpu.memory_space<vmem>> -> memref<4x128xi32, #tpu.memory_space<vmem>>
        %dma_start3A_826 = arith.constant 0 : i32
        %dma_start3A_827 = tpu.memref_slice %arg2[%add3A_527, %dma_start3A_826] : memref<6400x128xi32, #tpu.memory_space<hbm>> -> memref<4x128xi32, #tpu.memory_space<hbm>>
        tpu.enqueue_dma source(%dma_start3A_827 : memref<4x128xi32, #tpu.memory_space<hbm>>) target(%dma_start3A_825 : memref<4x128xi32, #tpu.memory_space<vmem>>) target_semaphore(%run_scoped3A_815 : memref<!tpu.dma_semaphore, #tpu.memory_space<semaphore_mem>>)
        %dma_wait3A_828 = arith.constant 0 : i32
        %dma_wait3A_829 = arith.constant 0 : i32
        %dma_wait3A_830 = tpu.memref_slice %arg5[%run_scoped3A_528, %dma_wait3A_828, %dma_wait3A_829] : memref<2x4x128xi32, #tpu.memory_space<vmem>> -> memref<1x4x128xi32, #tpu.memory_space<vmem>>
        %dma_wait3A_831 = tpu.memref_squeeze %dma_wait3A_830 : memref<1x4x128xi32, #tpu.memory_space<vmem>> -> memref<4x128xi32, #tpu.memory_space<vmem>>
        %dma_wait3A_832 = arith.constant 0 : i32
        %dma_wait3A_833 = tpu.memref_slice %arg2[%add3A_527, %dma_wait3A_832] : memref<6400x128xi32, #tpu.memory_space<hbm>> -> memref<4x128xi32, #tpu.memory_space<hbm>>
        %dma_wait3A_834 = arith.constant 0 : i32
        %dma_wait3A_835 = arith.constant 0 : i32
        %dma_wait3A_836 = tpu.memref_slice %arg5[%run_scoped3A_528, %dma_wait3A_834, %dma_wait3A_835] : memref<2x4x128xi32, #tpu.memory_space<vmem>> -> memref<1x4x128xi32, #tpu.memory_space<vmem>>
        %dma_wait3A_837 = tpu.memref_squeeze %dma_wait3A_836 : memref<1x4x128xi32, #tpu.memory_space<vmem>> -> memref<4x128xi32, #tpu.memory_space<vmem>>
        %dma_wait3A_838 = arith.constant 0 : i32
        %dma_wait3A_839 = tpu.memref_slice %arg2[%add3A_527, %dma_wait3A_838] : memref<6400x128xi32, #tpu.memory_space<hbm>> -> memref<4x128xi32, #tpu.memory_space<hbm>>
        tpu.wait_dma2 semaphore(%run_scoped3A_815 : memref<!tpu.dma_semaphore, #tpu.memory_space<semaphore_mem>>) src(%dma_wait3A_839 : memref<4x128xi32, #tpu.memory_space<hbm>>) dst(%dma_wait3A_837 : memref<4x128xi32, #tpu.memory_space<vmem>>)
        tpu.yield
      }) : () -> ()
      %dma_start3A_529 = arith.constant 0 : i32
      %dma_start3A_530 = arith.constant 0 : i32
      %dma_start3A_531 = arith.constant 0 : i32
      %dma_start3A_532 = arith.constant 0 : i32
      %dma_start3A_533 = arith.constant 0 : i32
      %dma_start3A_534 = tpu.memref_slice %arg6[%dma_start3A_531, %dma_start3A_532, %dma_start3A_533] : memref<2x512x72xf32, #tpu.memory_space<vmem>> -> memref<1x512x72xf32, #tpu.memory_space<vmem>>
      %dma_start3A_535 = tpu.memref_squeeze %dma_start3A_534 : memref<1x512x72xf32, #tpu.memory_space<vmem>> -> memref<512x72xf32, #tpu.memory_space<vmem>>
      %dma_start3A_536 = arith.constant 0 : i32
      %dma_start3A_537 = arith.constant 0 : i32
      %dma_start3A_538 = tpu.memref_slice %dma_start3A_535[%dma_start3A_536, %dma_start3A_537] : memref<512x72xf32, #tpu.memory_space<vmem>> -> memref<128x72xf32, #tpu.memory_space<vmem>>
      %dma_start3A_539 = arith.constant 0 : i32
      %dma_start3A_540 = arith.constant 0 : i32
      %dma_start3A_541 = tpu.memref_slice %arg5[%dma_start3A_529, %dma_start3A_539, %dma_start3A_540] : memref<2x4x128xi32, #tpu.memory_space<vmem>> -> memref<1x4x128xi32, #tpu.memory_space<vmem>>
      %dma_start3A_542 = tpu.memref_squeeze %dma_start3A_541 : memref<1x4x128xi32, #tpu.memory_space<vmem>> -> memref<4x128xi32, #tpu.memory_space<vmem>>
      %dma_start3A_543 = arith.constant 0 : i32
      %dma_start3A_544 = tpu.memref_slice %dma_start3A_542[%dma_start3A_530, %dma_start3A_543] : memref<4x128xi32, #tpu.memory_space<vmem>> -> memref<1x128xi32, #tpu.memory_space<vmem>>
      %dma_start3A_545 = tpu.memref_squeeze %dma_start3A_544 : memref<1x128xi32, #tpu.memory_space<vmem>> -> memref<128xi32, #tpu.memory_space<vmem>>
      %dma_start3A_546 = arith.constant 0 : i32
      %dma_start3A_547 = arith.constant 0 : i32
      %dma_start3A_548 = tpu.memref_slice %arg3[%dma_start3A_546, %dma_start3A_547] : memref<1000000x72xf32, #tpu.memory_space<hbm>> -> memref<1000000x72xf32, #tpu.memory_space<hbm>>
      tpu.enqueue_indirect_dma source(%dma_start3A_548 : memref<1000000x72xf32, #tpu.memory_space<hbm>>) target(%dma_start3A_538 : memref<128x72xf32, #tpu.memory_space<vmem>>) offsets(%dma_start3A_545 : memref<128xi32, #tpu.memory_space<vmem>>) semaphore(%arg7 : memref<!tpu.dma_semaphore, #tpu.memory_space<semaphore_mem>>)
      %dma_start3A_549 = arith.constant 0 : i32
      %dma_start3A_550 = arith.constant 1 : i32
      %dma_start3A_551 = arith.constant 0 : i32
      %dma_start3A_552 = arith.constant 0 : i32
      %dma_start3A_553 = arith.constant 0 : i32
      %dma_start3A_554 = tpu.memref_slice %arg6[%dma_start3A_551, %dma_start3A_552, %dma_start3A_553] : memref<2x512x72xf32, #tpu.memory_space<vmem>> -> memref<1x512x72xf32, #tpu.memory_space<vmem>>
      %dma_start3A_555 = tpu.memref_squeeze %dma_start3A_554 : memref<1x512x72xf32, #tpu.memory_space<vmem>> -> memref<512x72xf32, #tpu.memory_space<vmem>>
      %dma_start3A_556 = arith.constant 128 : i32
      %dma_start3A_557 = arith.constant 0 : i32
      %dma_start3A_558 = tpu.memref_slice %dma_start3A_555[%dma_start3A_556, %dma_start3A_557] : memref<512x72xf32, #tpu.memory_space<vmem>> -> memref<128x72xf32, #tpu.memory_space<vmem>>
      %dma_start3A_559 = arith.constant 0 : i32
      %dma_start3A_560 = arith.constant 0 : i32
      %dma_start3A_561 = tpu.memref_slice %arg5[%dma_start3A_549, %dma_start3A_559, %dma_start3A_560] : memref<2x4x128xi32, #tpu.memory_space<vmem>> -> memref<1x4x128xi32, #tpu.memory_space<vmem>>
      %dma_start3A_562 = tpu.memref_squeeze %dma_start3A_561 : memref<1x4x128xi32, #tpu.memory_space<vmem>> -> memref<4x128xi32, #tpu.memory_space<vmem>>
      %dma_start3A_563 = arith.constant 0 : i32
      %dma_start3A_564 = tpu.memref_slice %dma_start3A_562[%dma_start3A_550, %dma_start3A_563] : memref<4x128xi32, #tpu.memory_space<vmem>> -> memref<1x128xi32, #tpu.memory_space<vmem>>
      %dma_start3A_565 = tpu.memref_squeeze %dma_start3A_564 : memref<1x128xi32, #tpu.memory_space<vmem>> -> memref<128xi32, #tpu.memory_space<vmem>>
      %dma_start3A_566 = arith.constant 0 : i32
      %dma_start3A_567 = arith.constant 0 : i32
      %dma_start3A_568 = tpu.memref_slice %arg3[%dma_start3A_566, %dma_start3A_567] : memref<1000000x72xf32, #tpu.memory_space<hbm>> -> memref<1000000x72xf32, #tpu.memory_space<hbm>>
      tpu.enqueue_indirect_dma source(%dma_start3A_568 : memref<1000000x72xf32, #tpu.memory_space<hbm>>) target(%dma_start3A_558 : memref<128x72xf32, #tpu.memory_space<vmem>>) offsets(%dma_start3A_565 : memref<128xi32, #tpu.memory_space<vmem>>) semaphore(%arg7 : memref<!tpu.dma_semaphore, #tpu.memory_space<semaphore_mem>>)
      %dma_start3A_569 = arith.constant 0 : i32
      %dma_start3A_570 = arith.constant 2 : i32
      %dma_start3A_571 = arith.constant 0 : i32
      %dma_start3A_572 = arith.constant 0 : i32
      %dma_start3A_573 = arith.constant 0 : i32
      %dma_start3A_574 = tpu.memref_slice %arg6[%dma_start3A_571, %dma_start3A_572, %dma_start3A_573] : memref<2x512x72xf32, #tpu.memory_space<vmem>> -> memref<1x512x72xf32, #tpu.memory_space<vmem>>
      %dma_start3A_575 = tpu.memref_squeeze %dma_start3A_574 : memref<1x512x72xf32, #tpu.memory_space<vmem>> -> memref<512x72xf32, #tpu.memory_space<vmem>>
      %dma_start3A_576 = arith.constant 256 : i32
      %dma_start3A_577 = arith.constant 0 : i32
      %dma_start3A_578 = tpu.memref_slice %dma_start3A_575[%dma_start3A_576, %dma_start3A_577] : memref<512x72xf32, #tpu.memory_space<vmem>> -> memref<128x72xf32, #tpu.memory_space<vmem>>
      %dma_start3A_579 = arith.constant 0 : i32
      %dma_start3A_580 = arith.constant 0 : i32
      %dma_start3A_581 = tpu.memref_slice %arg5[%dma_start3A_569, %dma_start3A_579, %dma_start3A_580] : memref<2x4x128xi32, #tpu.memory_space<vmem>> -> memref<1x4x128xi32, #tpu.memory_space<vmem>>
      %dma_start3A_582 = tpu.memref_squeeze %dma_start3A_581 : memref<1x4x128xi32, #tpu.memory_space<vmem>> -> memref<4x128xi32, #tpu.memory_space<vmem>>
      %dma_start3A_583 = arith.constant 0 : i32
      %dma_start3A_584 = tpu.memref_slice %dma_start3A_582[%dma_start3A_570, %dma_start3A_583] : memref<4x128xi32, #tpu.memory_space<vmem>> -> memref<1x128xi32, #tpu.memory_space<vmem>>
      %dma_start3A_585 = tpu.memref_squeeze %dma_start3A_584 : memref<1x128xi32, #tpu.memory_space<vmem>> -> memref<128xi32, #tpu.memory_space<vmem>>
      %dma_start3A_586 = arith.constant 0 : i32
      %dma_start3A_587 = arith.constant 0 : i32
      %dma_start3A_588 = tpu.memref_slice %arg3[%dma_start3A_586, %dma_start3A_587] : memref<1000000x72xf32, #tpu.memory_space<hbm>> -> memref<1000000x72xf32, #tpu.memory_space<hbm>>
      tpu.enqueue_indirect_dma source(%dma_start3A_588 : memref<1000000x72xf32, #tpu.memory_space<hbm>>) target(%dma_start3A_578 : memref<128x72xf32, #tpu.memory_space<vmem>>) offsets(%dma_start3A_585 : memref<128xi32, #tpu.memory_space<vmem>>) semaphore(%arg7 : memref<!tpu.dma_semaphore, #tpu.memory_space<semaphore_mem>>)
      %dma_start3A_589 = arith.constant 0 : i32
      %dma_start3A_590 = arith.constant 3 : i32
      %dma_start3A_591 = arith.constant 0 : i32
      %dma_start3A_592 = arith.constant 0 : i32
      %dma_start3A_593 = arith.constant 0 : i32
      %dma_start3A_594 = tpu.memref_slice %arg6[%dma_start3A_591, %dma_start3A_592, %dma_start3A_593] : memref<2x512x72xf32, #tpu.memory_space<vmem>> -> memref<1x512x72xf32, #tpu.memory_space<vmem>>
      %dma_start3A_595 = tpu.memref_squeeze %dma_start3A_594 : memref<1x512x72xf32, #tpu.memory_space<vmem>> -> memref<512x72xf32, #tpu.memory_space<vmem>>
      %dma_start3A_596 = arith.constant 384 : i32
      %dma_start3A_597 = arith.constant 0 : i32
      %dma_start3A_598 = tpu.memref_slice %dma_start3A_595[%dma_start3A_596, %dma_start3A_597] : memref<512x72xf32, #tpu.memory_space<vmem>> -> memref<128x72xf32, #tpu.memory_space<vmem>>
      %dma_start3A_599 = arith.constant 0 : i32
      %dma_start3A_600 = arith.constant 0 : i32
      %dma_start3A_601 = tpu.memref_slice %arg5[%dma_start3A_589, %dma_start3A_599, %dma_start3A_600] : memref<2x4x128xi32, #tpu.memory_space<vmem>> -> memref<1x4x128xi32, #tpu.memory_space<vmem>>
      %dma_start3A_602 = tpu.memref_squeeze %dma_start3A_601 : memref<1x4x128xi32, #tpu.memory_space<vmem>> -> memref<4x128xi32, #tpu.memory_space<vmem>>
      %dma_start3A_603 = arith.constant 0 : i32
      %dma_start3A_604 = tpu.memref_slice %dma_start3A_602[%dma_start3A_590, %dma_start3A_603] : memref<4x128xi32, #tpu.memory_space<vmem>> -> memref<1x128xi32, #tpu.memory_space<vmem>>
      %dma_start3A_605 = tpu.memref_squeeze %dma_start3A_604 : memref<1x128xi32, #tpu.memory_space<vmem>> -> memref<128xi32, #tpu.memory_space<vmem>>
      %dma_start3A_606 = arith.constant 0 : i32
      %dma_start3A_607 = arith.constant 0 : i32
      %dma_start3A_608 = tpu.memref_slice %arg3[%dma_start3A_606, %dma_start3A_607] : memref<1000000x72xf32, #tpu.memory_space<hbm>> -> memref<1000000x72xf32, #tpu.memory_space<hbm>>
      tpu.enqueue_indirect_dma source(%dma_start3A_608 : memref<1000000x72xf32, #tpu.memory_space<hbm>>) target(%dma_start3A_598 : memref<128x72xf32, #tpu.memory_space<vmem>>) offsets(%dma_start3A_605 : memref<128xi32, #tpu.memory_space<vmem>>) semaphore(%arg7 : memref<!tpu.dma_semaphore, #tpu.memory_space<semaphore_mem>>)
      %mul3A_609 = arith.constant 2 : i32
      %mul3A_610 = arith.muli %scan3A_402, %mul3A_609 : i32
      %add3A_611 = arith.constant 1 : i32
      %add3A_612 = arith.addi %mul3A_610, %add3A_611 : i32
      %dma_wait3A_613 = arith.constant 1 : i32
      %dma_wait3A_614 = arith.constant 0 : i32
      %dma_wait3A_615 = arith.constant 0 : i32
      %dma_wait3A_616 = tpu.memref_slice %arg6[%dma_wait3A_613, %dma_wait3A_614, %dma_wait3A_615] : memref<2x512x72xf32, #tpu.memory_space<vmem>> -> memref<1x512x72xf32, #tpu.memory_space<vmem>>
      %dma_wait3A_617 = tpu.memref_squeeze %dma_wait3A_616 : memref<1x512x72xf32, #tpu.memory_space<vmem>> -> memref<512x72xf32, #tpu.memory_space<vmem>>
      %dma_wait3A_618 = arith.constant 0 : i32
      %dma_wait3A_619 = arith.constant 0 : i32
      %dma_wait3A_620 = tpu.memref_slice %dma_wait3A_617[%dma_wait3A_618, %dma_wait3A_619] : memref<512x72xf32, #tpu.memory_space<vmem>> -> memref<128x72xf32, #tpu.memory_space<vmem>>
      %dma_wait3A_621 = arith.constant 0 : i32
      %dma_wait3A_622 = arith.constant 0 : i32
      %dma_wait3A_623 = tpu.memref_slice %arg3[%dma_wait3A_621, %dma_wait3A_622] : memref<1000000x72xf32, #tpu.memory_space<hbm>> -> memref<128x72xf32, #tpu.memory_space<hbm>>
      %dma_wait3A_624 = arith.constant 0 : i32
      %dma_wait3A_625 = arith.constant 0 : i32
      %dma_wait3A_626 = tpu.memref_slice %arg6[%dma_wait3A_613, %dma_wait3A_624, %dma_wait3A_625] : memref<2x512x72xf32, #tpu.memory_space<vmem>> -> memref<1x512x72xf32, #tpu.memory_space<vmem>>
      %dma_wait3A_627 = tpu.memref_squeeze %dma_wait3A_626 : memref<1x512x72xf32, #tpu.memory_space<vmem>> -> memref<512x72xf32, #tpu.memory_space<vmem>>
      %dma_wait3A_628 = arith.constant 0 : i32
      %dma_wait3A_629 = arith.constant 0 : i32
      %dma_wait3A_630 = tpu.memref_slice %dma_wait3A_627[%dma_wait3A_628, %dma_wait3A_629] : memref<512x72xf32, #tpu.memory_space<vmem>> -> memref<128x72xf32, #tpu.memory_space<vmem>>
      %dma_wait3A_631 = arith.constant 0 : i32
      %dma_wait3A_632 = arith.constant 0 : i32
      %dma_wait3A_633 = tpu.memref_slice %arg3[%dma_wait3A_631, %dma_wait3A_632] : memref<1000000x72xf32, #tpu.memory_space<hbm>> -> memref<128x72xf32, #tpu.memory_space<hbm>>
      tpu.wait_dma2 semaphore(%arg8 : memref<!tpu.dma_semaphore, #tpu.memory_space<semaphore_mem>>) src(%dma_wait3A_633 : memref<128x72xf32, #tpu.memory_space<hbm>>) dst(%dma_wait3A_630 : memref<128x72xf32, #tpu.memory_space<vmem>>)
      %dma_wait3A_634 = arith.constant 1 : i32
      %dma_wait3A_635 = arith.constant 0 : i32
      %dma_wait3A_636 = arith.constant 0 : i32
      %dma_wait3A_637 = tpu.memref_slice %arg6[%dma_wait3A_634, %dma_wait3A_635, %dma_wait3A_636] : memref<2x512x72xf32, #tpu.memory_space<vmem>> -> memref<1x512x72xf32, #tpu.memory_space<vmem>>
      %dma_wait3A_638 = tpu.memref_squeeze %dma_wait3A_637 : memref<1x512x72xf32, #tpu.memory_space<vmem>> -> memref<512x72xf32, #tpu.memory_space<vmem>>
      %dma_wait3A_639 = arith.constant 128 : i32
      %dma_wait3A_640 = arith.constant 0 : i32
      %dma_wait3A_641 = tpu.memref_slice %dma_wait3A_638[%dma_wait3A_639, %dma_wait3A_640] : memref<512x72xf32, #tpu.memory_space<vmem>> -> memref<128x72xf32, #tpu.memory_space<vmem>>
      %dma_wait3A_642 = arith.constant 0 : i32
      %dma_wait3A_643 = arith.constant 0 : i32
      %dma_wait3A_644 = tpu.memref_slice %arg3[%dma_wait3A_642, %dma_wait3A_643] : memref<1000000x72xf32, #tpu.memory_space<hbm>> -> memref<128x72xf32, #tpu.memory_space<hbm>>
      %dma_wait3A_645 = arith.constant 0 : i32
      %dma_wait3A_646 = arith.constant 0 : i32
      %dma_wait3A_647 = tpu.memref_slice %arg6[%dma_wait3A_634, %dma_wait3A_645, %dma_wait3A_646] : memref<2x512x72xf32, #tpu.memory_space<vmem>> -> memref<1x512x72xf32, #tpu.memory_space<vmem>>
      %dma_wait3A_648 = tpu.memref_squeeze %dma_wait3A_647 : memref<1x512x72xf32, #tpu.memory_space<vmem>> -> memref<512x72xf32, #tpu.memory_space<vmem>>
      %dma_wait3A_649 = arith.constant 128 : i32
      %dma_wait3A_650 = arith.constant 0 : i32
      %dma_wait3A_651 = tpu.memref_slice %dma_wait3A_648[%dma_wait3A_649, %dma_wait3A_650] : memref<512x72xf32, #tpu.memory_space<vmem>> -> memref<128x72xf32, #tpu.memory_space<vmem>>
      %dma_wait3A_652 = arith.constant 0 : i32
      %dma_wait3A_653 = arith.constant 0 : i32
      %dma_wait3A_654 = tpu.memref_slice %arg3[%dma_wait3A_652, %dma_wait3A_653] : memref<1000000x72xf32, #tpu.memory_space<hbm>> -> memref<128x72xf32, #tpu.memory_space<hbm>>
      tpu.wait_dma2 semaphore(%arg8 : memref<!tpu.dma_semaphore, #tpu.memory_space<semaphore_mem>>) src(%dma_wait3A_654 : memref<128x72xf32, #tpu.memory_space<hbm>>) dst(%dma_wait3A_651 : memref<128x72xf32, #tpu.memory_space<vmem>>)
      %dma_wait3A_655 = arith.constant 1 : i32
      %dma_wait3A_656 = arith.constant 0 : i32
      %dma_wait3A_657 = arith.constant 0 : i32
      %dma_wait3A_658 = tpu.memref_slice %arg6[%dma_wait3A_655, %dma_wait3A_656, %dma_wait3A_657] : memref<2x512x72xf32, #tpu.memory_space<vmem>> -> memref<1x512x72xf32, #tpu.memory_space<vmem>>
      %dma_wait3A_659 = tpu.memref_squeeze %dma_wait3A_658 : memref<1x512x72xf32, #tpu.memory_space<vmem>> -> memref<512x72xf32, #tpu.memory_space<vmem>>
      %dma_wait3A_660 = arith.constant 256 : i32
      %dma_wait3A_661 = arith.constant 0 : i32
      %dma_wait3A_662 = tpu.memref_slice %dma_wait3A_659[%dma_wait3A_660, %dma_wait3A_661] : memref<512x72xf32, #tpu.memory_space<vmem>> -> memref<128x72xf32, #tpu.memory_space<vmem>>
      %dma_wait3A_663 = arith.constant 0 : i32
      %dma_wait3A_664 = arith.constant 0 : i32
      %dma_wait3A_665 = tpu.memref_slice %arg3[%dma_wait3A_663, %dma_wait3A_664] : memref<1000000x72xf32, #tpu.memory_space<hbm>> -> memref<128x72xf32, #tpu.memory_space<hbm>>
      %dma_wait3A_666 = arith.constant 0 : i32
      %dma_wait3A_667 = arith.constant 0 : i32
      %dma_wait3A_668 = tpu.memref_slice %arg6[%dma_wait3A_655, %dma_wait3A_666, %dma_wait3A_667] : memref<2x512x72xf32, #tpu.memory_space<vmem>> -> memref<1x512x72xf32, #tpu.memory_space<vmem>>
      %dma_wait3A_669 = tpu.memref_squeeze %dma_wait3A_668 : memref<1x512x72xf32, #tpu.memory_space<vmem>> -> memref<512x72xf32, #tpu.memory_space<vmem>>
      %dma_wait3A_670 = arith.constant 256 : i32
      %dma_wait3A_671 = arith.constant 0 : i32
      %dma_wait3A_672 = tpu.memref_slice %dma_wait3A_669[%dma_wait3A_670, %dma_wait3A_671] : memref<512x72xf32, #tpu.memory_space<vmem>> -> memref<128x72xf32, #tpu.memory_space<vmem>>
      %dma_wait3A_673 = arith.constant 0 : i32
      %dma_wait3A_674 = arith.constant 0 : i32
      %dma_wait3A_675 = tpu.memref_slice %arg3[%dma_wait3A_673, %dma_wait3A_674] : memref<1000000x72xf32, #tpu.memory_space<hbm>> -> memref<128x72xf32, #tpu.memory_space<hbm>>
      tpu.wait_dma2 semaphore(%arg8 : memref<!tpu.dma_semaphore, #tpu.memory_space<semaphore_mem>>) src(%dma_wait3A_675 : memref<128x72xf32, #tpu.memory_space<hbm>>) dst(%dma_wait3A_672 : memref<128x72xf32, #tpu.memory_space<vmem>>)
      %dma_wait3A_676 = arith.constant 1 : i32
      %dma_wait3A_677 = arith.constant 0 : i32
      %dma_wait3A_678 = arith.constant 0 : i32
      %dma_wait3A_679 = tpu.memref_slice %arg6[%dma_wait3A_676, %dma_wait3A_677, %dma_wait3A_678] : memref<2x512x72xf32, #tpu.memory_space<vmem>> -> memref<1x512x72xf32, #tpu.memory_space<vmem>>
      %dma_wait3A_680 = tpu.memref_squeeze %dma_wait3A_679 : memref<1x512x72xf32, #tpu.memory_space<vmem>> -> memref<512x72xf32, #tpu.memory_space<vmem>>
      %dma_wait3A_681 = arith.constant 384 : i32
      %dma_wait3A_682 = arith.constant 0 : i32
      %dma_wait3A_683 = tpu.memref_slice %dma_wait3A_680[%dma_wait3A_681, %dma_wait3A_682] : memref<512x72xf32, #tpu.memory_space<vmem>> -> memref<128x72xf32, #tpu.memory_space<vmem>>
      %dma_wait3A_684 = arith.constant 0 : i32
      %dma_wait3A_685 = arith.constant 0 : i32
      %dma_wait3A_686 = tpu.memref_slice %arg3[%dma_wait3A_684, %dma_wait3A_685] : memref<1000000x72xf32, #tpu.memory_space<hbm>> -> memref<128x72xf32, #tpu.memory_space<hbm>>
      %dma_wait3A_687 = arith.constant 0 : i32
      %dma_wait3A_688 = arith.constant 0 : i32
      %dma_wait3A_689 = tpu.memref_slice %arg6[%dma_wait3A_676, %dma_wait3A_687, %dma_wait3A_688] : memref<2x512x72xf32, #tpu.memory_space<vmem>> -> memref<1x512x72xf32, #tpu.memory_space<vmem>>
      %dma_wait3A_690 = tpu.memref_squeeze %dma_wait3A_689 : memref<1x512x72xf32, #tpu.memory_space<vmem>> -> memref<512x72xf32, #tpu.memory_space<vmem>>
      %dma_wait3A_691 = arith.constant 384 : i32
      %dma_wait3A_692 = arith.constant 0 : i32
      %dma_wait3A_693 = tpu.memref_slice %dma_wait3A_690[%dma_wait3A_691, %dma_wait3A_692] : memref<512x72xf32, #tpu.memory_space<vmem>> -> memref<128x72xf32, #tpu.memory_space<vmem>>
      %dma_wait3A_694 = arith.constant 0 : i32
      %dma_wait3A_695 = arith.constant 0 : i32
      %dma_wait3A_696 = tpu.memref_slice %arg3[%dma_wait3A_694, %dma_wait3A_695] : memref<1000000x72xf32, #tpu.memory_space<hbm>> -> memref<128x72xf32, #tpu.memory_space<hbm>>
      tpu.wait_dma2 semaphore(%arg8 : memref<!tpu.dma_semaphore, #tpu.memory_space<semaphore_mem>>) src(%dma_wait3A_696 : memref<128x72xf32, #tpu.memory_space<hbm>>) dst(%dma_wait3A_693 : memref<128x72xf32, #tpu.memory_space<vmem>>)
      %mul3A_697 = arith.constant 512 : i32
      %mul3A_698 = arith.muli %add3A_612, %mul3A_697 : i32
      %add3A_699 = arith.addi %mul3A_4, %mul3A_698 : i32
      %dma_start3A_700 = arith.constant 1 : i32
      %dma_start3A_701 = arith.constant 0 : i32
      %dma_start3A_702 = arith.constant 0 : i32
      %dma_start3A_703 = tpu.memref_slice %arg6[%dma_start3A_700, %dma_start3A_701, %dma_start3A_702] : memref<2x512x72xf32, #tpu.memory_space<vmem>> -> memref<1x512x72xf32, #tpu.memory_space<vmem>>
      %dma_start3A_704 = tpu.memref_squeeze %dma_start3A_703 : memref<1x512x72xf32, #tpu.memory_space<vmem>> -> memref<512x72xf32, #tpu.memory_space<vmem>>
      %dma_start3A_705 = arith.constant 0 : i32
      %dma_start3A_706 = tpu.memref_slice %arg4[%add3A_699, %dma_start3A_705] : memref<819200x128xf32, #tpu.memory_space<hbm>> -> memref<512x72xf32, #tpu.memory_space<hbm>>
      %dma_start3A_707 = arith.constant 0 : i32
      %dma_start3A_708 = tpu.memref_slice %arg4[%add3A_699, %dma_start3A_707] : memref<819200x128xf32, #tpu.memory_space<hbm>> -> memref<512x72xf32, #tpu.memory_space<hbm>>
      %dma_start3A_709 = arith.constant 0 : i32
      %dma_start3A_710 = arith.constant 0 : i32
      %dma_start3A_711 = tpu.memref_slice %arg6[%dma_start3A_700, %dma_start3A_709, %dma_start3A_710] : memref<2x512x72xf32, #tpu.memory_space<vmem>> -> memref<1x512x72xf32, #tpu.memory_space<vmem>>
      %dma_start3A_712 = tpu.memref_squeeze %dma_start3A_711 : memref<1x512x72xf32, #tpu.memory_space<vmem>> -> memref<512x72xf32, #tpu.memory_space<vmem>>
      tpu.enqueue_dma source(%dma_start3A_712 : memref<512x72xf32, #tpu.memory_space<vmem>>) target(%dma_start3A_708 : memref<512x72xf32, #tpu.memory_space<hbm>>) target_semaphore(%arg10 : memref<!tpu.dma_semaphore, #tpu.memory_space<semaphore_mem>>)
      %dma_wait3A_713 = arith.constant 1 : i32
      %dma_wait3A_714 = arith.constant 0 : i32
      %dma_wait3A_715 = arith.constant 0 : i32
      %dma_wait3A_716 = tpu.memref_slice %arg6[%dma_wait3A_713, %dma_wait3A_714, %dma_wait3A_715] : memref<2x512x72xf32, #tpu.memory_space<vmem>> -> memref<1x512x72xf32, #tpu.memory_space<vmem>>
      %dma_wait3A_717 = tpu.memref_squeeze %dma_wait3A_716 : memref<1x512x72xf32, #tpu.memory_space<vmem>> -> memref<512x72xf32, #tpu.memory_space<vmem>>
      %dma_wait3A_718 = arith.constant 0 : i32
      %dma_wait3A_719 = arith.constant 0 : i32
      %dma_wait3A_720 = tpu.memref_slice %arg4[%dma_wait3A_718, %dma_wait3A_719] : memref<819200x128xf32, #tpu.memory_space<hbm>> -> memref<512x72xf32, #tpu.memory_space<hbm>>
      %dma_wait3A_721 = arith.constant 0 : i32
      %dma_wait3A_722 = arith.constant 0 : i32
      %dma_wait3A_723 = tpu.memref_slice %arg4[%dma_wait3A_721, %dma_wait3A_722] : memref<819200x128xf32, #tpu.memory_space<hbm>> -> memref<512x72xf32, #tpu.memory_space<hbm>>
      %dma_wait3A_724 = arith.constant 0 : i32
      %dma_wait3A_725 = arith.constant 0 : i32
      %dma_wait3A_726 = tpu.memref_slice %arg6[%dma_wait3A_713, %dma_wait3A_724, %dma_wait3A_725] : memref<2x512x72xf32, #tpu.memory_space<vmem>> -> memref<1x512x72xf32, #tpu.memory_space<vmem>>
      %dma_wait3A_727 = tpu.memref_squeeze %dma_wait3A_726 : memref<1x512x72xf32, #tpu.memory_space<vmem>> -> memref<512x72xf32, #tpu.memory_space<vmem>>
      tpu.wait_dma2 semaphore(%arg10 : memref<!tpu.dma_semaphore, #tpu.memory_space<semaphore_mem>>) src(%dma_wait3A_727 : memref<512x72xf32, #tpu.memory_space<vmem>>) dst(%dma_wait3A_723 : memref<512x72xf32, #tpu.memory_space<hbm>>)
      %add3A_728 = arith.constant 2 : i32
      %add3A_729 = arith.addi %add3A_612, %add3A_728 : i32
      %mul3A_730 = arith.constant 4 : i32
      %mul3A_731 = arith.muli %add3A_729, %mul3A_730 : i32
      %add3A_732 = arith.addi %mul3A_2, %mul3A_731 : i32
      %run_scoped3A_733 = arith.constant 1 : i32
      "tpu.region"() ({
        %run_scoped3A_815 = tpu.sem_alloc : memref<!tpu.dma_semaphore, #tpu.memory_space<semaphore_mem>>
        %dma_start3A_816 = arith.constant 0 : i32
        %dma_start3A_817 = arith.constant 0 : i32
        %dma_start3A_818 = tpu.memref_slice %arg5[%run_scoped3A_733, %dma_start3A_816, %dma_start3A_817] : memref<2x4x128xi32, #tpu.memory_space<vmem>> -> memref<1x4x128xi32, #tpu.memory_space<vmem>>
        %dma_start3A_819 = tpu.memref_squeeze %dma_start3A_818 : memref<1x4x128xi32, #tpu.memory_space<vmem>> -> memref<4x128xi32, #tpu.memory_space<vmem>>
        %dma_start3A_820 = arith.constant 0 : i32
        %dma_start3A_821 = tpu.memref_slice %arg2[%add3A_732, %dma_start3A_820] : memref<6400x128xi32, #tpu.memory_space<hbm>> -> memref<4x128xi32, #tpu.memory_space<hbm>>
        %dma_start3A_822 = arith.constant 0 : i32
        %dma_start3A_823 = arith.constant 0 : i32
        %dma_start3A_824 = tpu.memref_slice %arg5[%run_scoped3A_733, %dma_start3A_822, %dma_start3A_823] : memref<2x4x128xi32, #tpu.memory_space<vmem>> -> memref<1x4x128xi32, #tpu.memory_space<vmem>>
        %dma_start3A_825 = tpu.memref_squeeze %dma_start3A_824 : memref<1x4x128xi32, #tpu.memory_space<vmem>> -> memref<4x128xi32, #tpu.memory_space<vmem>>
        %dma_start3A_826 = arith.constant 0 : i32
        %dma_start3A_827 = tpu.memref_slice %arg2[%add3A_732, %dma_start3A_826] : memref<6400x128xi32, #tpu.memory_space<hbm>> -> memref<4x128xi32, #tpu.memory_space<hbm>>
        tpu.enqueue_dma source(%dma_start3A_827 : memref<4x128xi32, #tpu.memory_space<hbm>>) target(%dma_start3A_825 : memref<4x128xi32, #tpu.memory_space<vmem>>) target_semaphore(%run_scoped3A_815 : memref<!tpu.dma_semaphore, #tpu.memory_space<semaphore_mem>>)
        %dma_wait3A_828 = arith.constant 0 : i32
        %dma_wait3A_829 = arith.constant 0 : i32
        %dma_wait3A_830 = tpu.memref_slice %arg5[%run_scoped3A_733, %dma_wait3A_828, %dma_wait3A_829] : memref<2x4x128xi32, #tpu.memory_space<vmem>> -> memref<1x4x128xi32, #tpu.memory_space<vmem>>
        %dma_wait3A_831 = tpu.memref_squeeze %dma_wait3A_830 : memref<1x4x128xi32, #tpu.memory_space<vmem>> -> memref<4x128xi32, #tpu.memory_space<vmem>>
        %dma_wait3A_832 = arith.constant 0 : i32
        %dma_wait3A_833 = tpu.memref_slice %arg2[%add3A_732, %dma_wait3A_832] : memref<6400x128xi32, #tpu.memory_space<hbm>> -> memref<4x128xi32, #tpu.memory_space<hbm>>
        %dma_wait3A_834 = arith.constant 0 : i32
        %dma_wait3A_835 = arith.constant 0 : i32
        %dma_wait3A_836 = tpu.memref_slice %arg5[%run_scoped3A_733, %dma_wait3A_834, %dma_wait3A_835] : memref<2x4x128xi32, #tpu.memory_space<vmem>> -> memref<1x4x128xi32, #tpu.memory_space<vmem>>
        %dma_wait3A_837 = tpu.memref_squeeze %dma_wait3A_836 : memref<1x4x128xi32, #tpu.memory_space<vmem>> -> memref<4x128xi32, #tpu.memory_space<vmem>>
        %dma_wait3A_838 = arith.constant 0 : i32
        %dma_wait3A_839 = tpu.memref_slice %arg2[%add3A_732, %dma_wait3A_838] : memref<6400x128xi32, #tpu.memory_space<hbm>> -> memref<4x128xi32, #tpu.memory_space<hbm>>
        tpu.wait_dma2 semaphore(%run_scoped3A_815 : memref<!tpu.dma_semaphore, #tpu.memory_space<semaphore_mem>>) src(%dma_wait3A_839 : memref<4x128xi32, #tpu.memory_space<hbm>>) dst(%dma_wait3A_837 : memref<4x128xi32, #tpu.memory_space<vmem>>)
        tpu.yield
      }) : () -> ()
      %dma_start3A_734 = arith.constant 1 : i32
      %dma_start3A_735 = arith.constant 0 : i32
      %dma_start3A_736 = arith.constant 1 : i32
      %dma_start3A_737 = arith.constant 0 : i32
      %dma_start3A_738 = arith.constant 0 : i32
      %dma_start3A_739 = tpu.memref_slice %arg6[%dma_start3A_736, %dma_start3A_737, %dma_start3A_738] : memref<2x512x72xf32, #tpu.memory_space<vmem>> -> memref<1x512x72xf32, #tpu.memory_space<vmem>>
      %dma_start3A_740 = tpu.memref_squeeze %dma_start3A_739 : memref<1x512x72xf32, #tpu.memory_space<vmem>> -> memref<512x72xf32, #tpu.memory_space<vmem>>
      %dma_start3A_741 = arith.constant 0 : i32
      %dma_start3A_742 = arith.constant 0 : i32
      %dma_start3A_743 = tpu.memref_slice %dma_start3A_740[%dma_start3A_741, %dma_start3A_742] : memref<512x72xf32, #tpu.memory_space<vmem>> -> memref<128x72xf32, #tpu.memory_space<vmem>>
      %dma_start3A_744 = arith.constant 0 : i32
      %dma_start3A_745 = arith.constant 0 : i32
      %dma_start3A_746 = tpu.memref_slice %arg5[%dma_start3A_734, %dma_start3A_744, %dma_start3A_745] : memref<2x4x128xi32, #tpu.memory_space<vmem>> -> memref<1x4x128xi32, #tpu.memory_space<vmem>>
      %dma_start3A_747 = tpu.memref_squeeze %dma_start3A_746 : memref<1x4x128xi32, #tpu.memory_space<vmem>> -> memref<4x128xi32, #tpu.memory_space<vmem>>
      %dma_start3A_748 = arith.constant 0 : i32
      %dma_start3A_749 = tpu.memref_slice %dma_start3A_747[%dma_start3A_735, %dma_start3A_748] : memref<4x128xi32, #tpu.memory_space<vmem>> -> memref<1x128xi32, #tpu.memory_space<vmem>>
      %dma_start3A_750 = tpu.memref_squeeze %dma_start3A_749 : memref<1x128xi32, #tpu.memory_space<vmem>> -> memref<128xi32, #tpu.memory_space<vmem>>
      %dma_start3A_751 = arith.constant 0 : i32
      %dma_start3A_752 = arith.constant 0 : i32
      %dma_start3A_753 = tpu.memref_slice %arg3[%dma_start3A_751, %dma_start3A_752] : memref<1000000x72xf32, #tpu.memory_space<hbm>> -> memref<1000000x72xf32, #tpu.memory_space<hbm>>
      tpu.enqueue_indirect_dma source(%dma_start3A_753 : memref<1000000x72xf32, #tpu.memory_space<hbm>>) target(%dma_start3A_743 : memref<128x72xf32, #tpu.memory_space<vmem>>) offsets(%dma_start3A_750 : memref<128xi32, #tpu.memory_space<vmem>>) semaphore(%arg8 : memref<!tpu.dma_semaphore, #tpu.memory_space<semaphore_mem>>)
      %dma_start3A_754 = arith.constant 1 : i32
      %dma_start3A_755 = arith.constant 1 : i32
      %dma_start3A_756 = arith.constant 1 : i32
      %dma_start3A_757 = arith.constant 0 : i32
      %dma_start3A_758 = arith.constant 0 : i32
      %dma_start3A_759 = tpu.memref_slice %arg6[%dma_start3A_756, %dma_start3A_757, %dma_start3A_758] : memref<2x512x72xf32, #tpu.memory_space<vmem>> -> memref<1x512x72xf32, #tpu.memory_space<vmem>>
      %dma_start3A_760 = tpu.memref_squeeze %dma_start3A_759 : memref<1x512x72xf32, #tpu.memory_space<vmem>> -> memref<512x72xf32, #tpu.memory_space<vmem>>
      %dma_start3A_761 = arith.constant 128 : i32
      %dma_start3A_762 = arith.constant 0 : i32
      %dma_start3A_763 = tpu.memref_slice %dma_start3A_760[%dma_start3A_761, %dma_start3A_762] : memref<512x72xf32, #tpu.memory_space<vmem>> -> memref<128x72xf32, #tpu.memory_space<vmem>>
      %dma_start3A_764 = arith.constant 0 : i32
      %dma_start3A_765 = arith.constant 0 : i32
      %dma_start3A_766 = tpu.memref_slice %arg5[%dma_start3A_754, %dma_start3A_764, %dma_start3A_765] : memref<2x4x128xi32, #tpu.memory_space<vmem>> -> memref<1x4x128xi32, #tpu.memory_space<vmem>>
      %dma_start3A_767 = tpu.memref_squeeze %dma_start3A_766 : memref<1x4x128xi32, #tpu.memory_space<vmem>> -> memref<4x128xi32, #tpu.memory_space<vmem>>
      %dma_start3A_768 = arith.constant 0 : i32
      %dma_start3A_769 = tpu.memref_slice %dma_start3A_767[%dma_start3A_755, %dma_start3A_768] : memref<4x128xi32, #tpu.memory_space<vmem>> -> memref<1x128xi32, #tpu.memory_space<vmem>>
      %dma_start3A_770 = tpu.memref_squeeze %dma_start3A_769 : memref<1x128xi32, #tpu.memory_space<vmem>> -> memref<128xi32, #tpu.memory_space<vmem>>
      %dma_start3A_771 = arith.constant 0 : i32
      %dma_start3A_772 = arith.constant 0 : i32
      %dma_start3A_773 = tpu.memref_slice %arg3[%dma_start3A_771, %dma_start3A_772] : memref<1000000x72xf32, #tpu.memory_space<hbm>> -> memref<1000000x72xf32, #tpu.memory_space<hbm>>
      tpu.enqueue_indirect_dma source(%dma_start3A_773 : memref<1000000x72xf32, #tpu.memory_space<hbm>>) target(%dma_start3A_763 : memref<128x72xf32, #tpu.memory_space<vmem>>) offsets(%dma_start3A_770 : memref<128xi32, #tpu.memory_space<vmem>>) semaphore(%arg8 : memref<!tpu.dma_semaphore, #tpu.memory_space<semaphore_mem>>)
      %dma_start3A_774 = arith.constant 1 : i32
      %dma_start3A_775 = arith.constant 2 : i32
      %dma_start3A_776 = arith.constant 1 : i32
      %dma_start3A_777 = arith.constant 0 : i32
      %dma_start3A_778 = arith.constant 0 : i32
      %dma_start3A_779 = tpu.memref_slice %arg6[%dma_start3A_776, %dma_start3A_777, %dma_start3A_778] : memref<2x512x72xf32, #tpu.memory_space<vmem>> -> memref<1x512x72xf32, #tpu.memory_space<vmem>>
      %dma_start3A_780 = tpu.memref_squeeze %dma_start3A_779 : memref<1x512x72xf32, #tpu.memory_space<vmem>> -> memref<512x72xf32, #tpu.memory_space<vmem>>
      %dma_start3A_781 = arith.constant 256 : i32
      %dma_start3A_782 = arith.constant 0 : i32
      %dma_start3A_783 = tpu.memref_slice %dma_start3A_780[%dma_start3A_781, %dma_start3A_782] : memref<512x72xf32, #tpu.memory_space<vmem>> -> memref<128x72xf32, #tpu.memory_space<vmem>>
      %dma_start3A_784 = arith.constant 0 : i32
      %dma_start3A_785 = arith.constant 0 : i32
      %dma_start3A_786 = tpu.memref_slice %arg5[%dma_start3A_774, %dma_start3A_784, %dma_start3A_785] : memref<2x4x128xi32, #tpu.memory_space<vmem>> -> memref<1x4x128xi32, #tpu.memory_space<vmem>>
      %dma_start3A_787 = tpu.memref_squeeze %dma_start3A_786 : memref<1x4x128xi32, #tpu.memory_space<vmem>> -> memref<4x128xi32, #tpu.memory_space<vmem>>
      %dma_start3A_788 = arith.constant 0 : i32
      %dma_start3A_789 = tpu.memref_slice %dma_start3A_787[%dma_start3A_775, %dma_start3A_788] : memref<4x128xi32, #tpu.memory_space<vmem>> -> memref<1x128xi32, #tpu.memory_space<vmem>>
      %dma_start3A_790 = tpu.memref_squeeze %dma_start3A_789 : memref<1x128xi32, #tpu.memory_space<vmem>> -> memref<128xi32, #tpu.memory_space<vmem>>
      %dma_start3A_791 = arith.constant 0 : i32
      %dma_start3A_792 = arith.constant 0 : i32
      %dma_start3A_793 = tpu.memref_slice %arg3[%dma_start3A_791, %dma_start3A_792] : memref<1000000x72xf32, #tpu.memory_space<hbm>> -> memref<1000000x72xf32, #tpu.memory_space<hbm>>
      tpu.enqueue_indirect_dma source(%dma_start3A_793 : memref<1000000x72xf32, #tpu.memory_space<hbm>>) target(%dma_start3A_783 : memref<128x72xf32, #tpu.memory_space<vmem>>) offsets(%dma_start3A_790 : memref<128xi32, #tpu.memory_space<vmem>>) semaphore(%arg8 : memref<!tpu.dma_semaphore, #tpu.memory_space<semaphore_mem>>)
      %dma_start3A_794 = arith.constant 1 : i32
      %dma_start3A_795 = arith.constant 3 : i32
      %dma_start3A_796 = arith.constant 1 : i32
      %dma_start3A_797 = arith.constant 0 : i32
      %dma_start3A_798 = arith.constant 0 : i32
      %dma_start3A_799 = tpu.memref_slice %arg6[%dma_start3A_796, %dma_start3A_797, %dma_start3A_798] : memref<2x512x72xf32, #tpu.memory_space<vmem>> -> memref<1x512x72xf32, #tpu.memory_space<vmem>>
      %dma_start3A_800 = tpu.memref_squeeze %dma_start3A_799 : memref<1x512x72xf32, #tpu.memory_space<vmem>> -> memref<512x72xf32, #tpu.memory_space<vmem>>
      %dma_start3A_801 = arith.constant 384 : i32
      %dma_start3A_802 = arith.constant 0 : i32
      %dma_start3A_803 = tpu.memref_slice %dma_start3A_800[%dma_start3A_801, %dma_start3A_802] : memref<512x72xf32, #tpu.memory_space<vmem>> -> memref<128x72xf32, #tpu.memory_space<vmem>>
      %dma_start3A_804 = arith.constant 0 : i32
      %dma_start3A_805 = arith.constant 0 : i32
      %dma_start3A_806 = tpu.memref_slice %arg5[%dma_start3A_794, %dma_start3A_804, %dma_start3A_805] : memref<2x4x128xi32, #tpu.memory_space<vmem>> -> memref<1x4x128xi32, #tpu.memory_space<vmem>>
      %dma_start3A_807 = tpu.memref_squeeze %dma_start3A_806 : memref<1x4x128xi32, #tpu.memory_space<vmem>> -> memref<4x128xi32, #tpu.memory_space<vmem>>
      %dma_start3A_808 = arith.constant 0 : i32
      %dma_start3A_809 = tpu.memref_slice %dma_start3A_807[%dma_start3A_795, %dma_start3A_808] : memref<4x128xi32, #tpu.memory_space<vmem>> -> memref<1x128xi32, #tpu.memory_space<vmem>>
      %dma_start3A_810 = tpu.memref_squeeze %dma_start3A_809 : memref<1x128xi32, #tpu.memory_space<vmem>> -> memref<128xi32, #tpu.memory_space<vmem>>
      %dma_start3A_811 = arith.constant 0 : i32
      %dma_start3A_812 = arith.constant 0 : i32
      %dma_start3A_813 = tpu.memref_slice %arg3[%dma_start3A_811, %dma_start3A_812] : memref<1000000x72xf32, #tpu.memory_space<hbm>> -> memref<1000000x72xf32, #tpu.memory_space<hbm>>
      tpu.enqueue_indirect_dma source(%dma_start3A_813 : memref<1000000x72xf32, #tpu.memory_space<hbm>>) target(%dma_start3A_803 : memref<128x72xf32, #tpu.memory_space<vmem>>) offsets(%dma_start3A_810 : memref<128xi32, #tpu.memory_space<vmem>>) semaphore(%arg8 : memref<!tpu.dma_semaphore, #tpu.memory_space<semaphore_mem>>)
      %scan3A_814 = arith.constant 0 : i32
      scf.yield %scan3A_814 : i32
    }
    %scan3A_174 = arith.constant 24 : i32
    %dma_wait3A = arith.constant 0 : i32
    %dma_wait3A_175 = arith.constant 0 : i32
    %dma_wait3A_176 = arith.constant 0 : i32
    %dma_wait3A_177 = tpu.memref_slice %arg6[%dma_wait3A, %dma_wait3A_175, %dma_wait3A_176] : memref<2x512x72xf32, #tpu.memory_space<vmem>> -> memref<1x512x72xf32, #tpu.memory_space<vmem>>
    %dma_wait3A_178 = tpu.memref_squeeze %dma_wait3A_177 : memref<1x512x72xf32, #tpu.memory_space<vmem>> -> memref<512x72xf32, #tpu.memory_space<vmem>>
    %dma_wait3A_179 = arith.constant 0 : i32
    %dma_wait3A_180 = arith.constant 0 : i32
    %dma_wait3A_181 = tpu.memref_slice %dma_wait3A_178[%dma_wait3A_179, %dma_wait3A_180] : memref<512x72xf32, #tpu.memory_space<vmem>> -> memref<128x72xf32, #tpu.memory_space<vmem>>
    %dma_wait3A_182 = arith.constant 0 : i32
    %dma_wait3A_183 = arith.constant 0 : i32
    %dma_wait3A_184 = tpu.memref_slice %arg3[%dma_wait3A_182, %dma_wait3A_183] : memref<1000000x72xf32, #tpu.memory_space<hbm>> -> memref<128x72xf32, #tpu.memory_space<hbm>>
    %dma_wait3A_185 = arith.constant 0 : i32
    %dma_wait3A_186 = arith.constant 0 : i32
    %dma_wait3A_187 = tpu.memref_slice %arg6[%dma_wait3A, %dma_wait3A_185, %dma_wait3A_186] : memref<2x512x72xf32, #tpu.memory_space<vmem>> -> memref<1x512x72xf32, #tpu.memory_space<vmem>>
    %dma_wait3A_188 = tpu.memref_squeeze %dma_wait3A_187 : memref<1x512x72xf32, #tpu.memory_space<vmem>> -> memref<512x72xf32, #tpu.memory_space<vmem>>
    %dma_wait3A_189 = arith.constant 0 : i32
    %dma_wait3A_190 = arith.constant 0 : i32
    %dma_wait3A_191 = tpu.memref_slice %dma_wait3A_188[%dma_wait3A_189, %dma_wait3A_190] : memref<512x72xf32, #tpu.memory_space<vmem>> -> memref<128x72xf32, #tpu.memory_space<vmem>>
    %dma_wait3A_192 = arith.constant 0 : i32
    %dma_wait3A_193 = arith.constant 0 : i32
    %dma_wait3A_194 = tpu.memref_slice %arg3[%dma_wait3A_192, %dma_wait3A_193] : memref<1000000x72xf32, #tpu.memory_space<hbm>> -> memref<128x72xf32, #tpu.memory_space<hbm>>
    tpu.wait_dma2 semaphore(%arg7 : memref<!tpu.dma_semaphore, #tpu.memory_space<semaphore_mem>>) src(%dma_wait3A_194 : memref<128x72xf32, #tpu.memory_space<hbm>>) dst(%dma_wait3A_191 : memref<128x72xf32, #tpu.memory_space<vmem>>)
    %dma_wait3A_195 = arith.constant 0 : i32
    %dma_wait3A_196 = arith.constant 0 : i32
    %dma_wait3A_197 = arith.constant 0 : i32
    %dma_wait3A_198 = tpu.memref_slice %arg6[%dma_wait3A_195, %dma_wait3A_196, %dma_wait3A_197] : memref<2x512x72xf32, #tpu.memory_space<vmem>> -> memref<1x512x72xf32, #tpu.memory_space<vmem>>
    %dma_wait3A_199 = tpu.memref_squeeze %dma_wait3A_198 : memref<1x512x72xf32, #tpu.memory_space<vmem>> -> memref<512x72xf32, #tpu.memory_space<vmem>>
    %dma_wait3A_200 = arith.constant 128 : i32
    %dma_wait3A_201 = arith.constant 0 : i32
    %dma_wait3A_202 = tpu.memref_slice %dma_wait3A_199[%dma_wait3A_200, %dma_wait3A_201] : memref<512x72xf32, #tpu.memory_space<vmem>> -> memref<128x72xf32, #tpu.memory_space<vmem>>
    %dma_wait3A_203 = arith.constant 0 : i32
    %dma_wait3A_204 = arith.constant 0 : i32
    %dma_wait3A_205 = tpu.memref_slice %arg3[%dma_wait3A_203, %dma_wait3A_204] : memref<1000000x72xf32, #tpu.memory_space<hbm>> -> memref<128x72xf32, #tpu.memory_space<hbm>>
    %dma_wait3A_206 = arith.constant 0 : i32
    %dma_wait3A_207 = arith.constant 0 : i32
    %dma_wait3A_208 = tpu.memref_slice %arg6[%dma_wait3A_195, %dma_wait3A_206, %dma_wait3A_207] : memref<2x512x72xf32, #tpu.memory_space<vmem>> -> memref<1x512x72xf32, #tpu.memory_space<vmem>>
    %dma_wait3A_209 = tpu.memref_squeeze %dma_wait3A_208 : memref<1x512x72xf32, #tpu.memory_space<vmem>> -> memref<512x72xf32, #tpu.memory_space<vmem>>
    %dma_wait3A_210 = arith.constant 128 : i32
    %dma_wait3A_211 = arith.constant 0 : i32
    %dma_wait3A_212 = tpu.memref_slice %dma_wait3A_209[%dma_wait3A_210, %dma_wait3A_211] : memref<512x72xf32, #tpu.memory_space<vmem>> -> memref<128x72xf32, #tpu.memory_space<vmem>>
    %dma_wait3A_213 = arith.constant 0 : i32
    %dma_wait3A_214 = arith.constant 0 : i32
    %dma_wait3A_215 = tpu.memref_slice %arg3[%dma_wait3A_213, %dma_wait3A_214] : memref<1000000x72xf32, #tpu.memory_space<hbm>> -> memref<128x72xf32, #tpu.memory_space<hbm>>
    tpu.wait_dma2 semaphore(%arg7 : memref<!tpu.dma_semaphore, #tpu.memory_space<semaphore_mem>>) src(%dma_wait3A_215 : memref<128x72xf32, #tpu.memory_space<hbm>>) dst(%dma_wait3A_212 : memref<128x72xf32, #tpu.memory_space<vmem>>)
    %dma_wait3A_216 = arith.constant 0 : i32
    %dma_wait3A_217 = arith.constant 0 : i32
    %dma_wait3A_218 = arith.constant 0 : i32
    %dma_wait3A_219 = tpu.memref_slice %arg6[%dma_wait3A_216, %dma_wait3A_217, %dma_wait3A_218] : memref<2x512x72xf32, #tpu.memory_space<vmem>> -> memref<1x512x72xf32, #tpu.memory_space<vmem>>
    %dma_wait3A_220 = tpu.memref_squeeze %dma_wait3A_219 : memref<1x512x72xf32, #tpu.memory_space<vmem>> -> memref<512x72xf32, #tpu.memory_space<vmem>>
    %dma_wait3A_221 = arith.constant 256 : i32
    %dma_wait3A_222 = arith.constant 0 : i32
    %dma_wait3A_223 = tpu.memref_slice %dma_wait3A_220[%dma_wait3A_221, %dma_wait3A_222] : memref<512x72xf32, #tpu.memory_space<vmem>> -> memref<128x72xf32, #tpu.memory_space<vmem>>
    %dma_wait3A_224 = arith.constant 0 : i32
    %dma_wait3A_225 = arith.constant 0 : i32
    %dma_wait3A_226 = tpu.memref_slice %arg3[%dma_wait3A_224, %dma_wait3A_225] : memref<1000000x72xf32, #tpu.memory_space<hbm>> -> memref<128x72xf32, #tpu.memory_space<hbm>>
    %dma_wait3A_227 = arith.constant 0 : i32
    %dma_wait3A_228 = arith.constant 0 : i32
    %dma_wait3A_229 = tpu.memref_slice %arg6[%dma_wait3A_216, %dma_wait3A_227, %dma_wait3A_228] : memref<2x512x72xf32, #tpu.memory_space<vmem>> -> memref<1x512x72xf32, #tpu.memory_space<vmem>>
    %dma_wait3A_230 = tpu.memref_squeeze %dma_wait3A_229 : memref<1x512x72xf32, #tpu.memory_space<vmem>> -> memref<512x72xf32, #tpu.memory_space<vmem>>
    %dma_wait3A_231 = arith.constant 256 : i32
    %dma_wait3A_232 = arith.constant 0 : i32
    %dma_wait3A_233 = tpu.memref_slice %dma_wait3A_230[%dma_wait3A_231, %dma_wait3A_232] : memref<512x72xf32, #tpu.memory_space<vmem>> -> memref<128x72xf32, #tpu.memory_space<vmem>>
    %dma_wait3A_234 = arith.constant 0 : i32
    %dma_wait3A_235 = arith.constant 0 : i32
    %dma_wait3A_236 = tpu.memref_slice %arg3[%dma_wait3A_234, %dma_wait3A_235] : memref<1000000x72xf32, #tpu.memory_space<hbm>> -> memref<128x72xf32, #tpu.memory_space<hbm>>
    tpu.wait_dma2 semaphore(%arg7 : memref<!tpu.dma_semaphore, #tpu.memory_space<semaphore_mem>>) src(%dma_wait3A_236 : memref<128x72xf32, #tpu.memory_space<hbm>>) dst(%dma_wait3A_233 : memref<128x72xf32, #tpu.memory_space<vmem>>)
    %dma_wait3A_237 = arith.constant 0 : i32
    %dma_wait3A_238 = arith.constant 0 : i32
    %dma_wait3A_239 = arith.constant 0 : i32
    %dma_wait3A_240 = tpu.memref_slice %arg6[%dma_wait3A_237, %dma_wait3A_238, %dma_wait3A_239] : memref<2x512x72xf32, #tpu.memory_space<vmem>> -> memref<1x512x72xf32, #tpu.memory_space<vmem>>
    %dma_wait3A_241 = tpu.memref_squeeze %dma_wait3A_240 : memref<1x512x72xf32, #tpu.memory_space<vmem>> -> memref<512x72xf32, #tpu.memory_space<vmem>>
    %dma_wait3A_242 = arith.constant 384 : i32
    %dma_wait3A_243 = arith.constant 0 : i32
    %dma_wait3A_244 = tpu.memref_slice %dma_wait3A_241[%dma_wait3A_242, %dma_wait3A_243] : memref<512x72xf32, #tpu.memory_space<vmem>> -> memref<128x72xf32, #tpu.memory_space<vmem>>
    %dma_wait3A_245 = arith.constant 0 : i32
    %dma_wait3A_246 = arith.constant 0 : i32
    %dma_wait3A_247 = tpu.memref_slice %arg3[%dma_wait3A_245, %dma_wait3A_246] : memref<1000000x72xf32, #tpu.memory_space<hbm>> -> memref<128x72xf32, #tpu.memory_space<hbm>>
    %dma_wait3A_248 = arith.constant 0 : i32
    %dma_wait3A_249 = arith.constant 0 : i32
    %dma_wait3A_250 = tpu.memref_slice %arg6[%dma_wait3A_237, %dma_wait3A_248, %dma_wait3A_249] : memref<2x512x72xf32, #tpu.memory_space<vmem>> -> memref<1x512x72xf32, #tpu.memory_space<vmem>>
    %dma_wait3A_251 = tpu.memref_squeeze %dma_wait3A_250 : memref<1x512x72xf32, #tpu.memory_space<vmem>> -> memref<512x72xf32, #tpu.memory_space<vmem>>
    %dma_wait3A_252 = arith.constant 384 : i32
    %dma_wait3A_253 = arith.constant 0 : i32
    %dma_wait3A_254 = tpu.memref_slice %dma_wait3A_251[%dma_wait3A_252, %dma_wait3A_253] : memref<512x72xf32, #tpu.memory_space<vmem>> -> memref<128x72xf32, #tpu.memory_space<vmem>>
    %dma_wait3A_255 = arith.constant 0 : i32
    %dma_wait3A_256 = arith.constant 0 : i32
    %dma_wait3A_257 = tpu.memref_slice %arg3[%dma_wait3A_255, %dma_wait3A_256] : memref<1000000x72xf32, #tpu.memory_space<hbm>> -> memref<128x72xf32, #tpu.memory_space<hbm>>
    tpu.wait_dma2 semaphore(%arg7 : memref<!tpu.dma_semaphore, #tpu.memory_space<semaphore_mem>>) src(%dma_wait3A_257 : memref<128x72xf32, #tpu.memory_space<hbm>>) dst(%dma_wait3A_254 : memref<128x72xf32, #tpu.memory_space<vmem>>)
    %add3A_258 = arith.constant 24576 : i32
    %add3A_259 = arith.addi %mul3A_4, %add3A_258 : i32
    %dma_start3A_260 = arith.constant 0 : i32
    %dma_start3A_261 = arith.constant 0 : i32
    %dma_start3A_262 = arith.constant 0 : i32
    %dma_start3A_263 = tpu.memref_slice %arg6[%dma_start3A_260, %dma_start3A_261, %dma_start3A_262] : memref<2x512x72xf32, #tpu.memory_space<vmem>> -> memref<1x512x72xf32, #tpu.memory_space<vmem>>
    %dma_start3A_264 = tpu.memref_squeeze %dma_start3A_263 : memref<1x512x72xf32, #tpu.memory_space<vmem>> -> memref<512x72xf32, #tpu.memory_space<vmem>>
    %dma_start3A_265 = arith.constant 0 : i32
    %dma_start3A_266 = tpu.memref_slice %arg4[%add3A_259, %dma_start3A_265] : memref<819200x128xf32, #tpu.memory_space<hbm>> -> memref<512x72xf32, #tpu.memory_space<hbm>>
    %dma_start3A_267 = arith.constant 0 : i32
    %dma_start3A_268 = tpu.memref_slice %arg4[%add3A_259, %dma_start3A_267] : memref<819200x128xf32, #tpu.memory_space<hbm>> -> memref<512x72xf32, #tpu.memory_space<hbm>>
    %dma_start3A_269 = arith.constant 0 : i32
    %dma_start3A_270 = arith.constant 0 : i32
    %dma_start3A_271 = tpu.memref_slice %arg6[%dma_start3A_260, %dma_start3A_269, %dma_start3A_270] : memref<2x512x72xf32, #tpu.memory_space<vmem>> -> memref<1x512x72xf32, #tpu.memory_space<vmem>>
    %dma_start3A_272 = tpu.memref_squeeze %dma_start3A_271 : memref<1x512x72xf32, #tpu.memory_space<vmem>> -> memref<512x72xf32, #tpu.memory_space<vmem>>
    tpu.enqueue_dma source(%dma_start3A_272 : memref<512x72xf32, #tpu.memory_space<vmem>>) target(%dma_start3A_268 : memref<512x72xf32, #tpu.memory_space<hbm>>) target_semaphore(%arg9 : memref<!tpu.dma_semaphore, #tpu.memory_space<semaphore_mem>>)
    %dma_wait3A_273 = arith.constant 0 : i32
    %dma_wait3A_274 = arith.constant 0 : i32
    %dma_wait3A_275 = arith.constant 0 : i32
    %dma_wait3A_276 = tpu.memref_slice %arg6[%dma_wait3A_273, %dma_wait3A_274, %dma_wait3A_275] : memref<2x512x72xf32, #tpu.memory_space<vmem>> -> memref<1x512x72xf32, #tpu.memory_space<vmem>>
    %dma_wait3A_277 = tpu.memref_squeeze %dma_wait3A_276 : memref<1x512x72xf32, #tpu.memory_space<vmem>> -> memref<512x72xf32, #tpu.memory_space<vmem>>
    %dma_wait3A_278 = arith.constant 0 : i32
    %dma_wait3A_279 = arith.constant 0 : i32
    %dma_wait3A_280 = tpu.memref_slice %arg4[%dma_wait3A_278, %dma_wait3A_279] : memref<819200x128xf32, #tpu.memory_space<hbm>> -> memref<512x72xf32, #tpu.memory_space<hbm>>
    %dma_wait3A_281 = arith.constant 0 : i32
    %dma_wait3A_282 = arith.constant 0 : i32
    %dma_wait3A_283 = tpu.memref_slice %arg4[%dma_wait3A_281, %dma_wait3A_282] : memref<819200x128xf32, #tpu.memory_space<hbm>> -> memref<512x72xf32, #tpu.memory_space<hbm>>
    %dma_wait3A_284 = arith.constant 0 : i32
    %dma_wait3A_285 = arith.constant 0 : i32
    %dma_wait3A_286 = tpu.memref_slice %arg6[%dma_wait3A_273, %dma_wait3A_284, %dma_wait3A_285] : memref<2x512x72xf32, #tpu.memory_space<vmem>> -> memref<1x512x72xf32, #tpu.memory_space<vmem>>
    %dma_wait3A_287 = tpu.memref_squeeze %dma_wait3A_286 : memref<1x512x72xf32, #tpu.memory_space<vmem>> -> memref<512x72xf32, #tpu.memory_space<vmem>>
    tpu.wait_dma2 semaphore(%arg9 : memref<!tpu.dma_semaphore, #tpu.memory_space<semaphore_mem>>) src(%dma_wait3A_287 : memref<512x72xf32, #tpu.memory_space<vmem>>) dst(%dma_wait3A_283 : memref<512x72xf32, #tpu.memory_space<hbm>>)
    %dma_wait3A_288 = arith.constant 1 : i32
    %dma_wait3A_289 = arith.constant 0 : i32
    %dma_wait3A_290 = arith.constant 0 : i32
    %dma_wait3A_291 = tpu.memref_slice %arg6[%dma_wait3A_288, %dma_wait3A_289, %dma_wait3A_290] : memref<2x512x72xf32, #tpu.memory_space<vmem>> -> memref<1x512x72xf32, #tpu.memory_space<vmem>>
    %dma_wait3A_292 = tpu.memref_squeeze %dma_wait3A_291 : memref<1x512x72xf32, #tpu.memory_space<vmem>> -> memref<512x72xf32, #tpu.memory_space<vmem>>
    %dma_wait3A_293 = arith.constant 0 : i32
    %dma_wait3A_294 = arith.constant 0 : i32
    %dma_wait3A_295 = tpu.memref_slice %dma_wait3A_292[%dma_wait3A_293, %dma_wait3A_294] : memref<512x72xf32, #tpu.memory_space<vmem>> -> memref<128x72xf32, #tpu.memory_space<vmem>>
    %dma_wait3A_296 = arith.constant 0 : i32
    %dma_wait3A_297 = arith.constant 0 : i32
    %dma_wait3A_298 = tpu.memref_slice %arg3[%dma_wait3A_296, %dma_wait3A_297] : memref<1000000x72xf32, #tpu.memory_space<hbm>> -> memref<128x72xf32, #tpu.memory_space<hbm>>
    %dma_wait3A_299 = arith.constant 0 : i32
    %dma_wait3A_300 = arith.constant 0 : i32
    %dma_wait3A_301 = tpu.memref_slice %arg6[%dma_wait3A_288, %dma_wait3A_299, %dma_wait3A_300] : memref<2x512x72xf32, #tpu.memory_space<vmem>> -> memref<1x512x72xf32, #tpu.memory_space<vmem>>
    %dma_wait3A_302 = tpu.memref_squeeze %dma_wait3A_301 : memref<1x512x72xf32, #tpu.memory_space<vmem>> -> memref<512x72xf32, #tpu.memory_space<vmem>>
    %dma_wait3A_303 = arith.constant 0 : i32
    %dma_wait3A_304 = arith.constant 0 : i32
    %dma_wait3A_305 = tpu.memref_slice %dma_wait3A_302[%dma_wait3A_303, %dma_wait3A_304] : memref<512x72xf32, #tpu.memory_space<vmem>> -> memref<128x72xf32, #tpu.memory_space<vmem>>
    %dma_wait3A_306 = arith.constant 0 : i32
    %dma_wait3A_307 = arith.constant 0 : i32
    %dma_wait3A_308 = tpu.memref_slice %arg3[%dma_wait3A_306, %dma_wait3A_307] : memref<1000000x72xf32, #tpu.memory_space<hbm>> -> memref<128x72xf32, #tpu.memory_space<hbm>>
    tpu.wait_dma2 semaphore(%arg8 : memref<!tpu.dma_semaphore, #tpu.memory_space<semaphore_mem>>) src(%dma_wait3A_308 : memref<128x72xf32, #tpu.memory_space<hbm>>) dst(%dma_wait3A_305 : memref<128x72xf32, #tpu.memory_space<vmem>>)
    %dma_wait3A_309 = arith.constant 1 : i32
    %dma_wait3A_310 = arith.constant 0 : i32
    %dma_wait3A_311 = arith.constant 0 : i32
    %dma_wait3A_312 = tpu.memref_slice %arg6[%dma_wait3A_309, %dma_wait3A_310, %dma_wait3A_311] : memref<2x512x72xf32, #tpu.memory_space<vmem>> -> memref<1x512x72xf32, #tpu.memory_space<vmem>>
    %dma_wait3A_313 = tpu.memref_squeeze %dma_wait3A_312 : memref<1x512x72xf32, #tpu.memory_space<vmem>> -> memref<512x72xf32, #tpu.memory_space<vmem>>
    %dma_wait3A_314 = arith.constant 128 : i32
    %dma_wait3A_315 = arith.constant 0 : i32
    %dma_wait3A_316 = tpu.memref_slice %dma_wait3A_313[%dma_wait3A_314, %dma_wait3A_315] : memref<512x72xf32, #tpu.memory_space<vmem>> -> memref<128x72xf32, #tpu.memory_space<vmem>>
    %dma_wait3A_317 = arith.constant 0 : i32
    %dma_wait3A_318 = arith.constant 0 : i32
    %dma_wait3A_319 = tpu.memref_slice %arg3[%dma_wait3A_317, %dma_wait3A_318] : memref<1000000x72xf32, #tpu.memory_space<hbm>> -> memref<128x72xf32, #tpu.memory_space<hbm>>
    %dma_wait3A_320 = arith.constant 0 : i32
    %dma_wait3A_321 = arith.constant 0 : i32
    %dma_wait3A_322 = tpu.memref_slice %arg6[%dma_wait3A_309, %dma_wait3A_320, %dma_wait3A_321] : memref<2x512x72xf32, #tpu.memory_space<vmem>> -> memref<1x512x72xf32, #tpu.memory_space<vmem>>
    %dma_wait3A_323 = tpu.memref_squeeze %dma_wait3A_322 : memref<1x512x72xf32, #tpu.memory_space<vmem>> -> memref<512x72xf32, #tpu.memory_space<vmem>>
    %dma_wait3A_324 = arith.constant 128 : i32
    %dma_wait3A_325 = arith.constant 0 : i32
    %dma_wait3A_326 = tpu.memref_slice %dma_wait3A_323[%dma_wait3A_324, %dma_wait3A_325] : memref<512x72xf32, #tpu.memory_space<vmem>> -> memref<128x72xf32, #tpu.memory_space<vmem>>
    %dma_wait3A_327 = arith.constant 0 : i32
    %dma_wait3A_328 = arith.constant 0 : i32
    %dma_wait3A_329 = tpu.memref_slice %arg3[%dma_wait3A_327, %dma_wait3A_328] : memref<1000000x72xf32, #tpu.memory_space<hbm>> -> memref<128x72xf32, #tpu.memory_space<hbm>>
    tpu.wait_dma2 semaphore(%arg8 : memref<!tpu.dma_semaphore, #tpu.memory_space<semaphore_mem>>) src(%dma_wait3A_329 : memref<128x72xf32, #tpu.memory_space<hbm>>) dst(%dma_wait3A_326 : memref<128x72xf32, #tpu.memory_space<vmem>>)
    %dma_wait3A_330 = arith.constant 1 : i32
    %dma_wait3A_331 = arith.constant 0 : i32
    %dma_wait3A_332 = arith.constant 0 : i32
    %dma_wait3A_333 = tpu.memref_slice %arg6[%dma_wait3A_330, %dma_wait3A_331, %dma_wait3A_332] : memref<2x512x72xf32, #tpu.memory_space<vmem>> -> memref<1x512x72xf32, #tpu.memory_space<vmem>>
    %dma_wait3A_334 = tpu.memref_squeeze %dma_wait3A_333 : memref<1x512x72xf32, #tpu.memory_space<vmem>> -> memref<512x72xf32, #tpu.memory_space<vmem>>
    %dma_wait3A_335 = arith.constant 256 : i32
    %dma_wait3A_336 = arith.constant 0 : i32
    %dma_wait3A_337 = tpu.memref_slice %dma_wait3A_334[%dma_wait3A_335, %dma_wait3A_336] : memref<512x72xf32, #tpu.memory_space<vmem>> -> memref<128x72xf32, #tpu.memory_space<vmem>>
    %dma_wait3A_338 = arith.constant 0 : i32
    %dma_wait3A_339 = arith.constant 0 : i32
    %dma_wait3A_340 = tpu.memref_slice %arg3[%dma_wait3A_338, %dma_wait3A_339] : memref<1000000x72xf32, #tpu.memory_space<hbm>> -> memref<128x72xf32, #tpu.memory_space<hbm>>
    %dma_wait3A_341 = arith.constant 0 : i32
    %dma_wait3A_342 = arith.constant 0 : i32
    %dma_wait3A_343 = tpu.memref_slice %arg6[%dma_wait3A_330, %dma_wait3A_341, %dma_wait3A_342] : memref<2x512x72xf32, #tpu.memory_space<vmem>> -> memref<1x512x72xf32, #tpu.memory_space<vmem>>
    %dma_wait3A_344 = tpu.memref_squeeze %dma_wait3A_343 : memref<1x512x72xf32, #tpu.memory_space<vmem>> -> memref<512x72xf32, #tpu.memory_space<vmem>>
    %dma_wait3A_345 = arith.constant 256 : i32
    %dma_wait3A_346 = arith.constant 0 : i32
    %dma_wait3A_347 = tpu.memref_slice %dma_wait3A_344[%dma_wait3A_345, %dma_wait3A_346] : memref<512x72xf32, #tpu.memory_space<vmem>> -> memref<128x72xf32, #tpu.memory_space<vmem>>
    %dma_wait3A_348 = arith.constant 0 : i32
    %dma_wait3A_349 = arith.constant 0 : i32
    %dma_wait3A_350 = tpu.memref_slice %arg3[%dma_wait3A_348, %dma_wait3A_349] : memref<1000000x72xf32, #tpu.memory_space<hbm>> -> memref<128x72xf32, #tpu.memory_space<hbm>>
    tpu.wait_dma2 semaphore(%arg8 : memref<!tpu.dma_semaphore, #tpu.memory_space<semaphore_mem>>) src(%dma_wait3A_350 : memref<128x72xf32, #tpu.memory_space<hbm>>) dst(%dma_wait3A_347 : memref<128x72xf32, #tpu.memory_space<vmem>>)
    %dma_wait3A_351 = arith.constant 1 : i32
    %dma_wait3A_352 = arith.constant 0 : i32
    %dma_wait3A_353 = arith.constant 0 : i32
    %dma_wait3A_354 = tpu.memref_slice %arg6[%dma_wait3A_351, %dma_wait3A_352, %dma_wait3A_353] : memref<2x512x72xf32, #tpu.memory_space<vmem>> -> memref<1x512x72xf32, #tpu.memory_space<vmem>>
    %dma_wait3A_355 = tpu.memref_squeeze %dma_wait3A_354 : memref<1x512x72xf32, #tpu.memory_space<vmem>> -> memref<512x72xf32, #tpu.memory_space<vmem>>
    %dma_wait3A_356 = arith.constant 384 : i32
    %dma_wait3A_357 = arith.constant 0 : i32
    %dma_wait3A_358 = tpu.memref_slice %dma_wait3A_355[%dma_wait3A_356, %dma_wait3A_357] : memref<512x72xf32, #tpu.memory_space<vmem>> -> memref<128x72xf32, #tpu.memory_space<vmem>>
    %dma_wait3A_359 = arith.constant 0 : i32
    %dma_wait3A_360 = arith.constant 0 : i32
    %dma_wait3A_361 = tpu.memref_slice %arg3[%dma_wait3A_359, %dma_wait3A_360] : memref<1000000x72xf32, #tpu.memory_space<hbm>> -> memref<128x72xf32, #tpu.memory_space<hbm>>
    %dma_wait3A_362 = arith.constant 0 : i32
    %dma_wait3A_363 = arith.constant 0 : i32
    %dma_wait3A_364 = tpu.memref_slice %arg6[%dma_wait3A_351, %dma_wait3A_362, %dma_wait3A_363] : memref<2x512x72xf32, #tpu.memory_space<vmem>> -> memref<1x512x72xf32, #tpu.memory_space<vmem>>
    %dma_wait3A_365 = tpu.memref_squeeze %dma_wait3A_364 : memref<1x512x72xf32, #tpu.memory_space<vmem>> -> memref<512x72xf32, #tpu.memory_space<vmem>>
    %dma_wait3A_366 = arith.constant 384 : i32
    %dma_wait3A_367 = arith.constant 0 : i32
    %dma_wait3A_368 = tpu.memref_slice %dma_wait3A_365[%dma_wait3A_366, %dma_wait3A_367] : memref<512x72xf32, #tpu.memory_space<vmem>> -> memref<128x72xf32, #tpu.memory_space<vmem>>
    %dma_wait3A_369 = arith.constant 0 : i32
    %dma_wait3A_370 = arith.constant 0 : i32
    %dma_wait3A_371 = tpu.memref_slice %arg3[%dma_wait3A_369, %dma_wait3A_370] : memref<1000000x72xf32, #tpu.memory_space<hbm>> -> memref<128x72xf32, #tpu.memory_space<hbm>>
    tpu.wait_dma2 semaphore(%arg8 : memref<!tpu.dma_semaphore, #tpu.memory_space<semaphore_mem>>) src(%dma_wait3A_371 : memref<128x72xf32, #tpu.memory_space<hbm>>) dst(%dma_wait3A_368 : memref<128x72xf32, #tpu.memory_space<vmem>>)
    %add3A_372 = arith.constant 25088 : i32
    %add3A_373 = arith.addi %mul3A_4, %add3A_372 : i32
    %dma_start3A_374 = arith.constant 1 : i32
    %dma_start3A_375 = arith.constant 0 : i32
    %dma_start3A_376 = arith.constant 0 : i32
    %dma_start3A_377 = tpu.memref_slice %arg6[%dma_start3A_374, %dma_start3A_375, %dma_start3A_376] : memref<2x512x72xf32, #tpu.memory_space<vmem>> -> memref<1x512x72xf32, #tpu.memory_space<vmem>>
    %dma_start3A_378 = tpu.memref_squeeze %dma_start3A_377 : memref<1x512x72xf32, #tpu.memory_space<vmem>> -> memref<512x72xf32, #tpu.memory_space<vmem>>
    %dma_start3A_379 = arith.constant 0 : i32
    %dma_start3A_380 = tpu.memref_slice %arg4[%add3A_373, %dma_start3A_379] : memref<819200x128xf32, #tpu.memory_space<hbm>> -> memref<512x72xf32, #tpu.memory_space<hbm>>
    %dma_start3A_381 = arith.constant 0 : i32
    %dma_start3A_382 = tpu.memref_slice %arg4[%add3A_373, %dma_start3A_381] : memref<819200x128xf32, #tpu.memory_space<hbm>> -> memref<512x72xf32, #tpu.memory_space<hbm>>
    %dma_start3A_383 = arith.constant 0 : i32
    %dma_start3A_384 = arith.constant 0 : i32
    %dma_start3A_385 = tpu.memref_slice %arg6[%dma_start3A_374, %dma_start3A_383, %dma_start3A_384] : memref<2x512x72xf32, #tpu.memory_space<vmem>> -> memref<1x512x72xf32, #tpu.memory_space<vmem>>
    %dma_start3A_386 = tpu.memref_squeeze %dma_start3A_385 : memref<1x512x72xf32, #tpu.memory_space<vmem>> -> memref<512x72xf32, #tpu.memory_space<vmem>>
    tpu.enqueue_dma source(%dma_start3A_386 : memref<512x72xf32, #tpu.memory_space<vmem>>) target(%dma_start3A_382 : memref<512x72xf32, #tpu.memory_space<hbm>>) target_semaphore(%arg10 : memref<!tpu.dma_semaphore, #tpu.memory_space<semaphore_mem>>)
    %dma_wait3A_387 = arith.constant 1 : i32
    %dma_wait3A_388 = arith.constant 0 : i32
    %dma_wait3A_389 = arith.constant 0 : i32
    %dma_wait3A_390 = tpu.memref_slice %arg6[%dma_wait3A_387, %dma_wait3A_388, %dma_wait3A_389] : memref<2x512x72xf32, #tpu.memory_space<vmem>> -> memref<1x512x72xf32, #tpu.memory_space<vmem>>
    %dma_wait3A_391 = tpu.memref_squeeze %dma_wait3A_390 : memref<1x512x72xf32, #tpu.memory_space<vmem>> -> memref<512x72xf32, #tpu.memory_space<vmem>>
    %dma_wait3A_392 = arith.constant 0 : i32
    %dma_wait3A_393 = arith.constant 0 : i32
    %dma_wait3A_394 = tpu.memref_slice %arg4[%dma_wait3A_392, %dma_wait3A_393] : memref<819200x128xf32, #tpu.memory_space<hbm>> -> memref<512x72xf32, #tpu.memory_space<hbm>>
    %dma_wait3A_395 = arith.constant 0 : i32
    %dma_wait3A_396 = arith.constant 0 : i32
    %dma_wait3A_397 = tpu.memref_slice %arg4[%dma_wait3A_395, %dma_wait3A_396] : memref<819200x128xf32, #tpu.memory_space<hbm>> -> memref<512x72xf32, #tpu.memory_space<hbm>>
    %dma_wait3A_398 = arith.constant 0 : i32
    %dma_wait3A_399 = arith.constant 0 : i32
    %dma_wait3A_400 = tpu.memref_slice %arg6[%dma_wait3A_387, %dma_wait3A_398, %dma_wait3A_399] : memref<2x512x72xf32, #tpu.memory_space<vmem>> -> memref<1x512x72xf32, #tpu.memory_space<vmem>>
    %dma_wait3A_401 = tpu.memref_squeeze %dma_wait3A_400 : memref<1x512x72xf32, #tpu.memory_space<vmem>> -> memref<512x72xf32, #tpu.memory_space<vmem>>
    tpu.wait_dma2 semaphore(%arg10 : memref<!tpu.dma_semaphore, #tpu.memory_space<semaphore_mem>>) src(%dma_wait3A_401 : memref<512x72xf32, #tpu.memory_space<vmem>>) dst(%dma_wait3A_397 : memref<512x72xf32, #tpu.memory_space<hbm>>)
    return
  }
}

</mosaic_0001>

<sc_bundles>
// kernel: kernel.4.cloned.1.call-start
scs
__scs_entry_jumppad:
0x0: {  	(pc) =	sbr.rel $0x88, $3  }
0x1: {  	(tag) =	ssettag $0x0;
	lr =	simm.s32 $0x1  }
0x2: {  	[smem:$0x3F9F] =	sst lr;
	_ =	strace $0xD0000000  }
0x3: {  	_ = 	snop  }
0x4: {  	_ = 	snop  }
0x5: {  	_ = 	snop  }
0x6: {  	_ = 	snop  }
0x7: {  	_ = 	snop  }
__scs_overlays_trampoline_lowered:
0x8: {  	[smem:$0x3FAE] =	sst s0  }
0x9: {  	[smem:$0x3FAF] =	sst s1  }
0xa: {  	[smem:$0x3FB0] =	sst s2  }
0xb: {  	[smem:$0x3FB1] =	sst s3  }
0xc: {  	[smem:$0x3FB2] =	sst s4  }
0xd: {  	[smem:$0x3FB3] =	sst s5  }
0xe: {  	[smem:$0x3FB4] =	sst s6  }
0xf: {  	[smem:$0x3FB5] =	sst s7  }
0x10: {  	[smem:$0x3FB6] =	sst s8  }
0x11: {  	[smem:$0x3FB7] =	sst s9;
	s0 =	simm.s32 @!p0 $0x0  }
0x12: {  	s1 =	sld [smem:$0x3F9D];
	s0 =	simm.s32 @p0 $0x1  }
0x13: {  	[smem:$0x3FB8] =	sst s0;
	s0 =	simm.s32 @!p1 $0x0  }
0x14: {  	s2 =	sld [smem:$0x3F9C];
	s0 =	simm.s32 @p1 $0x1  }
0x15: {  	[smem:$0x3FB9] =	sst s0;
	s0 =	simm.s32 @!p2 $0x0  }
0x16: {  	s3 =	sld [smem:$0x3FDB];
	s0 =	simm.s32 @p2 $0x1  }
0x17: {  	s4 =	simm.s32 $0x1BF5;
	[smem:$0x3FBB] =	sst s0  }
0x18: {  	s0 =	sld [smem:$0x3F9E];
	_ =	swait.ge [sflag:s4], $0x0  }
0x19: {  	s7 =	sld [smem:$0x3F9F]  }
0x1a: {  	s8 =	sadd.s32 $0xFFFFE003, lr  }
0x1b: {  	s9 =	sadd.s32 $0xFFFFFEF7, lr;
	s5 =	simm.s32 $0xFFFFFFFF;
	p2 =	slt.u32 s8, $0xFFFFF086  }
0x1c: {  	p1 =	slt.u32 s9, $0xF7A;
	s5 =	simm.s32 @!p2 $0x0  }
0x1d: {  	s5 =	simm.s32 @p1 $0x1;
	p0 =	seq.s32 s7, s2  }
0x1e: {  	s7 =	smul.u32 @!p0 $0xF7A, s2;
	p2 =	seq.s32 @!p0 s5, $0x0  }
0x1f: {  	s9 =	smul.u32 $0xF7A, s1;
	s8 =	simm.s32 @!p0 $0x1BF5;
	p2 =	por !p2, p0  }
0x20: {  	[sflag:s8] =	ssyncset.s32 @!p0 $0xFFFFF086;
	s6 =	sadd.s32 @!p0 s3, s7;
	s7 =	simm.s32 @!p0 $0x108  }
0x21: {  	s3 =	sadd.s32 s3, s9;
	s6 =	sadd.s32 @!p0 $0x88, s6;
	s7 =	simm.s32 @p2 $0x1082  }
0x22: {  	[simem:s7], [sflag:s8] =	dma.local @!p0 [hbm:s6], $0xF7A  }
0x23: {  	s9 =	sor.u32 $0xD0000000, s2;
	s6 =	simm.s32 $0x108;
	_ =	swait.ge @!p0 [sflag:s8], $0x0  }
0x24: {  	s3 =	sadd.s32 $0x88, s3;
	s6 =	simm.s32 @!p1 $0x1082;
	[sflag:s4] =	ssyncset.s32 $0xFFFFF086  }
0x25: {  	[simem:s6], [sflag:s4] =	dma.local [hbm:s3], $0xF7A  }
0x26: {  	[smem:$0x3F9F] =	sst s1;
	(tag) =	ssettag s2;
	_ =	strace s9  }
0x27: {  	s1 =	sld [smem:$0x3FAF]  }
0x28: {  	s2 =	sld [smem:$0x3FB0]  }
0x29: {  	s4 =	sld [smem:$0x3FB2]  }
0x2a: {  	p0 =	seq.s32 s5, $0x0;
	s5 =	sld [smem:$0x3FB3]  }
0x2b: {  	s6 =	sld [smem:$0x3FB4]  }
0x2c: {  	s7 =	sld [smem:$0x3FB5]  }
0x2d: {  	s3 =	simm.s32 $0x108;
	s8 =	sld [smem:$0x3FB6]  }
0x2e: {  	s3 =	simm.s32 @!p0 $0x1082;
	s9 =	sld [smem:$0x3FB7]  }
0x2f: {  	lr =	sadd.s32 s0, s3;
	s0 =	sld [smem:$0x3FAE]  }
0x30: {  	s3 =	sld [smem:$0x3FB1]  }
0x31: {  	[smem:$0x3FBA] =	sst s10  }
0x32: {  	s10 =	sld [smem:$0x3FB8];
	_ =	sdelay $0x3  }
0x33: {  	p0 =	seq.s32 s10, $0x1;
	s10 =	sld [smem:$0x3FBA];
	_ =	sdelay $0x3  }
0x34: {  	[smem:$0x3FBA] =	sst s10  }
0x35: {  	s10 =	sld [smem:$0x3FB9];
	_ =	sdelay $0x3  }
0x36: {  	p1 =	seq.s32 s10, $0x1;
	s10 =	sld [smem:$0x3FBA];
	_ =	sdelay $0x3  }
0x37: {  	[smem:$0x3FBA] =	sst s10  }
0x38: {  	s10 =	sld [smem:$0x3FBB]  }
0x39: {  	_ = 	snop;
	(pc) =	sbr.ind lr, $3  }
0x3a: {  	_ = 	snop  }
0x3b: {  	_ = 	snop  }
0x3c: {  	p2 =	seq.s32 s10, $0x1;
	s10 =	sld [smem:$0x3FBA]  }
0x3d: {  	_ =	shalt  }
0x3e: {  	_ =	shalt  }
0x3f: {  	_ =	shalt  }
0x40: {  	_ =	shalt  }
0x41: {  	_ =	shalt  }
0x42: {  	_ =	shalt  }
0x43: {  	_ =	shalt  }
0x44: {  	_ =	shalt  }
0x45: {  	_ =	shalt  }
0x46: {  	_ =	shalt  }
0x47: {  	_ =	shalt  }
0x48: {  	_ =	shalt  }
0x49: {  	_ =	shalt  }
0x4a: {  	_ =	shalt  }
0x4b: {  	_ =	shalt  }
0x4c: {  	_ =	shalt  }
0x4d: {  	_ =	shalt  }
0x4e: {  	_ =	shalt  }
0x4f: {  	_ =	shalt  }
0x50: {  	_ =	shalt  }
0x51: {  	_ =	shalt  }
0x52: {  	_ =	shalt  }
0x53: {  	_ =	shalt  }
0x54: {  	_ =	shalt  }
0x55: {  	_ =	shalt  }
0x56: {  	_ =	shalt  }
0x57: {  	_ =	shalt  }
0x58: {  	_ =	shalt  }
0x59: {  	_ =	shalt  }
0x5a: {  	_ =	shalt  }
0x5b: {  	_ =	shalt  }
0x5c: {  	_ =	shalt  }
0x5d: {  	_ =	shalt  }
0x5e: {  	_ =	shalt  }
0x5f: {  	_ =	shalt  }
0x60: {  	_ =	shalt  }
0x61: {  	_ =	shalt  }
0x62: {  	_ =	shalt  }
0x63: {  	_ =	shalt  }
0x64: {  	_ =	shalt  }
0x65: {  	_ =	shalt  }
0x66: {  	_ =	shalt  }
0x67: {  	_ =	shalt  }
0x68: {  	_ =	shalt  }
0x69: {  	_ =	shalt  }
0x6a: {  	_ =	shalt  }
0x6b: {  	_ =	shalt  }
0x6c: {  	_ =	shalt  }
0x6d: {  	_ =	shalt  }
0x6e: {  	_ =	shalt  }
0x6f: {  	_ =	shalt  }
0x70: {  	_ =	shalt  }
0x71: {  	_ =	shalt  }
0x72: {  	_ =	shalt  }
0x73: {  	_ =	shalt  }
0x74: {  	_ =	shalt  }
0x75: {  	_ =	shalt  }
0x76: {  	_ =	shalt  }
0x77: {  	_ =	shalt  }
0x78: {  	_ =	shalt  }
0x79: {  	_ =	shalt  }
0x7a: {  	_ =	shalt  }
0x7b: {  	_ =	shalt  }
0x7c: {  	_ =	shalt  }
0x7d: {  	_ =	shalt  }
0x7e: {  	_ =	shalt  }
0x7f: {  	_ =	shalt  }
0x80: {  	_ =	shalt  }
0x81: {  	_ =	shalt  }
0x82: {  	_ =	shalt  }
0x83: {  	_ =	shalt  }
0x84: {  	_ =	shalt  }
0x85: {  	_ =	shalt  }
0x86: {  	_ =	shalt  }
0x87: {  	_ =	shalt  }
.Lfunc_end0:
.L_simem_size_0:
called_computation.1_lowered:
.L_overlay_start_0:
0x88: {  	s2 =	sld [smem:$0x3FD9]  }
0x89: {  	s3 =	sld [smem:$0x3FFE];
	_ =	sdelay $0x1  }
0x8a: {  	s1 =	srdreg.scid  }
0x8b: {  	s0 =	sand.u32 $0x1, s1  }
0x8c: {  	s17 =	sshll.u32 s0, $0xA;
	s2 =	sadd.s32 s3, s2  }
0x8d: {  	s2 =	sadd.s32 s2, s17  }
0x8e: {  	[smem:$0x3FC6] =	sst s2  }
0x8f: {  	_ = 	snop  }
0x90: {  	s2 =	sld [smem:$0x3FC8];
	(tm) =	ssettm $0x1  }
0x91: {  	s18 =	sld [smem:$0x3FFB];
	_ =	sdelay $0x3  }
0x92: {  	_ =	strace s18  }
0x93: {  	s3 =	sld [smem:$0x3FFC];
	_ =	sdelay $0x3  }
0x94: {  	_ =	strace s3  }
0x95: {  	s3 =	sld [smem:$0x3FFD];
	_ =	sdelay $0x3  }
0x96: {  	_ =	strace s3  }
0x97: {  	_ =	strace $0x8FFFFFFF  }
0x98: {  	s19 =	sld [smem:$0x3FDB];
	_ =	sdelay $0x1  }
0x99: {  	s4 =	simm.s32 $_scs_section_size  }
0x9a: {  	s5 =	simm.s32 $_size__tile_overlayer_lowered;
	s6 =	simm.s32 $_tile_overlayer_lowered  }
0x9b: {  	s22 =	simm.s32 $0x1BFF;
	s21 =	sshll.u32 s6, $0x1;
	s3 =	sadd.s32 s4, s19  }
0x9c: {  	s7 =	simm.s32 $0x0;
	s20 =	sshll.u32 s5, $0x1;
	s5 =	sadd.s32 s21, s3  }
0x9d: {  	[timem:s7], [sflag:s22] =	dma.local [hbm:s5], s20  }
0x9e: {  	_ =	swait.ge [sflag:s22], s20  }
0x9f: {  	s4 =	ssub.s32 $0x0, s20;
	[sflag:s22] =	ssyncset.done $0x0  }
0xa0: {  	[sflag:s22] =	ssyncadd.s32 s4;
	_ =	sdelay $0x1  }
0xa1: {  	s23 =	simm.s32 $0x1B8B  }
0xa2: {  	_ =	swait.ge [sflag:s23], $0x1  }
0xa3: {  	[sflag:s23] =	ssyncset.done $0x0  }
0xa4: {  	s25 =	simm.s32 $0x1B8E;
	s24 =	sld [smem:$0x3FFE];
	[sflag:s23] =	ssyncadd.s32 $0xFFFFFFFF  }
0xa5: {  	s26 =	simm.s32 $execute0_lowered;
	[smem:$0x3FD2] =	sst s25  }
0xa6: {  	s5 =	sshll.u32 s26, $0x1;
	_ =	strace $0x80000046;
	[dreg:$0x1] =	wrdreg $0xFFFFFFFF  }
0xa7: {  	s28 =	simm.s32 $_size_execute0_lowered;
	s3 =	sadd.s32 s3, s5;
	[dreg:$0x0] =	wrdreg $0x0  }
0xa8: {  	s5 =	sshll.u32 s28, $0x1;
	[dreg:$0x2] =	wrdreg s3  }
0xa9: {  	[dreg:$0x3] =	wrdreg s5  }
0xaa: {  	[dreg:$0x4] =	wrdreg $0xC0  }
0xab: {  	_ =	task [dreg:s7], $0x5FFFF  }
0xac: {  	[dreg:$0x1] =	wrdreg $0xFFFFFFFF  }
0xad: {  	[dreg:$0x0] =	wrdreg $0x60  }
0xae: {  	[dreg:$0x2] =	wrdreg s2  }
0xaf: {  	[dreg:$0x3] =	wrdreg s24  }
0xb0: {  	[dreg:$0x4] =	wrdreg $0x9  }
0xb1: {  	_ =	task.clear_ibuf [dreg:s7], $0x5FFFF;
	_ =	strace $0x90000046  }
0xb2: {  	s29 =	simm.s32 $0x9;
	_ =	strace $0x80000048  }
0xb3: {  	_ =	swait.ge [sflag:s29], $0x1  }
0xb4: {  	[sflag:s29] =	ssyncadd.s32 $0xFFFFFFFF  }
0xb5: {  	_ =	strace $0x90000048  }
0xb6: {  	_ =	sfence  }
0xb7: {  	s30 =	sld [smem:$0x0];
	_ =	sdelay $0x2  }
0xb8: {  	s31 =	sshll.u32 s1, $0xD;
	s1 =	sshrl.u32 s1, $0x2  }
0xb9: {  	s3 =	sand.u32 $0x4000, s31;
	s1 =	sadd.s32 s1, s30  }
0xba: {  	s0 =	sor.u32 s3, s0;
	s1 =	sshll.u32 s1, $0x11  }
0xbb: {  	s0 =	sor.u32 s1, s0  }
0xbc: {  	s0 =	sadd.s32 $0x8F2B, s0  }
0xbd: {  	[sflag:s0] =	ssyncadd.remote.s32 $0x1  }
0xbe: {  	_ =	sfence.sel $0xFFFF  }
0xbf: {  	[dreg:$0x0] =	wrdreg $0xFFFFFFFF;
	(pc) =	sbr.abs _section_cstart, $3  }
0xc0: {  	[dreg:$0x1] =	wrdreg $0xFFFFFFFF  }
0xc1: {  	_ =	task.clear_ibuf [dreg:s7], $0x2FFFF;
	_ =	strace $0x9FFFFFFF  }
0xc2: {  	(tm) =	ssettm $0x7FFFFFFF  }
0xc3: {  	_ =	shalt  }
tec
execute0_lowered:
.L_overlay_start_1:
0x0: {  	(tag) =	ssettag $0x1  }
0x1: {  	s0 =	rddreg [dreg:$0x0]  }
0x2: {  	s3 =	rddreg [dreg:$0x1]  }
0x3: {  	s4 =	srdreg.scid;
	s1 =	stileid.u32;
	s2 =	simm.s32 $0x0  }
0x4: {  	s17 =	simm.s32 $0x400;
	s18 =	simm.s32 $0x7A1400;
	s19 =	simm.s32 $0x2000  }
0x5: {  	s20 =	simm.s32 $0x1;
	s21 =	simm.s32 $0x4000;
	s22 =	simm.s32 $0x2  }
0x6: {  	s23 =	simm.s32 $0x6400;
	s24 =	simm.s32 $0x3;
	s25 =	simm.s32 $0x4  }
0x7: {  	s26 =	simm.s32 $0x5;
	s4 =	sand.u32 $0x1, s4;
	s5 =	sshll.u32 s1, $0x1  }
0x8: {  	s28 =	simm.s32 $0x0;
	[smem:$0x7FF] =	sst s2;
	s9 =	sor.u32 s4, s5  }
0x9: {  	s3 =	sadd.s32 $0xE00, s3;
	s8 =	sadd.s32 $0x100, s0;
	s10 =	smul.u32 $0x7A00, s9  }
0xa: {  	p0 =	sgt.u32 s1, $0x1;
	s6 =	ssub.s32 $0x2, s4;
	s7 =	smul.u32 $0x44A00, s9  }
0xb: {  	_ =	strace $0x80000047;
	s30 =	sshrl.u32 s6, $0x1;
	s4 =	smul.u32 $0xF4, s9  }
0xc: {  	s12 =	smul.u32 $0x225000, s9;
	s13 =	sshll.u32 s9, $0x7;
	s16 =	ssub.s32 s6, s30  }
0xd: {  	v0 =	vlaneseq.u32;
	s14 =	sor.u32 $0xF4000, s13;
	s5 =	sadd.s32 s0, s10;
	s11 =	sor.u32 $0x80, s10  }
.Ltmp0:
0xe: {  	v0 =	vmul.u32 $0x48, v0;
	s7 =	sadd.s32 s3, s7;
	s9 =	sadd.s32 s10, s8;
	(pc) =	sbr.rel .LBB2_1-.Ltmp0, $4  }
0xf: {  	s12 =	sshrl.u32 s12, $0x3;
	s15 =	smul.u32 $0x9, s14;
	s14 =	sadd.s32 s0, s14  }
0x10: {  	v1 =	vadd.s32 $0x480, v0;
	s6 =	sadd.s32 s0, s11;
	s11 =	smul.u32 $0x9, s11;
	s31 =	sadd.s32 s3, s12  }
0x11: {  	v2 =	vadd.s32 $0x900, v0;
	v3 =	vadd.s32 $0xD80, v0;
	v4 =	vadd.s32 $0x1200, v0;
	s16 =	smax.u32 s16, $0x1;
	s12 =	sadd.s32 $0x44100, s31;
	s13 =	sadd.s32 $0x44580, s31  }
0x12: {  	v5 =	vadd.s32 $0x1680, v0;
	v6 =	vadd.s32 $0x1B00, v0;
	v7 =	vadd.s32 $0x1F80, v0;
	s15 =	sadd.s32 s3, s15;
	s10 =	sadd.s32 s3, s11;
	s11 =	sadd.s32 $0x180, s5  }
.LBB2_19:
0x13: {  	s28 =	sadd.s32 $0x1, s28  }
0x14: {  	p1 =	sne.s32 s28, s16  }
.Ltmp1:
0x15: {  	_ = 	snop;
	(pc) =	sbr.rel @!p1 .LBB2_20-.Ltmp1, $1  }
0x16: {  	_ =	sdelay $0x3  }
.LBB2_1:
0x17: {  	[tilespmem:s2], [sflag:$0x1] =	stream.strided.gather [hbm4b:s5+s17], $0x2000, s18, s17, $0x38;
	[tilespmem:$0x8800] =	vst v63  }
0x18: {  	_ = 	snop  }
0x19: {  	[tilespmem:s19], [sflag:$0x2] =	stream.strided.gather [hbm4b:s6+s17], $0x2000, s18, s17, $0x38;
	[tilespmem:$0x8800] =	vst v63  }
0x1a: {  	_ =	swait.ge [sflag:s20], $0x2000  }
0x1b: {  	[sflag:s20] =	ssyncset.done $0x0  }
0x1c: {  	s29 =	simm.s32 $0x40;
	[sflag:s20] =	ssyncadd.s32 $0xFFFFE000  }
0x1d: {  	v8 =	vld [tilespmem:s29+$0x30]  }
0x1e: {  	v10 =	vld [tilespmem:s29+$0x20]  }
0x1f: {  	v12 =	vadd.s32 s2, v0;
	v11 =	vld [tilespmem:s29+$0xFFFFFFC0]  }
0x20: {  	v14 =	vadd.s32 s2, v1;
	v13 =	vld [tilespmem:s29+$0xFFFFFFD0]  }
0x21: {  	v16 =	vadd.s32 s2, v2;
	v15 =	vld [tilespmem:s29+$0xFFFFFFE0]  }
0x22: {  	v18 =	vadd.s32 s2, v3;
	v17 =	vld [tilespmem:s29+$0xFFFFFFF0]  }
0x23: {  	v20 =	vadd.s32 s2, v4;
	v19 =	vld [tilespmem:s29+$0x0]  }
0x24: {  	v21 =	vadd.s32 s2, v5;
	v9 =	vld [tilespmem:s29+$0x10];
	[tilespmem:v12+s21+$0x0] =	vst.idx.msk $0xffff, v11  }
0x25: {  	[tilespmem:v14+s21+$0x0] =	vst.idx.msk $0xffff, v13  }
0x26: {  	[tilespmem:v16+s21+$0x0] =	vst.idx.msk $0xffff, v15  }
0x27: {  	v11 =	vadd.s32 s2, v6;
	[tilespmem:v18+s21+$0x0] =	vst.idx.msk $0xffff, v17  }
0x28: {  	[tilespmem:v20+s21+$0x0] =	vst.idx.msk $0xffff, v19  }
0x29: {  	[tilespmem:v21+s21+$0x0] =	vst.idx.msk $0xffff, v9;
	v9 =	vadd.s32 s2, v7;
	_ =	sdelay $0x2  }
0x2a: {  	s30 =	simm.s32 $0x1;
	[tilespmem:v11+s21+$0x0] =	vst.idx.msk $0xffff, v10  }
.LBB2_2:
0x2b: {  	p1 =	sne.s32 s30, $0x3F  }
0x2c: {  	[tilespmem:v9+s21+$0x0] =	vst.idx.msk $0xffff, v8;
	s29 =	sadd.s32 $0x80, s29;
	s0 =	smov.u32 s30;
	s30 =	sadd.s32 $0x1, s30  }
0x2d: {  	v8 =	vld [tilespmem:s29+$0x30]  }
0x2e: {  	v10 =	vld [tilespmem:s29+$0x20]  }
0x2f: {  	v11 =	vld [tilespmem:s29+$0x10]  }
0x30: {  	v12 =	vadd.s32 s0, v0;
	v9 =	vld [tilespmem:s29+$0xFFFFFFC0]  }
0x31: {  	v14 =	vadd.s32 s0, v1;
	v13 =	vld [tilespmem:s29+$0xFFFFFFD0]  }
0x32: {  	v16 =	vadd.s32 s0, v2;
	v15 =	vld [tilespmem:s29+$0xFFFFFFE0]  }
0x33: {  	v18 =	vadd.s32 s0, v3;
	v17 =	vld [tilespmem:s29+$0xFFFFFFF0]  }
0x34: {  	v20 =	vadd.s32 s0, v4;
	v19 =	vld [tilespmem:s29+$0x0]  }
0x35: {  	v21 =	vadd.s32 s0, v5;
	[tilespmem:v12+s21+$0x0] =	vst.idx.msk $0xffff, v9  }
0x36: {  	v12 =	vadd.s32 s0, v6;
	[tilespmem:v14+s21+$0x0] =	vst.idx.msk $0xffff, v13  }
.Ltmp2:
0x37: {  	v9 =	vadd.s32 s0, v7;
	[tilespmem:v16+s21+$0x0] =	vst.idx.msk $0xffff, v15;
	(pc) =	sbr.rel @p1 .LBB2_2-.Ltmp2, $4  }
0x38: {  	[tilespmem:v18+s21+$0x0] =	vst.idx.msk $0xffff, v17  }
0x39: {  	[tilespmem:v20+s21+$0x0] =	vst.idx.msk $0xffff, v19  }
0x3a: {  	[tilespmem:v21+s21+$0x0] =	vst.idx.msk $0xffff, v11  }
0x3b: {  	[tilespmem:v12+s21+$0x0] =	vst.idx.msk $0xffff, v10  }
0x3c: {  	_ =	sdelay $0x3  }
0x3d: {  	[tilespmem:v9+s21+$0x0] =	vst.idx.msk $0xffff, v8;
	s0 =	simm.s32 $0x0  }
0x3e: {  	[hbm4b:s7+s0] =	stream.linear.scatter [tilespmem:s21], [sflag:$0x3], $0x2400, $0x38;
	[tilespmem:$0x8800] =	vst v63  }
0x3f: {  	_ = 	snop  }
0x40: {  	[tilespmem:s0], [sflag:$0x1] =	stream.strided.gather [hbm4b:s9+s17], $0x2000, s18, s17, $0x38;
	[tilespmem:$0x8800] =	vst v63  }
0x41: {  	_ =	swait.ge [sflag:s22], $0x2000  }
0x42: {  	[sflag:s22] =	ssyncset.done $0x0  }
0x43: {  	s29 =	simm.s32 $0x2040;
	[sflag:s22] =	ssyncadd.s32 $0xFFFFE000  }
0x44: {  	v8 =	vld [tilespmem:s29+$0x30]  }
0x45: {  	v10 =	vld [tilespmem:s29+$0x20]  }
0x46: {  	v12 =	vadd.s32 s0, v0;
	v11 =	vld [tilespmem:s29+$0xFFFFFFC0]  }
0x47: {  	v14 =	vadd.s32 s0, v1;
	v13 =	vld [tilespmem:s29+$0xFFFFFFD0]  }
0x48: {  	v16 =	vadd.s32 s0, v2;
	v15 =	vld [tilespmem:s29+$0xFFFFFFE0]  }
0x49: {  	v18 =	vadd.s32 s0, v3;
	v17 =	vld [tilespmem:s29+$0xFFFFFFF0]  }
0x4a: {  	v20 =	vadd.s32 s0, v4;
	v19 =	vld [tilespmem:s29+$0x0]  }
0x4b: {  	v21 =	vadd.s32 s0, v5;
	v9 =	vld [tilespmem:s29+$0x10];
	[tilespmem:v12+s23+$0x0] =	vst.idx.msk $0xffff, v11  }
0x4c: {  	[tilespmem:v14+s23+$0x0] =	vst.idx.msk $0xffff, v13  }
0x4d: {  	[tilespmem:v16+s23+$0x0] =	vst.idx.msk $0xffff, v15  }
0x4e: {  	v11 =	vadd.s32 s0, v6;
	[tilespmem:v18+s23+$0x0] =	vst.idx.msk $0xffff, v17  }
0x4f: {  	[tilespmem:v20+s23+$0x0] =	vst.idx.msk $0xffff, v19  }
0x50: {  	[tilespmem:v21+s23+$0x0] =	vst.idx.msk $0xffff, v9;
	v9 =	vadd.s32 s0, v7;
	_ =	sdelay $0x2  }
0x51: {  	s30 =	simm.s32 $0x1;
	[tilespmem:v11+s23+$0x0] =	vst.idx.msk $0xffff, v10  }
.LBB2_4:
0x52: {  	p1 =	sne.s32 s30, $0x3F  }
0x53: {  	[tilespmem:v9+s23+$0x0] =	vst.idx.msk $0xffff, v8;
	s29 =	sadd.s32 $0x80, s29;
	s0 =	smov.u32 s30;
	s30 =	sadd.s32 $0x1, s30  }
0x54: {  	v8 =	vld [tilespmem:s29+$0x30]  }
0x55: {  	v10 =	vld [tilespmem:s29+$0x20]  }
0x56: {  	v11 =	vld [tilespmem:s29+$0x10]  }
0x57: {  	v12 =	vadd.s32 s0, v0;
	v9 =	vld [tilespmem:s29+$0xFFFFFFC0]  }
0x58: {  	v14 =	vadd.s32 s0, v1;
	v13 =	vld [tilespmem:s29+$0xFFFFFFD0]  }
0x59: {  	v16 =	vadd.s32 s0, v2;
	v15 =	vld [tilespmem:s29+$0xFFFFFFE0]  }
0x5a: {  	v18 =	vadd.s32 s0, v3;
	v17 =	vld [tilespmem:s29+$0xFFFFFFF0]  }
0x5b: {  	v20 =	vadd.s32 s0, v4;
	v19 =	vld [tilespmem:s29+$0x0]  }
0x5c: {  	v21 =	vadd.s32 s0, v5;
	[tilespmem:v12+s23+$0x0] =	vst.idx.msk $0xffff, v9  }
0x5d: {  	v12 =	vadd.s32 s0, v6;
	[tilespmem:v14+s23+$0x0] =	vst.idx.msk $0xffff, v13  }
.Ltmp3:
0x5e: {  	v9 =	vadd.s32 s0, v7;
	[tilespmem:v16+s23+$0x0] =	vst.idx.msk $0xffff, v15;
	(pc) =	sbr.rel @p1 .LBB2_4-.Ltmp3, $4  }
0x5f: {  	[tilespmem:v18+s23+$0x0] =	vst.idx.msk $0xffff, v17  }
0x60: {  	[tilespmem:v20+s23+$0x0] =	vst.idx.msk $0xffff, v19  }
0x61: {  	[tilespmem:v21+s23+$0x0] =	vst.idx.msk $0xffff, v11  }
0x62: {  	[tilespmem:v12+s23+$0x0] =	vst.idx.msk $0xffff, v10  }
0x63: {  	_ =	sdelay $0x3  }
0x64: {  	[tilespmem:v9+s23+$0x0] =	vst.idx.msk $0xffff, v8  }
0x65: {  	[hbm4b:s10+s2] =	stream.linear.scatter [tilespmem:s23], [sflag:$0x4], $0x2400, $0x38;
	[tilespmem:$0x8800] =	vst v63  }
0x66: {  	s29 =	simm.s32 $0x1  }
0x67: {  	[tilespmem:s19], [sflag:$0x2] =	stream.strided.gather [hbm4b:s11+s17], $0x2000, s18, s17, $0x38;
	[tilespmem:$0x8800] =	vst v63  }
.LBB2_6:
0x68: {  	_ =	swait.ge [sflag:s20], $0x2000  }
0x69: {  	[sflag:s20] =	ssyncset.done $0x0  }
0x6a: {  	[sflag:s20] =	ssyncadd.s32 $0xFFFFE000  }
0x6b: {  	_ =	swait.ge [sflag:s24], $0x2400  }
0x6c: {  	[sflag:s24] =	ssyncset.done $0x0  }
0x6d: {  	s30 =	simm.s32 $0x40;
	[sflag:s24] =	ssyncadd.s32 $0xFFFFDC00  }
0x6e: {  	v8 =	vld [tilespmem:s30+$0x30]  }
0x6f: {  	s0 =	simm.s32 $0x0;
	v10 =	vld [tilespmem:s30+$0x20]  }
0x70: {  	v12 =	vadd.s32 s0, v0;
	v11 =	vld [tilespmem:s30+$0xFFFFFFC0]  }
0x71: {  	v14 =	vadd.s32 s0, v1;
	v13 =	vld [tilespmem:s30+$0xFFFFFFD0]  }
0x72: {  	v16 =	vadd.s32 s0, v2;
	v15 =	vld [tilespmem:s30+$0xFFFFFFE0]  }
0x73: {  	v18 =	vadd.s32 s0, v3;
	v17 =	vld [tilespmem:s30+$0xFFFFFFF0]  }
0x74: {  	v20 =	vadd.s32 s0, v4;
	v19 =	vld [tilespmem:s30+$0x0]  }
0x75: {  	v21 =	vadd.s32 s0, v5;
	v9 =	vld [tilespmem:s30+$0x10];
	[tilespmem:v12+s21+$0x0] =	vst.idx.msk $0xffff, v11  }
0x76: {  	[tilespmem:v14+s21+$0x0] =	vst.idx.msk $0xffff, v13  }
0x77: {  	[tilespmem:v16+s21+$0x0] =	vst.idx.msk $0xffff, v15  }
0x78: {  	v11 =	vadd.s32 s0, v6;
	[tilespmem:v18+s21+$0x0] =	vst.idx.msk $0xffff, v17  }
0x79: {  	[tilespmem:v20+s21+$0x0] =	vst.idx.msk $0xffff, v19  }
0x7a: {  	[tilespmem:v21+s21+$0x0] =	vst.idx.msk $0xffff, v9;
	v9 =	vadd.s32 s0, v7;
	_ =	sdelay $0x2  }
0x7b: {  	s31 =	simm.s32 $0x1;
	[tilespmem:v11+s21+$0x0] =	vst.idx.msk $0xffff, v10  }
.LBB2_7:
0x7c: {  	p1 =	sne.s32 s31, $0x3F  }
0x7d: {  	[tilespmem:v9+s21+$0x0] =	vst.idx.msk $0xffff, v8;
	s30 =	sadd.s32 $0x80, s30;
	s0 =	smov.u32 s31;
	s31 =	sadd.s32 $0x1, s31  }
0x7e: {  	v8 =	vld [tilespmem:s30+$0x30]  }
0x7f: {  	v10 =	vld [tilespmem:s30+$0x20]  }
0x80: {  	v11 =	vld [tilespmem:s30+$0x10]  }
0x81: {  	v12 =	vadd.s32 s0, v0;
	v9 =	vld [tilespmem:s30+$0xFFFFFFC0]  }
0x82: {  	v14 =	vadd.s32 s0, v1;
	v13 =	vld [tilespmem:s30+$0xFFFFFFD0]  }
0x83: {  	v16 =	vadd.s32 s0, v2;
	v15 =	vld [tilespmem:s30+$0xFFFFFFE0]  }
0x84: {  	v18 =	vadd.s32 s0, v3;
	v17 =	vld [tilespmem:s30+$0xFFFFFFF0]  }
0x85: {  	v20 =	vadd.s32 s0, v4;
	v19 =	vld [tilespmem:s30+$0x0]  }
0x86: {  	v21 =	vadd.s32 s0, v5;
	[tilespmem:v12+s21+$0x0] =	vst.idx.msk $0xffff, v9  }
0x87: {  	v12 =	vadd.s32 s0, v6;
	[tilespmem:v14+s21+$0x0] =	vst.idx.msk $0xffff, v13  }
.Ltmp4:
0x88: {  	v9 =	vadd.s32 s0, v7;
	[tilespmem:v16+s21+$0x0] =	vst.idx.msk $0xffff, v15;
	(pc) =	sbr.rel @p1 .LBB2_7-.Ltmp4, $4  }
0x89: {  	[tilespmem:v18+s21+$0x0] =	vst.idx.msk $0xffff, v17  }
0x8a: {  	[tilespmem:v20+s21+$0x0] =	vst.idx.msk $0xffff, v19  }
0x8b: {  	[tilespmem:v21+s21+$0x0] =	vst.idx.msk $0xffff, v11  }
0x8c: {  	[tilespmem:v12+s21+$0x0] =	vst.idx.msk $0xffff, v10  }
0x8d: {  	s30 =	sshll.u32 s29, $0x1  }
0x8e: {  	s0 =	sadd.s32 s4, s30  }
0x8f: {  	s31 =	smul.u32 $0x480, s0;
	_ =	sdelay $0x1  }
0x90: {  	[tilespmem:v9+s21+$0x0] =	vst.idx.msk $0xffff, v8;
	s1 =	simm.s32 $0x0;
	s0 =	sshll.u32 s0, $0x7;
	s31 =	sadd.s32 s3, s31  }
0x91: {  	[hbm4b:s31+s1] =	stream.linear.scatter [tilespmem:s21], [sflag:$0x3], $0x2400, $0x38;
	[tilespmem:$0x8800] =	vst v63  }
0x92: {  	s0 =	sadd.s32 s0, s8  }
0x93: {  	[tilespmem:s1], [sflag:$0x1] =	stream.strided.gather [hbm4b:s0+s17], $0x2000, s18, s17, $0x38;
	[tilespmem:$0x8800] =	vst v63  }
0x94: {  	_ =	swait.ge [sflag:s22], $0x2000  }
0x95: {  	[sflag:s22] =	ssyncset.done $0x0  }
0x96: {  	[sflag:s22] =	ssyncadd.s32 $0xFFFFE000  }
0x97: {  	_ =	swait.ge [sflag:s25], $0x2400  }
0x98: {  	[sflag:s25] =	ssyncset.done $0x0  }
0x99: {  	s31 =	simm.s32 $0x2040;
	[sflag:s25] =	ssyncadd.s32 $0xFFFFDC00  }
0x9a: {  	v8 =	vld [tilespmem:s31+$0x30]  }
0x9b: {  	v10 =	vld [tilespmem:s31+$0x20]  }
0x9c: {  	v12 =	vadd.s32 s1, v0;
	v11 =	vld [tilespmem:s31+$0xFFFFFFC0]  }
0x9d: {  	v14 =	vadd.s32 s1, v1;
	v13 =	vld [tilespmem:s31+$0xFFFFFFD0]  }
0x9e: {  	v16 =	vadd.s32 s1, v2;
	v15 =	vld [tilespmem:s31+$0xFFFFFFE0]  }
0x9f: {  	v18 =	vadd.s32 s1, v3;
	v17 =	vld [tilespmem:s31+$0xFFFFFFF0]  }
0xa0: {  	v20 =	vadd.s32 s1, v4;
	v19 =	vld [tilespmem:s31+$0x0]  }
0xa1: {  	v21 =	vadd.s32 s1, v5;
	v9 =	vld [tilespmem:s31+$0x10];
	[tilespmem:v12+s23+$0x0] =	vst.idx.msk $0xffff, v11  }
0xa2: {  	[tilespmem:v14+s23+$0x0] =	vst.idx.msk $0xffff, v13  }
0xa3: {  	[tilespmem:v16+s23+$0x0] =	vst.idx.msk $0xffff, v15  }
0xa4: {  	v11 =	vadd.s32 s1, v6;
	[tilespmem:v18+s23+$0x0] =	vst.idx.msk $0xffff, v17  }
0xa5: {  	[tilespmem:v20+s23+$0x0] =	vst.idx.msk $0xffff, v19  }
0xa6: {  	[tilespmem:v21+s23+$0x0] =	vst.idx.msk $0xffff, v9;
	v9 =	vadd.s32 s1, v7;
	_ =	sdelay $0x2  }
0xa7: {  	s0 =	simm.s32 $0x1;
	[tilespmem:v11+s23+$0x0] =	vst.idx.msk $0xffff, v10  }
.LBB2_9:
0xa8: {  	p1 =	sne.s32 s0, $0x3F  }
0xa9: {  	[tilespmem:v9+s23+$0x0] =	vst.idx.msk $0xffff, v8;
	s31 =	sadd.s32 $0x80, s31;
	s1 =	smov.u32 s0;
	s0 =	sadd.s32 $0x1, s0  }
0xaa: {  	v8 =	vld [tilespmem:s31+$0x30]  }
0xab: {  	v10 =	vld [tilespmem:s31+$0x20]  }
0xac: {  	v11 =	vld [tilespmem:s31+$0x10]  }
0xad: {  	v12 =	vadd.s32 s1, v0;
	v9 =	vld [tilespmem:s31+$0xFFFFFFC0]  }
0xae: {  	v14 =	vadd.s32 s1, v1;
	v13 =	vld [tilespmem:s31+$0xFFFFFFD0]  }
0xaf: {  	v16 =	vadd.s32 s1, v2;
	v15 =	vld [tilespmem:s31+$0xFFFFFFE0]  }
0xb0: {  	v18 =	vadd.s32 s1, v3;
	v17 =	vld [tilespmem:s31+$0xFFFFFFF0]  }
0xb1: {  	v20 =	vadd.s32 s1, v4;
	v19 =	vld [tilespmem:s31+$0x0]  }
0xb2: {  	v21 =	vadd.s32 s1, v5;
	[tilespmem:v12+s23+$0x0] =	vst.idx.msk $0xffff, v9  }
0xb3: {  	v12 =	vadd.s32 s1, v6;
	[tilespmem:v14+s23+$0x0] =	vst.idx.msk $0xffff, v13  }
.Ltmp5:
0xb4: {  	v9 =	vadd.s32 s1, v7;
	[tilespmem:v16+s23+$0x0] =	vst.idx.msk $0xffff, v15;
	(pc) =	sbr.rel @p1 .LBB2_9-.Ltmp5, $4  }
0xb5: {  	[tilespmem:v18+s23+$0x0] =	vst.idx.msk $0xffff, v17  }
0xb6: {  	[tilespmem:v20+s23+$0x0] =	vst.idx.msk $0xffff, v19  }
0xb7: {  	[tilespmem:v21+s23+$0x0] =	vst.idx.msk $0xffff, v11  }
0xb8: {  	[tilespmem:v12+s23+$0x0] =	vst.idx.msk $0xffff, v10  }
0xb9: {  	s0 =	sadd.s32 s30, s4  }
0xba: {  	s29 =	sadd.s32 $0x1, s29;
	s0 =	sadd.s32 $0x1, s0  }
0xbb: {  	p1 =	sne.s32 s29, $0x79;
	s1 =	smul.u32 $0x480, s0  }
.Ltmp6:
0xbc: {  	_ = 	snop;
	(pc) =	sbr.rel @p1 .LBB2_6-.Ltmp6, $4  }
0xbd: {  	[tilespmem:v9+s23+$0x0] =	vst.idx.msk $0xffff, v8;
	s0 =	sshll.u32 s0, $0x7;
	s1 =	sadd.s32 s3, s1  }
0xbe: {  	[hbm4b:s1+s2] =	stream.linear.scatter [tilespmem:s23], [sflag:$0x4], $0x2400, $0x38;
	[tilespmem:$0x8800] =	vst v63  }
0xbf: {  	s0 =	sadd.s32 s0, s8  }
0xc0: {  	[tilespmem:s19], [sflag:$0x2] =	stream.strided.gather [hbm4b:s0+s17], $0x2000, s18, s17, $0x38;
	[tilespmem:$0x8800] =	vst v63  }
0xc1: {  	_ =	swait.ge [sflag:s20], $0x2000  }
0xc2: {  	[sflag:s20] =	ssyncset.done $0x0  }
0xc3: {  	[sflag:s20] =	ssyncadd.s32 $0xFFFFE000  }
0xc4: {  	_ =	swait.ge [sflag:s24], $0x2400  }
0xc5: {  	[sflag:s24] =	ssyncset.done $0x0  }
0xc6: {  	s29 =	simm.s32 $0x40;
	[sflag:s24] =	ssyncadd.s32 $0xFFFFDC00  }
0xc7: {  	v8 =	vld [tilespmem:s29+$0x30]  }
0xc8: {  	s1 =	simm.s32 $0x0;
	v10 =	vld [tilespmem:s29+$0x20]  }
0xc9: {  	v12 =	vadd.s32 s1, v0;
	v11 =	vld [tilespmem:s29+$0xFFFFFFC0]  }
0xca: {  	v14 =	vadd.s32 s1, v1;
	v13 =	vld [tilespmem:s29+$0xFFFFFFD0]  }
0xcb: {  	v16 =	vadd.s32 s1, v2;
	v15 =	vld [tilespmem:s29+$0xFFFFFFE0]  }
0xcc: {  	v18 =	vadd.s32 s1, v3;
	v17 =	vld [tilespmem:s29+$0xFFFFFFF0]  }
0xcd: {  	v20 =	vadd.s32 s1, v4;
	v19 =	vld [tilespmem:s29+$0x0]  }
0xce: {  	v21 =	vadd.s32 s1, v5;
	v9 =	vld [tilespmem:s29+$0x10];
	[tilespmem:v12+s21+$0x0] =	vst.idx.msk $0xffff, v11  }
0xcf: {  	[tilespmem:v14+s21+$0x0] =	vst.idx.msk $0xffff, v13  }
0xd0: {  	[tilespmem:v16+s21+$0x0] =	vst.idx.msk $0xffff, v15  }
0xd1: {  	v11 =	vadd.s32 s1, v6;
	[tilespmem:v18+s21+$0x0] =	vst.idx.msk $0xffff, v17  }
0xd2: {  	[tilespmem:v20+s21+$0x0] =	vst.idx.msk $0xffff, v19  }
0xd3: {  	[tilespmem:v21+s21+$0x0] =	vst.idx.msk $0xffff, v9;
	v9 =	vadd.s32 s1, v7;
	_ =	sdelay $0x2  }
0xd4: {  	s0 =	simm.s32 $0x1;
	[tilespmem:v11+s21+$0x0] =	vst.idx.msk $0xffff, v10  }
.LBB2_12:
0xd5: {  	p1 =	sne.s32 s0, $0x3F  }
0xd6: {  	[tilespmem:v9+s21+$0x0] =	vst.idx.msk $0xffff, v8;
	s29 =	sadd.s32 $0x80, s29;
	s1 =	smov.u32 s0;
	s0 =	sadd.s32 $0x1, s0  }
0xd7: {  	v8 =	vld [tilespmem:s29+$0x30]  }
0xd8: {  	v10 =	vld [tilespmem:s29+$0x20]  }
0xd9: {  	v11 =	vld [tilespmem:s29+$0x10]  }
0xda: {  	v12 =	vadd.s32 s1, v0;
	v9 =	vld [tilespmem:s29+$0xFFFFFFC0]  }
0xdb: {  	v14 =	vadd.s32 s1, v1;
	v13 =	vld [tilespmem:s29+$0xFFFFFFD0]  }
0xdc: {  	v16 =	vadd.s32 s1, v2;
	v15 =	vld [tilespmem:s29+$0xFFFFFFE0]  }
0xdd: {  	v18 =	vadd.s32 s1, v3;
	v17 =	vld [tilespmem:s29+$0xFFFFFFF0]  }
0xde: {  	v20 =	vadd.s32 s1, v4;
	v19 =	vld [tilespmem:s29+$0x0]  }
0xdf: {  	v21 =	vadd.s32 s1, v5;
	[tilespmem:v12+s21+$0x0] =	vst.idx.msk $0xffff, v9  }
0xe0: {  	v12 =	vadd.s32 s1, v6;
	[tilespmem:v14+s21+$0x0] =	vst.idx.msk $0xffff, v13  }
.Ltmp7:
0xe1: {  	v9 =	vadd.s32 s1, v7;
	[tilespmem:v16+s21+$0x0] =	vst.idx.msk $0xffff, v15;
	(pc) =	sbr.rel @p1 .LBB2_12-.Ltmp7, $4  }
0xe2: {  	[tilespmem:v18+s21+$0x0] =	vst.idx.msk $0xffff, v17  }
0xe3: {  	[tilespmem:v20+s21+$0x0] =	vst.idx.msk $0xffff, v19  }
0xe4: {  	[tilespmem:v21+s21+$0x0] =	vst.idx.msk $0xffff, v11  }
0xe5: {  	[tilespmem:v12+s21+$0x0] =	vst.idx.msk $0xffff, v10  }
0xe6: {  	_ =	sdelay $0x3  }
0xe7: {  	[tilespmem:v9+s21+$0x0] =	vst.idx.msk $0xffff, v8;
	s1 =	simm.s32 $0x0  }
0xe8: {  	[hbm4b:s12+s1] =	stream.linear.scatter [tilespmem:s21], [sflag:$0x3], $0x2400, $0x38;
	[tilespmem:$0x8800] =	vst v63  }
0xe9: {  	_ =	swait.ge [sflag:s22], $0x2000  }
0xea: {  	[sflag:s22] =	ssyncset.done $0x0  }
0xeb: {  	[sflag:s22] =	ssyncadd.s32 $0xFFFFE000  }
0xec: {  	_ =	swait.ge [sflag:s25], $0x2400  }
0xed: {  	[sflag:s25] =	ssyncset.done $0x0  }
0xee: {  	s29 =	simm.s32 $0x2040;
	[sflag:s25] =	ssyncadd.s32 $0xFFFFDC00  }
0xef: {  	v8 =	vld [tilespmem:s29+$0x30]  }
0xf0: {  	v10 =	vld [tilespmem:s29+$0x20]  }
0xf1: {  	v12 =	vadd.s32 s1, v0;
	v11 =	vld [tilespmem:s29+$0xFFFFFFC0]  }
0xf2: {  	v14 =	vadd.s32 s1, v1;
	v13 =	vld [tilespmem:s29+$0xFFFFFFD0]  }
0xf3: {  	v16 =	vadd.s32 s1, v2;
	v15 =	vld [tilespmem:s29+$0xFFFFFFE0]  }
0xf4: {  	v18 =	vadd.s32 s1, v3;
	v17 =	vld [tilespmem:s29+$0xFFFFFFF0]  }
0xf5: {  	v20 =	vadd.s32 s1, v4;
	v19 =	vld [tilespmem:s29+$0x0]  }
0xf6: {  	v21 =	vadd.s32 s1, v5;
	v9 =	vld [tilespmem:s29+$0x10];
	[tilespmem:v12+s23+$0x0] =	vst.idx.msk $0xffff, v11  }
0xf7: {  	[tilespmem:v14+s23+$0x0] =	vst.idx.msk $0xffff, v13  }
0xf8: {  	[tilespmem:v16+s23+$0x0] =	vst.idx.msk $0xffff, v15  }
0xf9: {  	v11 =	vadd.s32 s1, v6;
	[tilespmem:v18+s23+$0x0] =	vst.idx.msk $0xffff, v17  }
0xfa: {  	[tilespmem:v20+s23+$0x0] =	vst.idx.msk $0xffff, v19  }
0xfb: {  	[tilespmem:v21+s23+$0x0] =	vst.idx.msk $0xffff, v9;
	v9 =	vadd.s32 s1, v7;
	_ =	sdelay $0x2  }
0xfc: {  	s0 =	simm.s32 $0x1;
	[tilespmem:v11+s23+$0x0] =	vst.idx.msk $0xffff, v10  }
.LBB2_14:
0xfd: {  	p1 =	sne.s32 s0, $0x3F  }
0xfe: {  	[tilespmem:v9+s23+$0x0] =	vst.idx.msk $0xffff, v8;
	s29 =	sadd.s32 $0x80, s29;
	s1 =	smov.u32 s0;
	s0 =	sadd.s32 $0x1, s0  }
0xff: {  	v8 =	vld [tilespmem:s29+$0x30]  }
0x100: {  	v10 =	vld [tilespmem:s29+$0x20]  }
0x101: {  	v11 =	vld [tilespmem:s29+$0x10]  }
0x102: {  	v12 =	vadd.s32 s1, v0;
	v9 =	vld [tilespmem:s29+$0xFFFFFFC0]  }
0x103: {  	v14 =	vadd.s32 s1, v1;
	v13 =	vld [tilespmem:s29+$0xFFFFFFD0]  }
0x104: {  	v16 =	vadd.s32 s1, v2;
	v15 =	vld [tilespmem:s29+$0xFFFFFFE0]  }
0x105: {  	v18 =	vadd.s32 s1, v3;
	v17 =	vld [tilespmem:s29+$0xFFFFFFF0]  }
0x106: {  	v20 =	vadd.s32 s1, v4;
	v19 =	vld [tilespmem:s29+$0x0]  }
0x107: {  	v21 =	vadd.s32 s1, v5;
	[tilespmem:v12+s23+$0x0] =	vst.idx.msk $0xffff, v9  }
0x108: {  	v12 =	vadd.s32 s1, v6;
	[tilespmem:v14+s23+$0x0] =	vst.idx.msk $0xffff, v13  }
.Ltmp8:
0x109: {  	v9 =	vadd.s32 s1, v7;
	[tilespmem:v16+s23+$0x0] =	vst.idx.msk $0xffff, v15;
	(pc) =	sbr.rel @p1 .LBB2_14-.Ltmp8, $4  }
0x10a: {  	[tilespmem:v18+s23+$0x0] =	vst.idx.msk $0xffff, v17  }
0x10b: {  	[tilespmem:v20+s23+$0x0] =	vst.idx.msk $0xffff, v19  }
0x10c: {  	[tilespmem:v21+s23+$0x0] =	vst.idx.msk $0xffff, v11  }
0x10d: {  	[tilespmem:v12+s23+$0x0] =	vst.idx.msk $0xffff, v10  }
0x10e: {  	_ =	sdelay $0x3  }
0x10f: {  	[tilespmem:v9+s23+$0x0] =	vst.idx.msk $0xffff, v8  }
0x110: {  	[hbm4b:s13+s2] =	stream.linear.scatter [tilespmem:s23], [sflag:$0x4], $0x2400, $0x38;
	[tilespmem:$0x8800] =	vst v63  }
0x111: {  	_ =	swait.ge [sflag:s24], $0x2400  }
.Ltmp9:
0x112: {  	[sflag:s24] =	ssyncset.done $0x0;
	(pc) =	sbr.rel @p0 .LBB2_19-.Ltmp9, $4  }
0x113: {  	[sflag:s24] =	ssyncadd.s32 $0xFFFFDC00  }
0x114: {  	_ =	swait.ge [sflag:s25], $0x2400  }
0x115: {  	[sflag:s25] =	ssyncset.done $0x0  }
0x116: {  	[sflag:s25] =	ssyncadd.s32 $0xFFFFDC00  }
0x117: {  	s1 =	simm.s32 $0x0  }
0x118: {  	[tilespmem:s1], [sflag:$0x5] =	stream.strided.gather [hbm4b:s14+s17], $0x2000, s18, s17, $0x38;
	[tilespmem:$0x8800] =	vst v63  }
0x119: {  	_ =	swait.ge [sflag:s26], $0x2000  }
0x11a: {  	[sflag:s26] =	ssyncset.done $0x0  }
0x11b: {  	s29 =	simm.s32 $0x40;
	[sflag:s26] =	ssyncadd.s32 $0xFFFFE000  }
0x11c: {  	v8 =	vld [tilespmem:s29+$0x30]  }
0x11d: {  	v10 =	vld [tilespmem:s29+$0x20]  }
0x11e: {  	v12 =	vadd.s32 s1, v0;
	v11 =	vld [tilespmem:s29+$0xFFFFFFC0]  }
0x11f: {  	v14 =	vadd.s32 s1, v1;
	v13 =	vld [tilespmem:s29+$0xFFFFFFD0]  }
0x120: {  	v16 =	vadd.s32 s1, v2;
	v15 =	vld [tilespmem:s29+$0xFFFFFFE0]  }
0x121: {  	v18 =	vadd.s32 s1, v3;
	v17 =	vld [tilespmem:s29+$0xFFFFFFF0]  }
0x122: {  	v20 =	vadd.s32 s1, v4;
	v19 =	vld [tilespmem:s29+$0x0]  }
0x123: {  	v21 =	vadd.s32 s1, v5;
	v9 =	vld [tilespmem:s29+$0x10];
	[tilespmem:v12+s21+$0x0] =	vst.idx.msk $0xffff, v11  }
0x124: {  	[tilespmem:v14+s21+$0x0] =	vst.idx.msk $0xffff, v13  }
0x125: {  	[tilespmem:v16+s21+$0x0] =	vst.idx.msk $0xffff, v15  }
0x126: {  	v11 =	vadd.s32 s1, v6;
	[tilespmem:v18+s21+$0x0] =	vst.idx.msk $0xffff, v17  }
0x127: {  	[tilespmem:v20+s21+$0x0] =	vst.idx.msk $0xffff, v19  }
0x128: {  	[tilespmem:v21+s21+$0x0] =	vst.idx.msk $0xffff, v9;
	v9 =	vadd.s32 s1, v7;
	_ =	sdelay $0x2  }
0x129: {  	s0 =	simm.s32 $0x1;
	[tilespmem:v11+s21+$0x0] =	vst.idx.msk $0xffff, v10  }
.LBB2_17:
0x12a: {  	p1 =	sne.s32 s0, $0x3F  }
0x12b: {  	[tilespmem:v9+s21+$0x0] =	vst.idx.msk $0xffff, v8;
	s29 =	sadd.s32 $0x80, s29;
	s1 =	smov.u32 s0;
	s0 =	sadd.s32 $0x1, s0  }
0x12c: {  	v8 =	vld [tilespmem:s29+$0x30]  }
0x12d: {  	v10 =	vld [tilespmem:s29+$0x20]  }
0x12e: {  	v11 =	vld [tilespmem:s29+$0x10]  }
0x12f: {  	v12 =	vadd.s32 s1, v0;
	v9 =	vld [tilespmem:s29+$0xFFFFFFC0]  }
0x130: {  	v14 =	vadd.s32 s1, v1;
	v13 =	vld [tilespmem:s29+$0xFFFFFFD0]  }
0x131: {  	v16 =	vadd.s32 s1, v2;
	v15 =	vld [tilespmem:s29+$0xFFFFFFE0]  }
0x132: {  	v18 =	vadd.s32 s1, v3;
	v17 =	vld [tilespmem:s29+$0xFFFFFFF0]  }
0x133: {  	v20 =	vadd.s32 s1, v4;
	v19 =	vld [tilespmem:s29+$0x0]  }
0x134: {  	v21 =	vadd.s32 s1, v5;
	[tilespmem:v12+s21+$0x0] =	vst.idx.msk $0xffff, v9  }
0x135: {  	v12 =	vadd.s32 s1, v6;
	[tilespmem:v14+s21+$0x0] =	vst.idx.msk $0xffff, v13  }
.Ltmp10:
0x136: {  	v9 =	vadd.s32 s1, v7;
	[tilespmem:v16+s21+$0x0] =	vst.idx.msk $0xffff, v15;
	(pc) =	sbr.rel @p1 .LBB2_17-.Ltmp10, $4  }
0x137: {  	[tilespmem:v18+s21+$0x0] =	vst.idx.msk $0xffff, v17  }
0x138: {  	[tilespmem:v20+s21+$0x0] =	vst.idx.msk $0xffff, v19  }
0x139: {  	[tilespmem:v21+s21+$0x0] =	vst.idx.msk $0xffff, v11  }
0x13a: {  	[tilespmem:v12+s21+$0x0] =	vst.idx.msk $0xffff, v10  }
0x13b: {  	_ =	sdelay $0x3  }
.Ltmp11:
0x13c: {  	[tilespmem:v9+s21+$0x0] =	vst.idx.msk $0xffff, v8;
	(pc) =	sbr.rel .LBB2_19-.Ltmp11, $4  }
0x13d: {  	[hbm4b:s15+s2] =	stream.linear.scatter [tilespmem:s21], [sflag:$0x5], $0x2400, $0x38;
	[tilespmem:$0x8800] =	vst v63  }
0x13e: {  	_ =	swait.ge [sflag:s26], $0x2400  }
0x13f: {  	[sflag:s26] =	ssyncset.done $0x0  }
0x140: {  	[sflag:s26] =	ssyncadd.s32 $0xFFFFDC00  }
.LBB2_20:
0x141: {  	_ =	sfence.sel $0x180000  }
0x142: {  	[bflag:$0x0] =	sbarrier.arrive $0xFFFF  }
0x143: {  	_ =	strace $0x90000047  }
0x144: {  	s0 =	stileid.u32;
	[bflag:$0x2] =	sbarrier.arrive $0xFFFF  }
0x145: {  	p0 =	sne.s32 s0, $0x0;
	s0 =	rddreg [dreg:$0x2]  }
0x146: {  	s0 =	sadd.s32 @!p0 $0x100000, s0  }
0x147: {  	[sflag:s0] =	ssyncadd.tile.s32 @!p0 $0x1;
	_ =	shalt  }
.Lfunc_end2:
_tile_overlayer_lowered:
.L_overlay_start_2:
0x148: {  	(tag) =	ssettag $0x2  }
0x149: {  	s0 =	rddreg [dreg:$0x0];
	s2 =	stileid.u32  }
0x14a: {  	s1 =	rddreg [dreg:$0x1];
	p0 =	sne.s32 s2, $0x0  }
0x14b: {  	s3 =	rddreg [dreg:$0x2];
	[bflag:$0x3] =	sbarrier.arrive $0xFFFF;
	s2 =	simm.s32 @!p0 $0x1C05  }
0x14c: {  	[timem:s3], [sflag:s2] =	dma.local @!p0 [hbm:s0], s1  }
0x14d: {  	s0 =	simm.s32 @!p0 $0x5  }
0x14e: {  	_ =	swait.ge @!p0 [sflag:s0], s1  }
0x14f: {  	s1 =	ssub.s32 @!p0 $0x0, s1;
	[sflag:s0] =	ssyncset.done @!p0 $0x0  }
0x150: {  	[sflag:s0] =	ssyncadd.s32 @!p0 s1  }
0x151: {  	[bflag:$0x3] =	sbarrier.arrive $0xFFFF  }
0x152: {  	_ =	shalt  }

// kernel: kernel.7.cloned.1.call-start
scs
__scs_entry_jumppad:
0x0: {  	(pc) =	sbr.rel $0x88, $3  }
0x1: {  	(tag) =	ssettag $0x0;
	lr =	simm.s32 $0x1  }
0x2: {  	[smem:$0x3F9F] =	sst lr;
	_ =	strace $0xD0000000  }
0x3: {  	_ = 	snop  }
0x4: {  	_ = 	snop  }
0x5: {  	_ = 	snop  }
0x6: {  	_ = 	snop  }
0x7: {  	_ = 	snop  }
__scs_overlays_trampoline_lowered:
0x8: {  	[smem:$0x3FAE] =	sst s0  }
0x9: {  	[smem:$0x3FAF] =	sst s1  }
0xa: {  	[smem:$0x3FB0] =	sst s2  }
0xb: {  	[smem:$0x3FB1] =	sst s3  }
0xc: {  	[smem:$0x3FB2] =	sst s4  }
0xd: {  	[smem:$0x3FB3] =	sst s5  }
0xe: {  	[smem:$0x3FB4] =	sst s6  }
0xf: {  	[smem:$0x3FB5] =	sst s7  }
0x10: {  	[smem:$0x3FB6] =	sst s8  }
0x11: {  	[smem:$0x3FB7] =	sst s9;
	s0 =	simm.s32 @!p0 $0x0  }
0x12: {  	s1 =	sld [smem:$0x3F9D];
	s0 =	simm.s32 @p0 $0x1  }
0x13: {  	[smem:$0x3FB8] =	sst s0;
	s0 =	simm.s32 @!p1 $0x0  }
0x14: {  	s2 =	sld [smem:$0x3F9C];
	s0 =	simm.s32 @p1 $0x1  }
0x15: {  	[smem:$0x3FB9] =	sst s0;
	s0 =	simm.s32 @!p2 $0x0  }
0x16: {  	s3 =	sld [smem:$0x3FDB];
	s0 =	simm.s32 @p2 $0x1  }
0x17: {  	s4 =	simm.s32 $0x1BF5;
	[smem:$0x3FBB] =	sst s0  }
0x18: {  	s0 =	sld [smem:$0x3F9E];
	_ =	swait.ge [sflag:s4], $0x0  }
0x19: {  	s7 =	sld [smem:$0x3F9F]  }
0x1a: {  	s8 =	sadd.s32 $0xFFFFE003, lr  }
0x1b: {  	s9 =	sadd.s32 $0xFFFFFEF7, lr;
	s5 =	simm.s32 $0xFFFFFFFF;
	p2 =	slt.u32 s8, $0xFFFFF086  }
0x1c: {  	p1 =	slt.u32 s9, $0xF7A;
	s5 =	simm.s32 @!p2 $0x0  }
0x1d: {  	s5 =	simm.s32 @p1 $0x1;
	p0 =	seq.s32 s7, s2  }
0x1e: {  	s7 =	smul.u32 @!p0 $0xF7A, s2;
	p2 =	seq.s32 @!p0 s5, $0x0  }
0x1f: {  	s9 =	smul.u32 $0xF7A, s1;
	s8 =	simm.s32 @!p0 $0x1BF5;
	p2 =	por !p2, p0  }
0x20: {  	[sflag:s8] =	ssyncset.s32 @!p0 $0xFFFFF086;
	s6 =	sadd.s32 @!p0 s3, s7;
	s7 =	simm.s32 @!p0 $0x108  }
0x21: {  	s3 =	sadd.s32 s3, s9;
	s6 =	sadd.s32 @!p0 $0x88, s6;
	s7 =	simm.s32 @p2 $0x1082  }
0x22: {  	[simem:s7], [sflag:s8] =	dma.local @!p0 [hbm:s6], $0xF7A  }
0x23: {  	s9 =	sor.u32 $0xD0000000, s2;
	s6 =	simm.s32 $0x108;
	_ =	swait.ge @!p0 [sflag:s8], $0x0  }
0x24: {  	s3 =	sadd.s32 $0x88, s3;
	s6 =	simm.s32 @!p1 $0x1082;
	[sflag:s4] =	ssyncset.s32 $0xFFFFF086  }
0x25: {  	[simem:s6], [sflag:s4] =	dma.local [hbm:s3], $0xF7A  }
0x26: {  	[smem:$0x3F9F] =	sst s1;
	(tag) =	ssettag s2;
	_ =	strace s9  }
0x27: {  	s1 =	sld [smem:$0x3FAF]  }
0x28: {  	s2 =	sld [smem:$0x3FB0]  }
0x29: {  	s4 =	sld [smem:$0x3FB2]  }
0x2a: {  	p0 =	seq.s32 s5, $0x0;
	s5 =	sld [smem:$0x3FB3]  }
0x2b: {  	s6 =	sld [smem:$0x3FB4]  }
0x2c: {  	s7 =	sld [smem:$0x3FB5]  }
0x2d: {  	s3 =	simm.s32 $0x108;
	s8 =	sld [smem:$0x3FB6]  }
0x2e: {  	s3 =	simm.s32 @!p0 $0x1082;
	s9 =	sld [smem:$0x3FB7]  }
0x2f: {  	lr =	sadd.s32 s0, s3;
	s0 =	sld [smem:$0x3FAE]  }
0x30: {  	s3 =	sld [smem:$0x3FB1]  }
0x31: {  	[smem:$0x3FBA] =	sst s10  }
0x32: {  	s10 =	sld [smem:$0x3FB8];
	_ =	sdelay $0x3  }
0x33: {  	p0 =	seq.s32 s10, $0x1;
	s10 =	sld [smem:$0x3FBA];
	_ =	sdelay $0x3  }
0x34: {  	[smem:$0x3FBA] =	sst s10  }
0x35: {  	s10 =	sld [smem:$0x3FB9];
	_ =	sdelay $0x3  }
0x36: {  	p1 =	seq.s32 s10, $0x1;
	s10 =	sld [smem:$0x3FBA];
	_ =	sdelay $0x3  }
0x37: {  	[smem:$0x3FBA] =	sst s10  }
0x38: {  	s10 =	sld [smem:$0x3FBB]  }
0x39: {  	_ = 	snop;
	(pc) =	sbr.ind lr, $3  }
0x3a: {  	_ = 	snop  }
0x3b: {  	_ = 	snop  }
0x3c: {  	p2 =	seq.s32 s10, $0x1;
	s10 =	sld [smem:$0x3FBA]  }
0x3d: {  	_ =	shalt  }
0x3e: {  	_ =	shalt  }
0x3f: {  	_ =	shalt  }
0x40: {  	_ =	shalt  }
0x41: {  	_ =	shalt  }
0x42: {  	_ =	shalt  }
0x43: {  	_ =	shalt  }
0x44: {  	_ =	shalt  }
0x45: {  	_ =	shalt  }
0x46: {  	_ =	shalt  }
0x47: {  	_ =	shalt  }
0x48: {  	_ =	shalt  }
0x49: {  	_ =	shalt  }
0x4a: {  	_ =	shalt  }
0x4b: {  	_ =	shalt  }
0x4c: {  	_ =	shalt  }
0x4d: {  	_ =	shalt  }
0x4e: {  	_ =	shalt  }
0x4f: {  	_ =	shalt  }
0x50: {  	_ =	shalt  }
0x51: {  	_ =	shalt  }
0x52: {  	_ =	shalt  }
0x53: {  	_ =	shalt  }
0x54: {  	_ =	shalt  }
0x55: {  	_ =	shalt  }
0x56: {  	_ =	shalt  }
0x57: {  	_ =	shalt  }
0x58: {  	_ =	shalt  }
0x59: {  	_ =	shalt  }
0x5a: {  	_ =	shalt  }
0x5b: {  	_ =	shalt  }
0x5c: {  	_ =	shalt  }
0x5d: {  	_ =	shalt  }
0x5e: {  	_ =	shalt  }
0x5f: {  	_ =	shalt  }
0x60: {  	_ =	shalt  }
0x61: {  	_ =	shalt  }
0x62: {  	_ =	shalt  }
0x63: {  	_ =	shalt  }
0x64: {  	_ =	shalt  }
0x65: {  	_ =	shalt  }
0x66: {  	_ =	shalt  }
0x67: {  	_ =	shalt  }
0x68: {  	_ =	shalt  }
0x69: {  	_ =	shalt  }
0x6a: {  	_ =	shalt  }
0x6b: {  	_ =	shalt  }
0x6c: {  	_ =	shalt  }
0x6d: {  	_ =	shalt  }
0x6e: {  	_ =	shalt  }
0x6f: {  	_ =	shalt  }
0x70: {  	_ =	shalt  }
0x71: {  	_ =	shalt  }
0x72: {  	_ =	shalt  }
0x73: {  	_ =	shalt  }
0x74: {  	_ =	shalt  }
0x75: {  	_ =	shalt  }
0x76: {  	_ =	shalt  }
0x77: {  	_ =	shalt  }
0x78: {  	_ =	shalt  }
0x79: {  	_ =	shalt  }
0x7a: {  	_ =	shalt  }
0x7b: {  	_ =	shalt  }
0x7c: {  	_ =	shalt  }
0x7d: {  	_ =	shalt  }
0x7e: {  	_ =	shalt  }
0x7f: {  	_ =	shalt  }
0x80: {  	_ =	shalt  }
0x81: {  	_ =	shalt  }
0x82: {  	_ =	shalt  }
0x83: {  	_ =	shalt  }
0x84: {  	_ =	shalt  }
0x85: {  	_ =	shalt  }
0x86: {  	_ =	shalt  }
0x87: {  	_ =	shalt  }
.Lfunc_end0:
.L_simem_size_0:
called_computation.2_lowered:
.L_overlay_start_0:
0x88: {  	s2 =	sld [smem:$0x3FD9]  }
0x89: {  	s3 =	sld [smem:$0x3FFE];
	_ =	sdelay $0x1  }
0x8a: {  	s1 =	srdreg.scid  }
0x8b: {  	s0 =	sand.u32 $0x1, s1  }
0x8c: {  	s17 =	sshll.u32 s0, $0xA;
	s2 =	sadd.s32 s3, s2  }
0x8d: {  	s2 =	sadd.s32 s2, s17  }
0x8e: {  	[smem:$0x3FC6] =	sst s2  }
0x8f: {  	_ = 	snop  }
0x90: {  	s2 =	sld [smem:$0x3FD0];
	(tm) =	ssettm $0x1  }
0x91: {  	s18 =	sld [smem:$0x3FFB];
	_ =	sdelay $0x3  }
0x92: {  	_ =	strace s18  }
0x93: {  	s3 =	sld [smem:$0x3FFC];
	_ =	sdelay $0x3  }
0x94: {  	_ =	strace s3  }
0x95: {  	s3 =	sld [smem:$0x3FFD];
	_ =	sdelay $0x3  }
0x96: {  	_ =	strace s3  }
0x97: {  	_ =	strace $0x8FFFFFFF  }
0x98: {  	s19 =	sld [smem:$0x3FDB];
	_ =	sdelay $0x1  }
0x99: {  	s4 =	simm.s32 $_scs_section_size  }
0x9a: {  	s5 =	simm.s32 $_size__tile_overlayer_lowered;
	s6 =	simm.s32 $_tile_overlayer_lowered  }
0x9b: {  	s22 =	simm.s32 $0x1BFF;
	s21 =	sshll.u32 s6, $0x1;
	s3 =	sadd.s32 s4, s19  }
0x9c: {  	s7 =	simm.s32 $0x0;
	s20 =	sshll.u32 s5, $0x1;
	s5 =	sadd.s32 s21, s3  }
0x9d: {  	[timem:s7], [sflag:s22] =	dma.local [hbm:s5], s20  }
0x9e: {  	_ =	swait.ge [sflag:s22], s20  }
0x9f: {  	s4 =	ssub.s32 $0x0, s20;
	[sflag:s22] =	ssyncset.done $0x0  }
0xa0: {  	[sflag:s22] =	ssyncadd.s32 s4;
	_ =	sdelay $0x1  }
0xa1: {  	s23 =	simm.s32 $0x1B8B  }
0xa2: {  	_ =	swait.ge [sflag:s23], $0x1  }
0xa3: {  	[sflag:s23] =	ssyncset.done $0x0  }
0xa4: {  	s25 =	simm.s32 $0x1B8E;
	s24 =	sld [smem:$0x3FFE];
	[sflag:s23] =	ssyncadd.s32 $0xFFFFFFFF  }
0xa5: {  	s26 =	simm.s32 $execute0_lowered;
	[smem:$0x3FD2] =	sst s25  }
0xa6: {  	s5 =	sshll.u32 s26, $0x1;
	_ =	strace $0x80000049;
	[dreg:$0x1] =	wrdreg $0xFFFFFFFF  }
0xa7: {  	s28 =	simm.s32 $_size_execute0_lowered;
	s3 =	sadd.s32 s3, s5;
	[dreg:$0x0] =	wrdreg $0x0  }
0xa8: {  	s5 =	sshll.u32 s28, $0x1;
	[dreg:$0x2] =	wrdreg s3  }
0xa9: {  	[dreg:$0x3] =	wrdreg s5  }
0xaa: {  	[dreg:$0x4] =	wrdreg $0xC0  }
0xab: {  	_ =	task [dreg:s7], $0x5FFFF  }
0xac: {  	[dreg:$0x1] =	wrdreg $0xFFFFFFFF  }
0xad: {  	[dreg:$0x0] =	wrdreg $0x60  }
0xae: {  	[dreg:$0x2] =	wrdreg s2  }
0xaf: {  	[dreg:$0x3] =	wrdreg s24  }
0xb0: {  	[dreg:$0x4] =	wrdreg $0x9  }
0xb1: {  	_ =	task.clear_ibuf [dreg:s7], $0x5FFFF;
	_ =	strace $0x90000049  }
0xb2: {  	s29 =	simm.s32 $0x9;
	_ =	strace $0x8000004B  }
0xb3: {  	_ =	swait.ge [sflag:s29], $0x1  }
0xb4: {  	[sflag:s29] =	ssyncadd.s32 $0xFFFFFFFF  }
0xb5: {  	_ =	strace $0x9000004B  }
0xb6: {  	_ =	sfence  }
0xb7: {  	s30 =	sld [smem:$0x0];
	_ =	sdelay $0x2  }
0xb8: {  	s31 =	sshll.u32 s1, $0xD;
	s1 =	sshrl.u32 s1, $0x2  }
0xb9: {  	s3 =	sand.u32 $0x4000, s31;
	s1 =	sadd.s32 s1, s30  }
0xba: {  	s0 =	sor.u32 s3, s0;
	s1 =	sshll.u32 s1, $0x11  }
0xbb: {  	s0 =	sor.u32 s1, s0  }
0xbc: {  	s0 =	sadd.s32 $0x8F2B, s0  }
0xbd: {  	[sflag:s0] =	ssyncadd.remote.s32 $0x1  }
0xbe: {  	_ =	sfence.sel $0xFFFF  }
0xbf: {  	[dreg:$0x0] =	wrdreg $0xFFFFFFFF;
	(pc) =	sbr.abs _section_cstart, $3  }
0xc0: {  	[dreg:$0x1] =	wrdreg $0xFFFFFFFF  }
0xc1: {  	_ =	task.clear_ibuf [dreg:s7], $0x2FFFF;
	_ =	strace $0x9FFFFFFF  }
0xc2: {  	(tm) =	ssettm $0x7FFFFFFF  }
0xc3: {  	_ =	shalt  }
tec
execute0_lowered:
.L_overlay_start_1:
0x0: {  	(tag) =	ssettag $0x1  }
0x1: {  	s0 =	rddreg [dreg:$0x0]  }
0x2: {  	s1 =	rddreg [dreg:$0x1]  }
0x3: {  	s3 =	srdreg.scid;
	s11 =	stileid.u32  }
0x4: {  	s2 =	simm.s32 $0x0;
	s12 =	simm.s32 $0x80;
	s13 =	simm.s32 $0x400  }
0x5: {  	s14 =	simm.s32 $0x2800;
	s15 =	simm.s32 $0x100;
	s16 =	simm.s32 $0x4C00  }
0x6: {  	s17 =	simm.s32 $0x180;
	s18 =	simm.s32 $0x7000;
	s28 =	simm.s32 $0x1  }
0x7: {  	s29 =	simm.s32 $0x48;
	s30 =	simm.s32 $0x3;
	s9 =	smul.u32 $0xC8000, s11  }
0x8: {  	s31 =	simm.s32 $0x2;
	s4 =	sand.u32 $0x1, s3;
	s20 =	smul.u32 $0x190, s11  }
0x9: {  	s19 =	sshll.u32 s11, $0x1;
	[smem:$0x7FF] =	sst s2;
	s24 =	smul.u32 $0x640000, s11  }
0xa: {  	s3 =	sadd.s32 $0xE00, s1;
	s1 =	sadd.s32 $0x896400, s1;
	s21 =	smul.u32 $0xC8, s4  }
0xb: {  	s11 =	simm.s32 $0x5;
	s5 =	sor.u32 s4, s19;
	s23 =	smul.u32 $0x64000, s4  }
0xc: {  	_ =	strace $0x8000004A;
	s7 =	ssub.s32 $0x2, s4;
	s4 =	smul.u32 $0x320000, s4  }
0xd: {  	s19 =	simm.s32 $0x200;
	s6 =	smul.u32 $0xC80, s5;
	s8 =	sshrl.u32 s7, $0x1  }
0xe: {  	s5 =	smul.u32 $0x320000, s5;
	s9 =	sadd.s32 s9, s1;
	s7 =	ssub.s32 s7, s8  }
0xf: {  	s25 =	sadd.s32 s23, s9;
	s4 =	sadd.s32 s4, s24;
	s23 =	simm.s32 $0x300  }
0x10: {  	s24 =	simm.s32 $0xDC00;
	s5 =	sshrl.u32 s5, $0x3;
	s10 =	sadd.s32 s0, s6  }
0x11: {  	s6 =	sadd.s32 s21, s20;
	s7 =	smax.u32 s7, $0x1;
	s9 =	sadd.s32 $0x2000, s25  }
0x12: {  	s4 =	sshrl.u32 s4, $0x3;
	s20 =	simm.s32 $0x9400;
	s21 =	simm.s32 $0x280  }
0x13: {  	s25 =	simm.s32 $0x380;
	s5 =	sadd.s32 s1, s5;
	[dreg:$0x5] =	wrdreg s10  }
0x14: {  	s10 =	sadd.s32 $0x40, s10;
	s6 =	sshll.u32 s6, $0x4;
	[dreg:$0x9] =	wrdreg s7  }
0x15: {  	[dreg:$0x6] =	wrdreg s10;
	s22 =	sadd.s32 $0x60000, s5;
	s5 =	sadd.s32 $0x62000, s5  }
0x16: {  	s0 =	sadd.s32 s0, s6;
	s10 =	sadd.s32 s4, s1;
	[dreg:$0x7] =	wrdreg s22  }
0x17: {  	s1 =	simm.s32 $0x0;
	[dreg:$0x8] =	wrdreg s5;
	s26 =	sadd.s32 $0xC0, s0  }
0x18: {  	s0 =	sadd.s32 $0x80, s0;
	s22 =	simm.s32 $0xB800;
	[dreg:$0x3] =	wrdreg s26  }
0x19: {  	[dreg:$0x4] =	wrdreg s0;
	s26 =	simm.s32 $0x10000;
	s0 =	simm.s32 $0x4  }
.LBB2_1:
0x1a: {  	s4 =	rddreg [dreg:$0x5]  }
0x1b: {  	[tilespmem:s2], [sflag:$0x5] =	stream.linear.gather [hbm4b:s4+s2], $0x200, $0x38;
	[tilespmem:$0x12400] =	vst v63  }
0x1c: {  	_ =	swait.ge [sflag:s11], $0x200  }
0x1d: {  	[sflag:s11] =	ssyncset.done $0x0  }
0x1e: {  	[sflag:s11] =	ssyncadd.s32 $0xFFFFFE00  }
0x1f: {  	[tilespmem:s13], [sflag:$0x1] =	stream.indirect.gather [hbm4b:s3+s12], $0x48, s2, s12, $0xb8;
	[tilespmem:$0x12400] =	vst v63  }
0x20: {  	_ = 	snop  }
0x21: {  	[tilespmem:s14], [sflag:$0x1] =	stream.indirect.gather [hbm4b:s3+s12], $0x48, s12, s12, $0xb8;
	[tilespmem:$0x12400] =	vst v63  }
0x22: {  	_ = 	snop  }
0x23: {  	[tilespmem:s16], [sflag:$0x1] =	stream.indirect.gather [hbm4b:s3+s12], $0x48, s15, s12, $0xb8;
	[tilespmem:$0x12400] =	vst v63  }
0x24: {  	_ = 	snop  }
0x25: {  	[tilespmem:s18], [sflag:$0x1] =	stream.indirect.gather [hbm4b:s3+s12], $0x48, s17, s12, $0xb8;
	[tilespmem:$0x12400] =	vst v63  }
0x26: {  	s6 =	rddreg [dreg:$0x6]  }
0x27: {  	[tilespmem:s19], [sflag:$0x5] =	stream.linear.gather [hbm4b:s6+s2], $0x200, $0x38;
	[tilespmem:$0x12400] =	vst v63  }
0x28: {  	_ =	swait.ge [sflag:s11], $0x200  }
0x29: {  	[sflag:s11] =	ssyncset.done $0x0  }
0x2a: {  	[sflag:s11] =	ssyncadd.s32 $0xFFFFFE00  }
0x2b: {  	[tilespmem:s20], [sflag:$0x2] =	stream.indirect.gather [hbm4b:s3+s12], $0x48, s19, s12, $0xb8;
	[tilespmem:$0x12400] =	vst v63  }
0x2c: {  	_ = 	snop  }
0x2d: {  	[tilespmem:s22], [sflag:$0x2] =	stream.indirect.gather [hbm4b:s3+s12], $0x48, s21, s12, $0xb8;
	[tilespmem:$0x12400] =	vst v63  }
0x2e: {  	_ = 	snop  }
0x2f: {  	[tilespmem:s24], [sflag:$0x2] =	stream.indirect.gather [hbm4b:s3+s12], $0x48, s23, s12, $0xb8;
	[tilespmem:$0x12400] =	vst v63  }
0x30: {  	_ = 	snop  }
0x31: {  	[tilespmem:s26], [sflag:$0x2] =	stream.indirect.gather [hbm4b:s3+s12], $0x48, s25, s12, $0xb8;
	[tilespmem:$0x12400] =	vst v63  }
0x32: {  	_ =	swait.ge [sflag:s28], $0x2400  }
0x33: {  	[sflag:s28] =	ssyncset.done $0x0  }
0x34: {  	[sflag:s28] =	ssyncadd.s32 $0xFFFFDC00  }
0x35: {  	_ =	swait.ge [sflag:s28], $0x2400  }
0x36: {  	[sflag:s28] =	ssyncset.done $0x0  }
0x37: {  	[sflag:s28] =	ssyncadd.s32 $0xFFFFDC00  }
0x38: {  	_ =	swait.ge [sflag:s28], $0x2400  }
0x39: {  	[sflag:s28] =	ssyncset.done $0x0  }
0x3a: {  	[sflag:s28] =	ssyncadd.s32 $0xFFFFDC00  }
0x3b: {  	_ =	swait.ge [sflag:s28], $0x2400  }
0x3c: {  	[sflag:s28] =	ssyncset.done $0x0  }
0x3d: {  	[sflag:s28] =	ssyncadd.s32 $0xFFFFDC00  }
0x3e: {  	[hbm4b:s10+s29] =	stream.strided.scatter [tilespmem:s13], [sflag:$0x3], $0x9000, s12, s29, $0x38;
	[tilespmem:$0x12400] =	vst v63  }
0x3f: {  	_ =	swait.ge [sflag:s30], $0x9000  }
0x40: {  	s7 =	rddreg [dreg:$0x4];
	[sflag:s30] =	ssyncset.done $0x0  }
0x41: {  	[sflag:s30] =	ssyncadd.s32 $0xFFFF7000;
	s4 =	sadd.s32 $0x0, s7  }
0x42: {  	[tilespmem:s2], [sflag:$0x5] =	stream.linear.gather [hbm4b:s4+s2], $0x200, $0x38;
	[tilespmem:$0x12400] =	vst v63  }
0x43: {  	_ =	swait.ge [sflag:s11], $0x200  }
0x44: {  	[sflag:s11] =	ssyncset.done $0x0  }
0x45: {  	[sflag:s11] =	ssyncadd.s32 $0xFFFFFE00  }
0x46: {  	[tilespmem:s13], [sflag:$0x1] =	stream.indirect.gather [hbm4b:s3+s12], $0x48, s2, s12, $0xb8;
	[tilespmem:$0x12400] =	vst v63  }
0x47: {  	_ = 	snop  }
0x48: {  	[tilespmem:s14], [sflag:$0x1] =	stream.indirect.gather [hbm4b:s3+s12], $0x48, s12, s12, $0xb8;
	[tilespmem:$0x12400] =	vst v63  }
0x49: {  	_ = 	snop  }
0x4a: {  	[tilespmem:s16], [sflag:$0x1] =	stream.indirect.gather [hbm4b:s3+s12], $0x48, s15, s12, $0xb8;
	[tilespmem:$0x12400] =	vst v63  }
0x4b: {  	_ = 	snop  }
0x4c: {  	[tilespmem:s18], [sflag:$0x1] =	stream.indirect.gather [hbm4b:s3+s12], $0x48, s17, s12, $0xb8;
	[tilespmem:$0x12400] =	vst v63  }
0x4d: {  	_ =	swait.ge [sflag:s31], $0x2400  }
0x4e: {  	[sflag:s31] =	ssyncset.done $0x0  }
0x4f: {  	[sflag:s31] =	ssyncadd.s32 $0xFFFFDC00  }
0x50: {  	_ =	swait.ge [sflag:s31], $0x2400  }
0x51: {  	[sflag:s31] =	ssyncset.done $0x0  }
0x52: {  	[sflag:s31] =	ssyncadd.s32 $0xFFFFDC00  }
0x53: {  	_ =	swait.ge [sflag:s31], $0x2400  }
0x54: {  	[sflag:s31] =	ssyncset.done $0x0  }
0x55: {  	[sflag:s31] =	ssyncadd.s32 $0xFFFFDC00  }
0x56: {  	_ =	swait.ge [sflag:s31], $0x2400  }
0x57: {  	[sflag:s31] =	ssyncset.done $0x0  }
0x58: {  	[sflag:s31] =	ssyncadd.s32 $0xFFFFDC00  }
0x59: {  	[hbm4b:s9+s29] =	stream.strided.scatter [tilespmem:s20], [sflag:$0x4], $0x9000, s12, s29, $0x38;
	[tilespmem:$0x12400] =	vst v63  }
0x5a: {  	_ =	swait.ge [sflag:s0], $0x9000  }
0x5b: {  	s8 =	rddreg [dreg:$0x3];
	[sflag:s0] =	ssyncset.done $0x0  }
0x5c: {  	[sflag:s0] =	ssyncadd.s32 $0xFFFF7000;
	s4 =	sadd.s32 $0x0, s8  }
0x5d: {  	[tilespmem:s19], [sflag:$0x5] =	stream.linear.gather [hbm4b:s4+s2], $0x200, $0x38;
	[tilespmem:$0x12400] =	vst v63  }
0x5e: {  	_ =	swait.ge [sflag:s11], $0x200  }
0x5f: {  	[sflag:s11] =	ssyncset.done $0x0  }
0x60: {  	[sflag:s11] =	ssyncadd.s32 $0xFFFFFE00  }
0x61: {  	[tilespmem:s20], [sflag:$0x2] =	stream.indirect.gather [hbm4b:s3+s12], $0x48, s19, s12, $0xb8;
	[tilespmem:$0x12400] =	vst v63  }
0x62: {  	_ = 	snop  }
0x63: {  	[tilespmem:s22], [sflag:$0x2] =	stream.indirect.gather [hbm4b:s3+s12], $0x48, s21, s12, $0xb8;
	[tilespmem:$0x12400] =	vst v63  }
0x64: {  	s5 =	simm.s32 $0x80;
	s6 =	sadd.s32 $0x4000, s9;
	s7 =	sadd.s32 $0x4000, s10  }
0x65: {  	[tilespmem:s24], [sflag:$0x2] =	stream.indirect.gather [hbm4b:s3+s12], $0x48, s23, s12, $0xb8;
	[tilespmem:$0x12400] =	vst v63  }
.LBB2_2:
0x66: {  	[tilespmem:s26], [sflag:$0x2] =	stream.indirect.gather [hbm4b:s3+s12], $0x48, s25, s12, $0xb8;
	[tilespmem:$0x12400] =	vst v63  }
0x67: {  	_ =	swait.ge [sflag:s28], $0x2400  }
0x68: {  	[sflag:s28] =	ssyncset.done $0x0  }
0x69: {  	[sflag:s28] =	ssyncadd.s32 $0xFFFFDC00  }
0x6a: {  	_ =	swait.ge [sflag:s28], $0x2400  }
0x6b: {  	[sflag:s28] =	ssyncset.done $0x0  }
0x6c: {  	[sflag:s28] =	ssyncadd.s32 $0xFFFFDC00  }
0x6d: {  	_ =	swait.ge [sflag:s28], $0x2400  }
0x6e: {  	[sflag:s28] =	ssyncset.done $0x0  }
0x6f: {  	[sflag:s28] =	ssyncadd.s32 $0xFFFFDC00  }
0x70: {  	_ =	swait.ge [sflag:s28], $0x2400  }
0x71: {  	[sflag:s28] =	ssyncset.done $0x0  }
0x72: {  	[sflag:s28] =	ssyncadd.s32 $0xFFFFDC00  }
0x73: {  	[hbm4b:s7+s29] =	stream.strided.scatter [tilespmem:s13], [sflag:$0x3], $0x9000, s12, s29, $0x38;
	[tilespmem:$0x12400] =	vst v63  }
0x74: {  	_ =	swait.ge [sflag:s30], $0x9000  }
0x75: {  	s4 =	smov.u32 s5;
	s8 =	rddreg [dreg:$0x4];
	[sflag:s30] =	ssyncset.done $0x0  }
0x76: {  	[sflag:s30] =	ssyncadd.s32 $0xFFFF7000;
	s8 =	sadd.s32 s4, s8  }
0x77: {  	[tilespmem:s2], [sflag:$0x5] =	stream.linear.gather [hbm4b:s8+s2], $0x200, $0x38;
	[tilespmem:$0x12400] =	vst v63  }
0x78: {  	_ =	swait.ge [sflag:s11], $0x200  }
0x79: {  	[sflag:s11] =	ssyncset.done $0x0  }
0x7a: {  	[sflag:s11] =	ssyncadd.s32 $0xFFFFFE00  }
0x7b: {  	[tilespmem:s13], [sflag:$0x1] =	stream.indirect.gather [hbm4b:s3+s12], $0x48, s2, s12, $0xb8;
	[tilespmem:$0x12400] =	vst v63  }
0x7c: {  	_ = 	snop  }
0x7d: {  	[tilespmem:s14], [sflag:$0x1] =	stream.indirect.gather [hbm4b:s3+s12], $0x48, s12, s12, $0xb8;
	[tilespmem:$0x12400] =	vst v63  }
0x7e: {  	_ = 	snop  }
0x7f: {  	[tilespmem:s16], [sflag:$0x1] =	stream.indirect.gather [hbm4b:s3+s12], $0x48, s15, s12, $0xb8;
	[tilespmem:$0x12400] =	vst v63  }
0x80: {  	_ = 	snop  }
0x81: {  	[tilespmem:s18], [sflag:$0x1] =	stream.indirect.gather [hbm4b:s3+s12], $0x48, s17, s12, $0xb8;
	[tilespmem:$0x12400] =	vst v63  }
0x82: {  	_ =	swait.ge [sflag:s31], $0x2400  }
0x83: {  	[sflag:s31] =	ssyncset.done $0x0  }
0x84: {  	[sflag:s31] =	ssyncadd.s32 $0xFFFFDC00  }
0x85: {  	_ =	swait.ge [sflag:s31], $0x2400  }
0x86: {  	[sflag:s31] =	ssyncset.done $0x0  }
0x87: {  	[sflag:s31] =	ssyncadd.s32 $0xFFFFDC00  }
0x88: {  	_ =	swait.ge [sflag:s31], $0x2400  }
0x89: {  	[sflag:s31] =	ssyncset.done $0x0  }
0x8a: {  	[sflag:s31] =	ssyncadd.s32 $0xFFFFDC00  }
0x8b: {  	_ =	swait.ge [sflag:s31], $0x2400  }
0x8c: {  	[sflag:s31] =	ssyncset.done $0x0  }
0x8d: {  	[sflag:s31] =	ssyncadd.s32 $0xFFFFDC00  }
0x8e: {  	[hbm4b:s6+s29] =	stream.strided.scatter [tilespmem:s20], [sflag:$0x4], $0x9000, s12, s29, $0x38;
	[tilespmem:$0x12400] =	vst v63  }
0x8f: {  	_ =	swait.ge [sflag:s0], $0x9000  }
0x90: {  	s8 =	rddreg [dreg:$0x3];
	[sflag:s0] =	ssyncset.done $0x0  }
0x91: {  	[sflag:s0] =	ssyncadd.s32 $0xFFFF7000;
	s4 =	sadd.s32 s4, s8  }
0x92: {  	[tilespmem:s19], [sflag:$0x5] =	stream.linear.gather [hbm4b:s4+s2], $0x200, $0x38;
	[tilespmem:$0x12400] =	vst v63  }
0x93: {  	_ =	swait.ge [sflag:s11], $0x200  }
0x94: {  	[sflag:s11] =	ssyncset.done $0x0  }
0x95: {  	p0 =	sne.s32 s5, $0xB80;
	[sflag:s11] =	ssyncadd.s32 $0xFFFFFE00  }
0x96: {  	[tilespmem:s20], [sflag:$0x2] =	stream.indirect.gather [hbm4b:s3+s12], $0x48, s19, s12, $0xb8;
	[tilespmem:$0x12400] =	vst v63  }
.Ltmp0:
0x97: {  	_ = 	snop;
	(pc) =	sbr.rel @p0 .LBB2_2-.Ltmp0, $4  }
0x98: {  	_ = 	snop  }
0x99: {  	[tilespmem:s22], [sflag:$0x2] =	stream.indirect.gather [hbm4b:s3+s12], $0x48, s21, s12, $0xb8;
	[tilespmem:$0x12400] =	vst v63  }
0x9a: {  	s5 =	sadd.s32 $0x80, s5;
	s7 =	sadd.s32 $0x4000, s7;
	s6 =	sadd.s32 $0x4000, s6  }
0x9b: {  	[tilespmem:s24], [sflag:$0x2] =	stream.indirect.gather [hbm4b:s3+s12], $0x48, s23, s12, $0xb8;
	[tilespmem:$0x12400] =	vst v63  }
0x9c: {  	[tilespmem:s26], [sflag:$0x2] =	stream.indirect.gather [hbm4b:s3+s12], $0x48, s25, s12, $0xb8;
	[tilespmem:$0x12400] =	vst v63  }
0x9d: {  	_ =	swait.ge [sflag:s28], $0x2400  }
0x9e: {  	[sflag:s28] =	ssyncset.done $0x0  }
0x9f: {  	[sflag:s28] =	ssyncadd.s32 $0xFFFFDC00  }
0xa0: {  	_ =	swait.ge [sflag:s28], $0x2400  }
0xa1: {  	[sflag:s28] =	ssyncset.done $0x0  }
0xa2: {  	[sflag:s28] =	ssyncadd.s32 $0xFFFFDC00  }
0xa3: {  	_ =	swait.ge [sflag:s28], $0x2400  }
0xa4: {  	[sflag:s28] =	ssyncset.done $0x0  }
0xa5: {  	[sflag:s28] =	ssyncadd.s32 $0xFFFFDC00  }
0xa6: {  	_ =	swait.ge [sflag:s28], $0x2400  }
0xa7: {  	[sflag:s28] =	ssyncset.done $0x0  }
0xa8: {  	s4 =	rddreg [dreg:$0x7];
	[sflag:s28] =	ssyncadd.s32 $0xFFFFDC00  }
0xa9: {  	[hbm4b:s4+s29] =	stream.strided.scatter [tilespmem:s13], [sflag:$0x3], $0x9000, s12, s29, $0x38;
	[tilespmem:$0x12400] =	vst v63  }
0xaa: {  	_ =	swait.ge [sflag:s30], $0x9000  }
0xab: {  	[sflag:s30] =	ssyncset.done $0x0  }
0xac: {  	[sflag:s30] =	ssyncadd.s32 $0xFFFF7000  }
0xad: {  	_ =	swait.ge [sflag:s31], $0x2400  }
0xae: {  	[sflag:s31] =	ssyncset.done $0x0  }
0xaf: {  	[sflag:s31] =	ssyncadd.s32 $0xFFFFDC00  }
0xb0: {  	_ =	swait.ge [sflag:s31], $0x2400  }
0xb1: {  	[sflag:s31] =	ssyncset.done $0x0  }
0xb2: {  	[sflag:s31] =	ssyncadd.s32 $0xFFFFDC00  }
0xb3: {  	_ =	swait.ge [sflag:s31], $0x2400  }
0xb4: {  	[sflag:s31] =	ssyncset.done $0x0  }
0xb5: {  	[sflag:s31] =	ssyncadd.s32 $0xFFFFDC00  }
0xb6: {  	_ =	swait.ge [sflag:s31], $0x2400  }
0xb7: {  	[sflag:s31] =	ssyncset.done $0x0  }
0xb8: {  	s7 =	rddreg [dreg:$0x8];
	[sflag:s31] =	ssyncadd.s32 $0xFFFFDC00  }
0xb9: {  	[hbm4b:s7+s29] =	stream.strided.scatter [tilespmem:s20], [sflag:$0x4], $0x9000, s12, s29, $0x38;
	[tilespmem:$0x12400] =	vst v63  }
0xba: {  	_ =	swait.ge [sflag:s0], $0x9000  }
0xbb: {  	s1 =	sadd.s32 $0x1, s1;
	s8 =	rddreg [dreg:$0x9]  }
0xbc: {  	p0 =	sne.s32 s1, s8  }
.Ltmp1:
0xbd: {  	_ = 	snop;
	(pc) =	sbr.rel @p0 .LBB2_1-.Ltmp1, $3  }
0xbe: {  	_ =	sdelay $0x1  }
0xbf: {  	[sflag:s0] =	ssyncset.done $0x0  }
0xc0: {  	[sflag:s0] =	ssyncadd.s32 $0xFFFF7000  }
0xc1: {  	_ =	sfence.sel $0x180000  }
0xc2: {  	[bflag:$0x0] =	sbarrier.arrive $0xFFFF  }
0xc3: {  	_ =	strace $0x9000004A  }
0xc4: {  	s0 =	stileid.u32;
	[bflag:$0x2] =	sbarrier.arrive $0xFFFF  }
0xc5: {  	p0 =	sne.s32 s0, $0x0;
	s0 =	rddreg [dreg:$0x2]  }
0xc6: {  	s0 =	sadd.s32 @!p0 $0x100000, s0  }
0xc7: {  	[sflag:s0] =	ssyncadd.tile.s32 @!p0 $0x1;
	_ =	shalt  }
.Lfunc_end2:
_tile_overlayer_lowered:
.L_overlay_start_2:
0xc8: {  	(tag) =	ssettag $0x2  }
0xc9: {  	s0 =	rddreg [dreg:$0x0];
	s2 =	stileid.u32  }
0xca: {  	s1 =	rddreg [dreg:$0x1];
	p0 =	sne.s32 s2, $0x0  }
0xcb: {  	s3 =	rddreg [dreg:$0x2];
	[bflag:$0x3] =	sbarrier.arrive $0xFFFF;
	s2 =	simm.s32 @!p0 $0x1C05  }
0xcc: {  	[timem:s3], [sflag:s2] =	dma.local @!p0 [hbm:s0], s1  }
0xcd: {  	s0 =	simm.s32 @!p0 $0x5  }
0xce: {  	_ =	swait.ge @!p0 [sflag:s0], s1  }
0xcf: {  	s1 =	ssub.s32 @!p0 $0x0, s1;
	[sflag:s0] =	ssyncset.done @!p0 $0x0  }
0xd0: {  	[sflag:s0] =	ssyncadd.s32 @!p0 s1  }
0xd1: {  	[bflag:$0x3] =	sbarrier.arrive $0xFFFF  }
0xd2: {  	_ =	shalt  }

// kernel: sparse-core-data-format-call.cloned.1.call-start
scs
called_computation_lowered:
.L_overlay_start_0:
0x0: {  	s2 =	sld [smem:$0x3FD9]  }
0x1: {  	s3 =	sld [smem:$0x3FFE];
	_ =	sdelay $0x1  }
0x2: {  	s1 =	srdreg.scid  }
0x3: {  	s0 =	sand.u32 $0x1, s1  }
0x4: {  	s18 =	sshll.u32 s0, $0xA;
	s2 =	sadd.s32 s3, s2  }
0x5: {  	s2 =	sadd.s32 s2, s18  }
0x6: {  	[smem:$0x3FC6] =	sst s2  }
0x7: {  	_ = 	snop  }
0x8: {  	s2 =	sld [smem:$0x3FD0];
	(tm) =	ssettm $0x1  }
0x9: {  	s19 =	sld [smem:$0x3FFB];
	_ =	sdelay $0x3  }
0xa: {  	_ =	strace s19  }
0xb: {  	s3 =	sld [smem:$0x3FFC];
	_ =	sdelay $0x3  }
0xc: {  	_ =	strace s3  }
0xd: {  	s3 =	sld [smem:$0x3FFD];
	_ =	sdelay $0x3  }
0xe: {  	_ =	strace s3  }
0xf: {  	_ =	strace $0x8FFFFFFF  }
0x10: {  	s20 =	sld [smem:$0x3FDB];
	_ =	sdelay $0x1  }
0x11: {  	s4 =	simm.s32 $_scs_section_size  }
0x12: {  	s5 =	simm.s32 $_size__tile_overlayer_lowered;
	s6 =	simm.s32 $_tile_overlayer_lowered  }
0x13: {  	s23 =	simm.s32 $0x1BFF;
	s22 =	sshll.u32 s6, $0x1;
	s3 =	sadd.s32 s4, s20  }
0x14: {  	s7 =	simm.s32 $0x0;
	s21 =	sshll.u32 s5, $0x1;
	s5 =	sadd.s32 s22, s3  }
0x15: {  	[timem:s7], [sflag:s23] =	dma.local [hbm:s5], s21  }
0x16: {  	_ =	swait.ge [sflag:s23], s21  }
0x17: {  	s4 =	ssub.s32 $0x0, s21;
	[sflag:s23] =	ssyncset.done $0x0  }
0x18: {  	[sflag:s23] =	ssyncadd.s32 s4;
	_ =	sdelay $0x1  }
0x19: {  	s24 =	simm.s32 $0x1B8B  }
0x1a: {  	_ =	swait.ge [sflag:s24], $0x1  }
0x1b: {  	[sflag:s24] =	ssyncset.done $0x0  }
0x1c: {  	s26 =	simm.s32 $0x1B8E;
	s25 =	sld [smem:$0x3FFE];
	[sflag:s24] =	ssyncadd.s32 $0xFFFFFFFF  }
0x1d: {  	s27 =	simm.s32 $execute0_lowered;
	[smem:$0x3FD2] =	sst s26  }
0x1e: {  	s5 =	sshll.u32 s27, $0x1;
	_ =	strace $0x8000004C;
	[dreg:$0x1] =	wrdreg $0xFFFFFFFF  }
0x1f: {  	s28 =	simm.s32 $_size_execute0_lowered;
	s3 =	sadd.s32 s3, s5;
	[dreg:$0x0] =	wrdreg $0x0  }
0x20: {  	s5 =	sshll.u32 s28, $0x1;
	[dreg:$0x2] =	wrdreg s3  }
0x21: {  	[dreg:$0x3] =	wrdreg s5  }
0x22: {  	[dreg:$0x4] =	wrdreg $0xC0  }
0x23: {  	_ =	task [dreg:s7], $0x5FFFF  }
0x24: {  	[dreg:$0x1] =	wrdreg $0xFFFFFFFF  }
0x25: {  	[dreg:$0x0] =	wrdreg $0x60  }
0x26: {  	[dreg:$0x2] =	wrdreg s25  }
0x27: {  	[dreg:$0x3] =	wrdreg s2  }
0x28: {  	[dreg:$0x4] =	wrdreg $0x9  }
0x29: {  	_ =	task.clear_ibuf [dreg:s7], $0x5FFFF;
	_ =	strace $0x9000004C  }
0x2a: {  	s29 =	simm.s32 $0x9;
	_ =	strace $0x8000004E  }
0x2b: {  	_ =	swait.ge [sflag:s29], $0x1  }
0x2c: {  	[sflag:s29] =	ssyncadd.s32 $0xFFFFFFFF  }
0x2d: {  	_ =	strace $0x9000004E  }
0x2e: {  	_ =	sfence  }
0x2f: {  	s30 =	sld [smem:$0x0];
	_ =	sdelay $0x2  }
0x30: {  	s31 =	sshll.u32 s1, $0xD;
	s1 =	sshrl.u32 s1, $0x2  }
0x31: {  	s3 =	sand.u32 $0x4000, s31;
	s1 =	sadd.s32 s1, s30  }
0x32: {  	s0 =	sor.u32 s3, s0;
	s1 =	sshll.u32 s1, $0x11  }
0x33: {  	s0 =	sor.u32 s1, s0  }
0x34: {  	s0 =	sadd.s32 $0x8F2B, s0  }
0x35: {  	[sflag:s0] =	ssyncadd.remote.s32 $0x1  }
0x36: {  	_ =	sfence.sel $0xFFFF  }
0x37: {  	[dreg:$0x0] =	wrdreg $0xFFFFFFFF;
	(pc) =	sbr.abs _section_cstart, $3  }
0x38: {  	[dreg:$0x1] =	wrdreg $0xFFFFFFFF  }
0x39: {  	_ =	task.clear_ibuf [dreg:s7], $0x2FFFF;
	_ =	strace $0x9FFFFFFF  }
0x3a: {  	(tm) =	ssettm $0x7FFFFFFF  }
0x3b: {  	_ =	shalt  }
tec
execute0_lowered:
.L_overlay_start_1:
0x0: {  	(tag) =	ssettag $0x1  }
0x1: {  	s0 =	srdreg.scid  }
0x2: {  	s1 =	sshll.u32 s0, $0x4  }
0x3: {  	s0 =	stileid.u32;
	s1 =	sand.u32 $0x10, s1  }
0x4: {  	s1 =	sor.u32 s0, s1  }
0x5: {  	s6 =	rddreg [dreg:$0x0];
	s4 =	simm.s32 $0x1;
	s2 =	sshll.u32 s1, $0x7  }
0x6: {  	s7 =	simm.s32 $0x2;
	s12 =	simm.s32 $0x0;
	s1 =	ssub.s32 $0x1000, s2  }
0x7: {  	s8 =	simm.s32 $0x8000;
	s13 =	simm.s32 $0x0;
	s3 =	sand.u32 $0xF80, s1  }
0x8: {  	s9 =	simm.s32 $0x0;
	s5 =	sshrl.u32 s1, $0xC;
	p0 =	sne.s32 s3, $0x0  }
.Ltmp0:
0x9: {  	s1 =	rddreg [dreg:$0x2];
	s4 =	simm.s32 @!p0 $0x0;
	(pc) =	sbr.rel .LBB1_1-.Ltmp0, $4  }
0xa: {  	s11 =	simm.s32 $0x0;
	s3 =	rddreg [dreg:$0x1];
	s5 =	sadd.s32 s4, s5  }
0xb: {  	_ =	strace $0x8000004D;
	s4 =	simm.s32 $0x1;
	s5 =	smul.u32 $0xC8, s5  }
0xc: {  	s6 =	sadd.s32 $0x896400, s6;
	s10 =	smov.u32 s2;
	[sflag:s4] =	ssyncpa.u1 $0x0  }
0xd: {  	p0 =	por $0x0, $0x0;
	[sflag:s7] =	ssyncpa.u1 $0x0;
	s7 =	sor.u32 $0x1, s5  }
.LBB1_4:
0xe: {  	s16 =	sshll.u32 s13, $0x3;
	s17 =	sand.u32 $0x78, s13  }
0xf: {  	s30 =	sand.u32 $0x7E00, s13;
	s12 =	sshll.u32 s12, $0xF;
	s16 =	sand.u32 $0xC00, s16  }
0x10: {  	[tilespmem:s15+$0x810 ss:$0x81] =	vst.msk $0xffff, v2;
	s31 =	sand.u32 $0x7, s13;
	s16 =	sor.u32 s17, s16;
	s17 =	sadd.s32 s3, s30  }
0x11: {  	[tilespmem:s15+$0x1020 ss:$0x81] =	vst.msk $0xffff, v0;
	s13 =	sshll.u32 s31, $0x12;
	s12 =	sadd.s32 s12, s17;
	s16 =	sshrl.u32 s16, $0x3  }
0x12: {  	[tilespmem:s15+$0x0 ss:$0x81] =	vst.msk $0xffff, v1;
	s13 =	sor.u32 $0x400, s13;
	s12 =	sadd.s32 s16, s12  }
0x13: {  	[hbm4b:s12+s13] =	stream.strided.scatter [tilespmem:s14], [sflag:$0x2], $0x2000, s8, s13, $0x20;
	[tilespmem:$0x8080] =	vst v63  }
.LBB1_5:
0x14: {  	s14 =	sadd.s32 $0x1, s9  }
0x15: {  	s12 =	sadd.s32 $0x1000, s10;
	s16 =	smov.u32 s10;
	p2 =	sgt.s32 s14, $0xC7  }
0x16: {  	s16 =	smov.u32 @p2 s12  }
0x17: {  	s14 =	simm.s32 @p2 $0x0;
	p2 =	sgt.s32 s16, $0xFFF  }
0x18: {  	s16 =	smov.u32 @p2 s2;
	p2 =	sne.s32 s11, s7  }
.Ltmp1:
0x19: {  	p1 =	slt.u32 s11, $0x2;
	(pc) =	sbr.rel @!p2 .LBB1_6-.Ltmp1, $4  }
0x1a: {  	s15 =	simm.s32 @!p1 $0x2  }
0x1b: {  	s13 =	smov.u32 s10;
	p0 =	por !p0, !p0;
	_ =	swait.ge @!p1 [sflag:s15], $0x2000  }
0x1c: {  	s12 =	smov.u32 s9;
	[sflag:s15] =	ssyncset.done @!p1 $0x0;
	s9 =	smov.u32 s14  }
0x1d: {  	s11 =	sadd.s32 $0x1, s11;
	[sflag:s15] =	ssyncadd.s32 @!p1 $0xFFFFE000;
	s10 =	smov.u32 s16  }
.LBB1_1:
0x1e: {  	p1 =	sge.u32 s11, s5  }
0x1f: {  	s14 =	sand.u32 @!p1 $0x1FFFFFF, s9  }
0x20: {  	s15 =	smulhi.u32 @!p1 $0x147AE15, s14;
	_ =	sdelay $0x1  }
0x21: {  	s15 =	smul.u32 @!p1 $0xC8, s15  }
0x22: {  	s16 =	sxor.u32 @!p1 $0xFFFFFFFF, s11;
	s17 =	smul.u32 @!p1 $0xC80, s10  }
0x23: {  	s31 =	sadd.s32 $0xFFFFFFFF, s11;
	s16 =	sshll.u32 @!p1 s16, $0xD;
	s14 =	ssub.s32 @!p1 s14, s15  }
0x24: {  	s15 =	sand.u32 @!p1 $0x2000, s16;
	s16 =	sadd.s32 @!p1 s6, s17;
	s14 =	sshll.u32 @!p1 s14, $0x4  }
0x25: {  	s17 =	simm.s32 @!p1 $0x6400;
	s14 =	sadd.s32 @!p1 s14, s16;
	s16 =	simm.s32 @!p1 $0x40  }
0x26: {  	[tilespmem:s15], [sflag:$0x1] =	stream.strided.gather @!p1 [hbm4b:s14+s16], $0x2000, s17, s16, $0x38;
	[tilespmem:$0x8080] =	vst v63  }
0x27: {  	p1 =	sge.u32 s31, s5  }
.Ltmp2:
0x28: {  	_ = 	snop;
	(pc) =	sbr.rel @p1 .LBB1_5-.Ltmp2, $1  }
0x29: {  	_ =	sdelay $0x3  }
0x2a: {  	s14 =	simm.s32 $0x1  }
0x2b: {  	_ =	swait.ge [sflag:s4], $0x2000;
	s14 =	simm.s32 @!p0 $0x0  }
0x2c: {  	[sflag:s4] =	ssyncset.done $0x0;
	s15 =	sshll.u32 s14, $0xD  }
0x2d: {  	[sflag:s4] =	ssyncadd.s32 $0xFFFFE000;
	s18 =	sor.u32 $0x20, s15  }
0x2e: {  	s14 =	smul.u32 $0x8100, s14;
	v3 =	vld [tilespmem:s18+$0x10]  }
0x2f: {  	s30 =	sand.u32 $0x1, s11;
	v2 =	vld [tilespmem:s18+$0xFFFFFFF0]  }
0x30: {  	s15 =	smul.u32 $0x8100, s30;
	s14 =	sshrl.u32 s14, $0x2;
	v0 =	vld [tilespmem:s18+$0x0]  }
0x31: {  	v1 =	vld [tilespmem:s18+$0xFFFFFFE0];
	s16 =	sor.u32 $0x4000, s14  }
0x32: {  	s31 =	sshrl.u32 s15, $0x2;
	s15 =	sadd.s32 $0x0, s16  }
0x33: {  	s17 =	simm.s32 $0x4;
	s18 =	sadd.s32 $0x40, s18;
	s14 =	sor.u32 $0x4000, s31;
	[tilespmem:s15+$0x1830 ss:$0x81] =	vst.msk $0xffff, v3  }
.LBB1_3:
0x34: {  	v3 =	vld [tilespmem:s18+$0x10];
	p1 =	sne.s32 s17, $0x1FC;
	[tilespmem:s15+$0x810 ss:$0x81] =	vst.msk $0xffff, v2;
	s19 =	smov.u32 s17;
	s17 =	sadd.s32 $0x4, s17  }
.Ltmp3:
0x35: {  	v2 =	vld [tilespmem:s18+$0xFFFFFFF0];
	[tilespmem:s15+$0x1020 ss:$0x81] =	vst.msk $0xffff, v0;
	(pc) =	sbr.rel @p1 .LBB1_3-.Ltmp3, $4  }
0x36: {  	v0 =	vld [tilespmem:s18+$0x0];
	[tilespmem:s15+$0x0 ss:$0x81] =	vst.msk $0xffff, v1  }
0x37: {  	s15 =	sshra.s32 s19, $0x2;
	v1 =	vld [tilespmem:s18+$0xFFFFFFE0]  }
0x38: {  	s15 =	sadd.s32 s15, s16  }
0x39: {  	s18 =	sadd.s32 $0x40, s18;
	[tilespmem:s15+$0x1830 ss:$0x81] =	vst.msk $0xffff, v3  }
.Ltmp4:
0x3a: {  	_ = 	snop;
	(pc) =	sbr.rel .LBB1_4-.Ltmp4, $1  }
0x3b: {  	_ =	sdelay $0x3  }
.LBB1_6:
0x3c: {  	_ =	sfence.sel $0x180000  }
0x3d: {  	s2 =	simm.s32 $0x1;
	[bflag:$0x0] =	sbarrier.arrive $0xFFFF  }
0x3e: {  	s31 =	simm.s32 $0x2;
	[sflag:s2] =	ssyncpa.u1 $0x1  }
0x3f: {  	[sflag:s31] =	ssyncpa.u1 $0x1  }
0x40: {  	p0 =	sne.s32 s0, $0x0;
	_ =	strace $0x9000004D  }
0x41: {  	s0 =	sadd.s32 @!p0 $0x100000, s1;
	[bflag:$0x2] =	sbarrier.arrive $0xFFFF  }
0x42: {  	[sflag:s0] =	ssyncadd.tile.s32 @!p0 $0x1;
	_ =	shalt  }
.Lfunc_end1:
_tile_overlayer_lowered:
.L_overlay_start_2:
0x43: {  	(tag) =	ssettag $0x2  }
0x44: {  	s0 =	rddreg [dreg:$0x0];
	s2 =	stileid.u32  }
0x45: {  	s1 =	rddreg [dreg:$0x1];
	p0 =	sne.s32 s2, $0x0  }
0x46: {  	s3 =	rddreg [dreg:$0x2];
	[bflag:$0x3] =	sbarrier.arrive $0xFFFF;
	s2 =	simm.s32 @!p0 $0x1C01  }
0x47: {  	[timem:s3], [sflag:s2] =	dma.local @!p0 [hbm:s0], s1  }
0x48: {  	s0 =	simm.s32 @!p0 $0x1  }
0x49: {  	_ =	swait.ge @!p0 [sflag:s0], s1  }
0x4a: {  	s1 =	ssub.s32 @!p0 $0x0, s1;
	[sflag:s0] =	ssyncset.done @!p0 $0x0  }
0x4b: {  	[sflag:s0] =	ssyncadd.s32 @!p0 s1  }
0x4c: {  	[bflag:$0x3] =	sbarrier.arrive $0xFFFF  }
0x4d: {  	_ =	shalt  }

</sc_bundles>
